<compile_context>
chip_gen: v7x
topology: tpu7x:2x2x1
jax: 0.10.2.dev20260603
libtpu: 0.0.44.dev20260713+nightly
codegen_flags: <defaults>
</compile_context>

<pallas_src>
import functools

import jax
import jax.numpy as jnp
from jax import lax
from jax.experimental import pallas as pl
from jax.experimental.pallas import tpu as pltpu
from jax.experimental.pallas import tpu_sc as plsc

VOCAB = 1000000
EMBED = 32
SEQ = 50
NROWS = 16384
NUM_CORES = 2
NUM_SUBCORES = 16
E_PER_CORE = EMBED // NUM_CORES
I_PER_TILE = NROWS // NUM_SUBCORES
IDX_PER_TILE = SEQ * I_PER_TILE
J_GROUP = 5
N_GROUPS = SEQ // J_GROUP
G_ELEMS = J_GROUP * I_PER_TILE
_mesh = plsc.VectorSubcoreMesh(core_axis_name="c", subcore_axis_name="s")


@functools.partial(
    pl.kernel,
    out_type=jax.ShapeDtypeStruct((SEQ, EMBED, NROWS), jnp.float32),
    mesh=_mesh,
    scratch_types=[
        pltpu.VMEM((IDX_PER_TILE,), jnp.int32),
        pltpu.VMEM((G_ELEMS,), jnp.float32),
        pltpu.VMEM((G_ELEMS,), jnp.float32),
        pltpu.VMEM_SHARED((VOCAB,), jnp.float32),
        pltpu.SemaphoreType.DMA,
        pltpu.SemaphoreType.DMA,
        pltpu.SemaphoreType.DMA,
        pltpu.SemaphoreType.DMA,
    ],
    compiler_params=pltpu.CompilerParams(use_tc_tiling_on_sc=True),
)
def _gather_kernel(
    xt_hbm,
    wt_hbm,
    out_hbm,
    idx_v,
    rows_a,
    rows_b,
    w_sh,
    sem_a,
    sem_b,
    semo_a,
    semo_b,
):
    c = lax.axis_index("c")
    s = lax.axis_index("s")
    i0 = s * I_PER_TILE

    def _idx_desc(j):
        return pltpu.make_async_copy(
            xt_hbm.at[j, pl.ds(i0, I_PER_TILE)],
            idx_v.at[pl.ds(j * I_PER_TILE, I_PER_TILE)],
            sem_a,
        )

    def stage_j(j, _):
        _idx_desc(j).start()
        return ()

    def drain_idx(j, _):
        _idx_desc(j).wait()
        return ()

    lax.fori_loop(0, SEQ, stage_j, ())
    lax.fori_loop(0, SEQ, drain_idx, ())

    def e_body(eo, _):
        e = c * E_PER_CORE + eo
        plsc.subcore_barrier()

        @pl.when(s == 0)
        def _load_row():
            pltpu.sync_copy(wt_hbm.at[e], w_sh)

        plsc.subcore_barrier()

        bufs = (rows_a, rows_b)
        gsems = (sem_a, sem_b)
        osems = (semo_a, semo_b)

        def gather_desc(g):
            b = g % 2
            return pltpu.make_async_copy(
                w_sh.at[idx_v.at[pl.ds(g * G_ELEMS, G_ELEMS)]],
                bufs[b],
                gsems[b],
            )

        def write_descs(g):
            b = g % 2
            return [
                pltpu.make_async_copy(
                    bufs[b].at[pl.ds(j * I_PER_TILE, I_PER_TILE)],
                    out_hbm.at[g * J_GROUP + j, e, pl.ds(i0, I_PER_TILE)],
                    osems[b],
                )
                for j in range(J_GROUP)
            ]

        gather_desc(0).start()
        for g in range(N_GROUPS):
            if g + 1 < N_GROUPS:
                if g >= 1:
                    for d in write_descs(g - 1):
                        d.wait()
                gather_desc(g + 1).start()
            gather_desc(g).wait()
            for d in write_descs(g):
                d.start()
        for d in write_descs(N_GROUPS - 2):
            d.wait()
        for d in write_descs(N_GROUPS - 1):
            d.wait()
        return ()

    lax.fori_loop(0, E_PER_CORE, e_body, ())


def kernel(x, W):
    out_t = _gather_kernel(x.T.astype(jnp.int32), W.T)
    return jnp.transpose(out_t, (2, 0, 1))

# --- scband reference (transcript-rebuilt; emitter-appended) ---
"""Pipeline reference for scband-token-vocab-7516192768279 (READ-ONLY COPY).

The authoritative reference and input builder live on the scoring server;
editing this copy changes nothing except your own understanding.
"""

import jax, jax.numpy as jnp
import numpy as np

VOCAB = 1000000
EMBED = 32
INIT_SCALE = 0.01

def setup_inputs(seed: int = 0) -> dict:
    key = jax.random.key(seed)
    k1, k2 = jax.random.split(key)
    x = jax.random.randint(k1, (16384, 50), 0, VOCAB, dtype=jnp.int64) if jax.config.read('jax_enable_x64') else jax.random.randint(k1, (16384, 50), 0, VOCAB, dtype=jnp.int32)
    W = jax.random.uniform(k2, (VOCAB, EMBED), dtype=jnp.float32, minval=-INIT_SCALE, maxval=INIT_SCALE)
    return {"x": x, "W": W}

def reference(x, W):
    # TokenVocab.forward: embedding lookup (logits flag has no effect on output)
    return jnp.take(W, x, axis=0)

if __name__ == "__main__":
    import jax
    _d = setup_inputs()
    print(jax.jit(kernel)(*tuple(_d.values())))

</pallas_src>

<mosaic_0001>
#map = affine_map<(d0, d1) -> (0, 0)>
#map1 = affine_map<(d0, d1) -> (0, 0, 0)>
module attributes {stable_mosaic.version = 14 : i64} {
  func.func @_gather_kernel(%arg0: i32, %arg1: i32, %arg2: memref<50x16384xi32, #tpu.memory_space<hbm>>, %arg3: memref<32x1000000xf32, #tpu.memory_space<hbm>>, %arg4: memref<50x32x16384xf32, #tpu.memory_space<hbm>>, %arg5: memref<51200xi32, #tpu.memory_space<vmem>>, %arg6: memref<5120xf32, #tpu.memory_space<vmem>>, %arg7: memref<5120xf32, #tpu.memory_space<vmem>>, %arg8: memref<1000000xf32, #tpu.memory_space<vmem_shared>>, %arg9: memref<!tpu.dma_semaphore, #tpu.memory_space<semaphore_mem>>, %arg10: memref<!tpu.dma_semaphore, #tpu.memory_space<semaphore_mem>>, %arg11: memref<!tpu.dma_semaphore, #tpu.memory_space<semaphore_mem>>, %arg12: memref<!tpu.dma_semaphore, #tpu.memory_space<semaphore_mem>>) attributes {dimension_semantics = [#tpu.dimension_semantics<core_parallel>, #tpu.dimension_semantics<subcore_parallel>], iteration_bounds = array<i64: 2, 16>, scalar_prefetch = 0 : i64, scratch_operands = 8 : i64, tpu.core_type = #tpu.core_type<sc_vector_subcore>, window_params = [{transform_indices = #map}, {transform_indices = #map}, {transform_indices = #map1}]} {
    %mul3A = arith.constant 1024 : i32
    %mul3A_0 = arith.muli %arg1, %mul3A : i32
    %scan3A = arith.constant 0 : i32
    %scan3A_1 = arith.constant 50 : i32
    %scan3A_2 = arith.addi %scan3A, %scan3A_1 : i32
    %scan3A_3 = arith.constant 1 : i32
    scf.for %scan3A_15 = %scan3A to %scan3A_2 step %scan3A_3  : i32 {
      %mul3A_16 = arith.constant 1024 : i32
      %mul3A_17 = arith.muli %scan3A_15, %mul3A_16 : i32
      %dma_start3A = tpu.memref_slice %arg5[%mul3A_17] : memref<51200xi32, #tpu.memory_space<vmem>> -> memref<1024xi32, #tpu.memory_space<vmem>>
      %dma_start3A_18 = tpu.memref_slice %arg2[%scan3A_15, %mul3A_0] : memref<50x16384xi32, #tpu.memory_space<hbm>> -> memref<1x1024xi32, #tpu.memory_space<hbm>>
      %dma_start3A_19 = tpu.memref_squeeze %dma_start3A_18 : memref<1x1024xi32, #tpu.memory_space<hbm>> -> memref<1024xi32, #tpu.memory_space<hbm>>
      %dma_start3A_20 = tpu.memref_slice %arg5[%mul3A_17] : memref<51200xi32, #tpu.memory_space<vmem>> -> memref<1024xi32, #tpu.memory_space<vmem>>
      %dma_start3A_21 = tpu.memref_slice %arg2[%scan3A_15, %mul3A_0] : memref<50x16384xi32, #tpu.memory_space<hbm>> -> memref<1x1024xi32, #tpu.memory_space<hbm>>
      %dma_start3A_22 = tpu.memref_squeeze %dma_start3A_21 : memref<1x1024xi32, #tpu.memory_space<hbm>> -> memref<1024xi32, #tpu.memory_space<hbm>>
      tpu.enqueue_dma source(%dma_start3A_22 : memref<1024xi32, #tpu.memory_space<hbm>>) target(%dma_start3A_20 : memref<1024xi32, #tpu.memory_space<vmem>>) target_semaphore(%arg9 : memref<!tpu.dma_semaphore, #tpu.memory_space<semaphore_mem>>)
    }
    %scan3A_4 = arith.constant 50 : i32
    %scan3A_5 = arith.constant 0 : i32
    %scan3A_6 = arith.constant 50 : i32
    %scan3A_7 = arith.addi %scan3A_5, %scan3A_6 : i32
    %scan3A_8 = arith.constant 1 : i32
    scf.for %scan3A_15 = %scan3A_5 to %scan3A_7 step %scan3A_8  : i32 {
      %mul3A_16 = arith.constant 1024 : i32
      %mul3A_17 = arith.muli %scan3A_15, %mul3A_16 : i32
      %dma_wait3A = tpu.memref_slice %arg5[%mul3A_17] : memref<51200xi32, #tpu.memory_space<vmem>> -> memref<1024xi32, #tpu.memory_space<vmem>>
      %dma_wait3A_18 = tpu.memref_slice %arg2[%scan3A_15, %mul3A_0] : memref<50x16384xi32, #tpu.memory_space<hbm>> -> memref<1x1024xi32, #tpu.memory_space<hbm>>
      %dma_wait3A_19 = tpu.memref_squeeze %dma_wait3A_18 : memref<1x1024xi32, #tpu.memory_space<hbm>> -> memref<1024xi32, #tpu.memory_space<hbm>>
      %dma_wait3A_20 = tpu.memref_slice %arg5[%mul3A_17] : memref<51200xi32, #tpu.memory_space<vmem>> -> memref<1024xi32, #tpu.memory_space<vmem>>
      %dma_wait3A_21 = tpu.memref_slice %arg2[%scan3A_15, %mul3A_0] : memref<50x16384xi32, #tpu.memory_space<hbm>> -> memref<1x1024xi32, #tpu.memory_space<hbm>>
      %dma_wait3A_22 = tpu.memref_squeeze %dma_wait3A_21 : memref<1x1024xi32, #tpu.memory_space<hbm>> -> memref<1024xi32, #tpu.memory_space<hbm>>
      tpu.wait_dma2 semaphore(%arg9 : memref<!tpu.dma_semaphore, #tpu.memory_space<semaphore_mem>>) src(%dma_wait3A_22 : memref<1024xi32, #tpu.memory_space<hbm>>) dst(%dma_wait3A_20 : memref<1024xi32, #tpu.memory_space<vmem>>)
    }
    %scan3A_9 = arith.constant 50 : i32
    %scan3A_10 = arith.constant 0 : i32
    %scan3A_11 = arith.constant 16 : i32
    %scan3A_12 = arith.addi %scan3A_10, %scan3A_11 : i32
    %scan3A_13 = arith.constant 1 : i32
    scf.for %scan3A_15 = %scan3A_10 to %scan3A_12 step %scan3A_13  : i32 {
      %mul3A_16 = arith.constant 16 : i32
      %mul3A_17 = arith.muli %arg0, %mul3A_16 : i32
      %add3A = arith.addi %mul3A_17, %scan3A_15 : i32
      %barrier3A = arith.constant 0 : index
      tpu.barrier barrier_id(%barrier3A)
      %eq3A = arith.constant 0 : i32
      %eq3A_18 = arith.cmpi eq, %arg1, %eq3A : i32
      %convert_element_type3A = arith.extui %eq3A_18 : i1 to i32
      %cond3A = arith.constant 0 : i32
      %cond3A_19 = arith.cmpi ne, %convert_element_type3A, %cond3A : i32
      scf.if %cond3A_19 {
        "tpu.region"() ({
          %run_scoped3A = tpu.sem_alloc : memref<!tpu.dma_semaphore, #tpu.memory_space<semaphore_mem>>
          %dma_start3A_999 = arith.constant 0 : i32
          %dma_start3A_1000 = tpu.memref_slice %arg3[%add3A, %dma_start3A_999] : memref<32x1000000xf32, #tpu.memory_space<hbm>> -> memref<1x1000000xf32, #tpu.memory_space<hbm>>
          %dma_start3A_1001 = tpu.memref_squeeze %dma_start3A_1000 : memref<1x1000000xf32, #tpu.memory_space<hbm>> -> memref<1000000xf32, #tpu.memory_space<hbm>>
          tpu.enqueue_dma source(%dma_start3A_1001 : memref<1000000xf32, #tpu.memory_space<hbm>>) target(%arg8 : memref<1000000xf32, #tpu.memory_space<vmem_shared>>) target_semaphore(%run_scoped3A : memref<!tpu.dma_semaphore, #tpu.memory_space<semaphore_mem>>)
          %dma_wait3A_1002 = arith.constant 0 : i32
          %dma_wait3A_1003 = tpu.memref_slice %arg3[%add3A, %dma_wait3A_1002] : memref<32x1000000xf32, #tpu.memory_space<hbm>> -> memref<1x1000000xf32, #tpu.memory_space<hbm>>
          %dma_wait3A_1004 = tpu.memref_squeeze %dma_wait3A_1003 : memref<1x1000000xf32, #tpu.memory_space<hbm>> -> memref<1000000xf32, #tpu.memory_space<hbm>>
          tpu.wait_dma2 semaphore(%run_scoped3A : memref<!tpu.dma_semaphore, #tpu.memory_space<semaphore_mem>>) src(%dma_wait3A_1004 : memref<1000000xf32, #tpu.memory_space<hbm>>) dst(%arg8 : memref<1000000xf32, #tpu.memory_space<vmem_shared>>)
          tpu.yield
        }) : () -> ()
      } else {
      }
      %barrier3A_20 = arith.constant 0 : index
      tpu.barrier barrier_id(%barrier3A_20)
      %dma_start3A = arith.constant 0 : i32
      %dma_start3A_21 = tpu.memref_slice %arg5[%dma_start3A] : memref<51200xi32, #tpu.memory_space<vmem>> -> memref<5120xi32, #tpu.memory_space<vmem>>
      %dma_start3A_22 = arith.constant 0 : i32
      %dma_start3A_23 = tpu.memref_slice %arg8[%dma_start3A_22] : memref<1000000xf32, #tpu.memory_space<vmem_shared>> -> memref<1000000xf32, #tpu.memory_space<vmem_shared>>
      tpu.enqueue_indirect_dma source(%dma_start3A_23 : memref<1000000xf32, #tpu.memory_space<vmem_shared>>) target(%arg6 : memref<5120xf32, #tpu.memory_space<vmem>>) offsets(%dma_start3A_21 : memref<5120xi32, #tpu.memory_space<vmem>>) semaphore(%arg9 : memref<!tpu.dma_semaphore, #tpu.memory_space<semaphore_mem>>)
      %dma_start3A_24 = arith.constant 5120 : i32
      %dma_start3A_25 = tpu.memref_slice %arg5[%dma_start3A_24] : memref<51200xi32, #tpu.memory_space<vmem>> -> memref<5120xi32, #tpu.memory_space<vmem>>
      %dma_start3A_26 = arith.constant 0 : i32
      %dma_start3A_27 = tpu.memref_slice %arg8[%dma_start3A_26] : memref<1000000xf32, #tpu.memory_space<vmem_shared>> -> memref<1000000xf32, #tpu.memory_space<vmem_shared>>
      tpu.enqueue_indirect_dma source(%dma_start3A_27 : memref<1000000xf32, #tpu.memory_space<vmem_shared>>) target(%arg7 : memref<5120xf32, #tpu.memory_space<vmem>>) offsets(%dma_start3A_25 : memref<5120xi32, #tpu.memory_space<vmem>>) semaphore(%arg10 : memref<!tpu.dma_semaphore, #tpu.memory_space<semaphore_mem>>)
      %dma_wait3A = arith.constant 0 : i32
      %dma_wait3A_28 = tpu.memref_slice %arg5[%dma_wait3A] : memref<51200xi32, #tpu.memory_space<vmem>> -> memref<5120xi32, #tpu.memory_space<vmem>>
      %dma_wait3A_29 = arith.constant 0 : i32
      %dma_wait3A_30 = tpu.memref_slice %arg8[%dma_wait3A_29] : memref<1000000xf32, #tpu.memory_space<vmem_shared>> -> memref<1000000xf32, #tpu.memory_space<vmem_shared>>
      tpu.wait_indirect_dma semaphore(%arg9 : memref<!tpu.dma_semaphore, #tpu.memory_space<semaphore_mem>>) src(%dma_wait3A_30 : memref<1000000xf32, #tpu.memory_space<vmem_shared>>) dst(%arg6 : memref<5120xf32, #tpu.memory_space<vmem>>)
      %dma_start3A_31 = arith.constant 0 : i32
      %dma_start3A_32 = arith.constant 0 : i32
      %dma_start3A_33 = tpu.memref_slice %arg6[%dma_start3A_32] : memref<5120xf32, #tpu.memory_space<vmem>> -> memref<1024xf32, #tpu.memory_space<vmem>>
      %dma_start3A_34 = tpu.memref_slice %arg4[%dma_start3A_31, %add3A, %mul3A_0] : memref<50x32x16384xf32, #tpu.memory_space<hbm>> -> memref<1x1x1024xf32, #tpu.memory_space<hbm>>
      %dma_start3A_35 = tpu.memref_squeeze %dma_start3A_34 : memref<1x1x1024xf32, #tpu.memory_space<hbm>> -> memref<1024xf32, #tpu.memory_space<hbm>>
      %dma_start3A_36 = tpu.memref_slice %arg4[%dma_start3A_31, %add3A, %mul3A_0] : memref<50x32x16384xf32, #tpu.memory_space<hbm>> -> memref<1x1x1024xf32, #tpu.memory_space<hbm>>
      %dma_start3A_37 = tpu.memref_squeeze %dma_start3A_36 : memref<1x1x1024xf32, #tpu.memory_space<hbm>> -> memref<1024xf32, #tpu.memory_space<hbm>>
      %dma_start3A_38 = arith.constant 0 : i32
      %dma_start3A_39 = tpu.memref_slice %arg6[%dma_start3A_38] : memref<5120xf32, #tpu.memory_space<vmem>> -> memref<1024xf32, #tpu.memory_space<vmem>>
      tpu.enqueue_dma source(%dma_start3A_39 : memref<1024xf32, #tpu.memory_space<vmem>>) target(%dma_start3A_37 : memref<1024xf32, #tpu.memory_space<hbm>>) target_semaphore(%arg11 : memref<!tpu.dma_semaphore, #tpu.memory_space<semaphore_mem>>)
      %dma_start3A_40 = arith.constant 1 : i32
      %dma_start3A_41 = arith.constant 1024 : i32
      %dma_start3A_42 = tpu.memref_slice %arg6[%dma_start3A_41] : memref<5120xf32, #tpu.memory_space<vmem>> -> memref<1024xf32, #tpu.memory_space<vmem>>
      %dma_start3A_43 = tpu.memref_slice %arg4[%dma_start3A_40, %add3A, %mul3A_0] : memref<50x32x16384xf32, #tpu.memory_space<hbm>> -> memref<1x1x1024xf32, #tpu.memory_space<hbm>>
      %dma_start3A_44 = tpu.memref_squeeze %dma_start3A_43 : memref<1x1x1024xf32, #tpu.memory_space<hbm>> -> memref<1024xf32, #tpu.memory_space<hbm>>
      %dma_start3A_45 = tpu.memref_slice %arg4[%dma_start3A_40, %add3A, %mul3A_0] : memref<50x32x16384xf32, #tpu.memory_space<hbm>> -> memref<1x1x1024xf32, #tpu.memory_space<hbm>>
      %dma_start3A_46 = tpu.memref_squeeze %dma_start3A_45 : memref<1x1x1024xf32, #tpu.memory_space<hbm>> -> memref<1024xf32, #tpu.memory_space<hbm>>
      %dma_start3A_47 = arith.constant 1024 : i32
      %dma_start3A_48 = tpu.memref_slice %arg6[%dma_start3A_47] : memref<5120xf32, #tpu.memory_space<vmem>> -> memref<1024xf32, #tpu.memory_space<vmem>>
      tpu.enqueue_dma source(%dma_start3A_48 : memref<1024xf32, #tpu.memory_space<vmem>>) target(%dma_start3A_46 : memref<1024xf32, #tpu.memory_space<hbm>>) target_semaphore(%arg11 : memref<!tpu.dma_semaphore, #tpu.memory_space<semaphore_mem>>)
      %dma_start3A_49 = arith.constant 2 : i32
      %dma_start3A_50 = arith.constant 2048 : i32
      %dma_start3A_51 = tpu.memref_slice %arg6[%dma_start3A_50] : memref<5120xf32, #tpu.memory_space<vmem>> -> memref<1024xf32, #tpu.memory_space<vmem>>
      %dma_start3A_52 = tpu.memref_slice %arg4[%dma_start3A_49, %add3A, %mul3A_0] : memref<50x32x16384xf32, #tpu.memory_space<hbm>> -> memref<1x1x1024xf32, #tpu.memory_space<hbm>>
      %dma_start3A_53 = tpu.memref_squeeze %dma_start3A_52 : memref<1x1x1024xf32, #tpu.memory_space<hbm>> -> memref<1024xf32, #tpu.memory_space<hbm>>
      %dma_start3A_54 = tpu.memref_slice %arg4[%dma_start3A_49, %add3A, %mul3A_0] : memref<50x32x16384xf32, #tpu.memory_space<hbm>> -> memref<1x1x1024xf32, #tpu.memory_space<hbm>>
      %dma_start3A_55 = tpu.memref_squeeze %dma_start3A_54 : memref<1x1x1024xf32, #tpu.memory_space<hbm>> -> memref<1024xf32, #tpu.memory_space<hbm>>
      %dma_start3A_56 = arith.constant 2048 : i32
      %dma_start3A_57 = tpu.memref_slice %arg6[%dma_start3A_56] : memref<5120xf32, #tpu.memory_space<vmem>> -> memref<1024xf32, #tpu.memory_space<vmem>>
      tpu.enqueue_dma source(%dma_start3A_57 : memref<1024xf32, #tpu.memory_space<vmem>>) target(%dma_start3A_55 : memref<1024xf32, #tpu.memory_space<hbm>>) target_semaphore(%arg11 : memref<!tpu.dma_semaphore, #tpu.memory_space<semaphore_mem>>)
      %dma_start3A_58 = arith.constant 3 : i32
      %dma_start3A_59 = arith.constant 3072 : i32
      %dma_start3A_60 = tpu.memref_slice %arg6[%dma_start3A_59] : memref<5120xf32, #tpu.memory_space<vmem>> -> memref<1024xf32, #tpu.memory_space<vmem>>
      %dma_start3A_61 = tpu.memref_slice %arg4[%dma_start3A_58, %add3A, %mul3A_0] : memref<50x32x16384xf32, #tpu.memory_space<hbm>> -> memref<1x1x1024xf32, #tpu.memory_space<hbm>>
      %dma_start3A_62 = tpu.memref_squeeze %dma_start3A_61 : memref<1x1x1024xf32, #tpu.memory_space<hbm>> -> memref<1024xf32, #tpu.memory_space<hbm>>
      %dma_start3A_63 = tpu.memref_slice %arg4[%dma_start3A_58, %add3A, %mul3A_0] : memref<50x32x16384xf32, #tpu.memory_space<hbm>> -> memref<1x1x1024xf32, #tpu.memory_space<hbm>>
      %dma_start3A_64 = tpu.memref_squeeze %dma_start3A_63 : memref<1x1x1024xf32, #tpu.memory_space<hbm>> -> memref<1024xf32, #tpu.memory_space<hbm>>
      %dma_start3A_65 = arith.constant 3072 : i32
      %dma_start3A_66 = tpu.memref_slice %arg6[%dma_start3A_65] : memref<5120xf32, #tpu.memory_space<vmem>> -> memref<1024xf32, #tpu.memory_space<vmem>>
      tpu.enqueue_dma source(%dma_start3A_66 : memref<1024xf32, #tpu.memory_space<vmem>>) target(%dma_start3A_64 : memref<1024xf32, #tpu.memory_space<hbm>>) target_semaphore(%arg11 : memref<!tpu.dma_semaphore, #tpu.memory_space<semaphore_mem>>)
      %dma_start3A_67 = arith.constant 4 : i32
      %dma_start3A_68 = arith.constant 4096 : i32
      %dma_start3A_69 = tpu.memref_slice %arg6[%dma_start3A_68] : memref<5120xf32, #tpu.memory_space<vmem>> -> memref<1024xf32, #tpu.memory_space<vmem>>
      %dma_start3A_70 = tpu.memref_slice %arg4[%dma_start3A_67, %add3A, %mul3A_0] : memref<50x32x16384xf32, #tpu.memory_space<hbm>> -> memref<1x1x1024xf32, #tpu.memory_space<hbm>>
      %dma_start3A_71 = tpu.memref_squeeze %dma_start3A_70 : memref<1x1x1024xf32, #tpu.memory_space<hbm>> -> memref<1024xf32, #tpu.memory_space<hbm>>
      %dma_start3A_72 = tpu.memref_slice %arg4[%dma_start3A_67, %add3A, %mul3A_0] : memref<50x32x16384xf32, #tpu.memory_space<hbm>> -> memref<1x1x1024xf32, #tpu.memory_space<hbm>>
      %dma_start3A_73 = tpu.memref_squeeze %dma_start3A_72 : memref<1x1x1024xf32, #tpu.memory_space<hbm>> -> memref<1024xf32, #tpu.memory_space<hbm>>
      %dma_start3A_74 = arith.constant 4096 : i32
      %dma_start3A_75 = tpu.memref_slice %arg6[%dma_start3A_74] : memref<5120xf32, #tpu.memory_space<vmem>> -> memref<1024xf32, #tpu.memory_space<vmem>>
      tpu.enqueue_dma source(%dma_start3A_75 : memref<1024xf32, #tpu.memory_space<vmem>>) target(%dma_start3A_73 : memref<1024xf32, #tpu.memory_space<hbm>>) target_semaphore(%arg11 : memref<!tpu.dma_semaphore, #tpu.memory_space<semaphore_mem>>)
      %dma_wait3A_76 = arith.constant 0 : i32
      %dma_wait3A_77 = arith.constant 0 : i32
      %dma_wait3A_78 = tpu.memref_slice %arg6[%dma_wait3A_77] : memref<5120xf32, #tpu.memory_space<vmem>> -> memref<1024xf32, #tpu.memory_space<vmem>>
      %dma_wait3A_79 = tpu.memref_slice %arg4[%dma_wait3A_76, %add3A, %mul3A_0] : memref<50x32x16384xf32, #tpu.memory_space<hbm>> -> memref<1x1x1024xf32, #tpu.memory_space<hbm>>
      %dma_wait3A_80 = tpu.memref_squeeze %dma_wait3A_79 : memref<1x1x1024xf32, #tpu.memory_space<hbm>> -> memref<1024xf32, #tpu.memory_space<hbm>>
      %dma_wait3A_81 = tpu.memref_slice %arg4[%dma_wait3A_76, %add3A, %mul3A_0] : memref<50x32x16384xf32, #tpu.memory_space<hbm>> -> memref<1x1x1024xf32, #tpu.memory_space<hbm>>
      %dma_wait3A_82 = tpu.memref_squeeze %dma_wait3A_81 : memref<1x1x1024xf32, #tpu.memory_space<hbm>> -> memref<1024xf32, #tpu.memory_space<hbm>>
      %dma_wait3A_83 = arith.constant 0 : i32
      %dma_wait3A_84 = tpu.memref_slice %arg6[%dma_wait3A_83] : memref<5120xf32, #tpu.memory_space<vmem>> -> memref<1024xf32, #tpu.memory_space<vmem>>
      tpu.wait_dma2 semaphore(%arg11 : memref<!tpu.dma_semaphore, #tpu.memory_space<semaphore_mem>>) src(%dma_wait3A_84 : memref<1024xf32, #tpu.memory_space<vmem>>) dst(%dma_wait3A_82 : memref<1024xf32, #tpu.memory_space<hbm>>)
      %dma_wait3A_85 = arith.constant 1 : i32
      %dma_wait3A_86 = arith.constant 1024 : i32
      %dma_wait3A_87 = tpu.memref_slice %arg6[%dma_wait3A_86] : memref<5120xf32, #tpu.memory_space<vmem>> -> memref<1024xf32, #tpu.memory_space<vmem>>
      %dma_wait3A_88 = tpu.memref_slice %arg4[%dma_wait3A_85, %add3A, %mul3A_0] : memref<50x32x16384xf32, #tpu.memory_space<hbm>> -> memref<1x1x1024xf32, #tpu.memory_space<hbm>>
      %dma_wait3A_89 = tpu.memref_squeeze %dma_wait3A_88 : memref<1x1x1024xf32, #tpu.memory_space<hbm>> -> memref<1024xf32, #tpu.memory_space<hbm>>
      %dma_wait3A_90 = tpu.memref_slice %arg4[%dma_wait3A_85, %add3A, %mul3A_0] : memref<50x32x16384xf32, #tpu.memory_space<hbm>> -> memref<1x1x1024xf32, #tpu.memory_space<hbm>>
      %dma_wait3A_91 = tpu.memref_squeeze %dma_wait3A_90 : memref<1x1x1024xf32, #tpu.memory_space<hbm>> -> memref<1024xf32, #tpu.memory_space<hbm>>
      %dma_wait3A_92 = arith.constant 1024 : i32
      %dma_wait3A_93 = tpu.memref_slice %arg6[%dma_wait3A_92] : memref<5120xf32, #tpu.memory_space<vmem>> -> memref<1024xf32, #tpu.memory_space<vmem>>
      tpu.wait_dma2 semaphore(%arg11 : memref<!tpu.dma_semaphore, #tpu.memory_space<semaphore_mem>>) src(%dma_wait3A_93 : memref<1024xf32, #tpu.memory_space<vmem>>) dst(%dma_wait3A_91 : memref<1024xf32, #tpu.memory_space<hbm>>)
      %dma_wait3A_94 = arith.constant 2 : i32
      %dma_wait3A_95 = arith.constant 2048 : i32
      %dma_wait3A_96 = tpu.memref_slice %arg6[%dma_wait3A_95] : memref<5120xf32, #tpu.memory_space<vmem>> -> memref<1024xf32, #tpu.memory_space<vmem>>
      %dma_wait3A_97 = tpu.memref_slice %arg4[%dma_wait3A_94, %add3A, %mul3A_0] : memref<50x32x16384xf32, #tpu.memory_space<hbm>> -> memref<1x1x1024xf32, #tpu.memory_space<hbm>>
      %dma_wait3A_98 = tpu.memref_squeeze %dma_wait3A_97 : memref<1x1x1024xf32, #tpu.memory_space<hbm>> -> memref<1024xf32, #tpu.memory_space<hbm>>
      %dma_wait3A_99 = tpu.memref_slice %arg4[%dma_wait3A_94, %add3A, %mul3A_0] : memref<50x32x16384xf32, #tpu.memory_space<hbm>> -> memref<1x1x1024xf32, #tpu.memory_space<hbm>>
      %dma_wait3A_100 = tpu.memref_squeeze %dma_wait3A_99 : memref<1x1x1024xf32, #tpu.memory_space<hbm>> -> memref<1024xf32, #tpu.memory_space<hbm>>
      %dma_wait3A_101 = arith.constant 2048 : i32
      %dma_wait3A_102 = tpu.memref_slice %arg6[%dma_wait3A_101] : memref<5120xf32, #tpu.memory_space<vmem>> -> memref<1024xf32, #tpu.memory_space<vmem>>
      tpu.wait_dma2 semaphore(%arg11 : memref<!tpu.dma_semaphore, #tpu.memory_space<semaphore_mem>>) src(%dma_wait3A_102 : memref<1024xf32, #tpu.memory_space<vmem>>) dst(%dma_wait3A_100 : memref<1024xf32, #tpu.memory_space<hbm>>)
      %dma_wait3A_103 = arith.constant 3 : i32
      %dma_wait3A_104 = arith.constant 3072 : i32
      %dma_wait3A_105 = tpu.memref_slice %arg6[%dma_wait3A_104] : memref<5120xf32, #tpu.memory_space<vmem>> -> memref<1024xf32, #tpu.memory_space<vmem>>
      %dma_wait3A_106 = tpu.memref_slice %arg4[%dma_wait3A_103, %add3A, %mul3A_0] : memref<50x32x16384xf32, #tpu.memory_space<hbm>> -> memref<1x1x1024xf32, #tpu.memory_space<hbm>>
      %dma_wait3A_107 = tpu.memref_squeeze %dma_wait3A_106 : memref<1x1x1024xf32, #tpu.memory_space<hbm>> -> memref<1024xf32, #tpu.memory_space<hbm>>
      %dma_wait3A_108 = tpu.memref_slice %arg4[%dma_wait3A_103, %add3A, %mul3A_0] : memref<50x32x16384xf32, #tpu.memory_space<hbm>> -> memref<1x1x1024xf32, #tpu.memory_space<hbm>>
      %dma_wait3A_109 = tpu.memref_squeeze %dma_wait3A_108 : memref<1x1x1024xf32, #tpu.memory_space<hbm>> -> memref<1024xf32, #tpu.memory_space<hbm>>
      %dma_wait3A_110 = arith.constant 3072 : i32
      %dma_wait3A_111 = tpu.memref_slice %arg6[%dma_wait3A_110] : memref<5120xf32, #tpu.memory_space<vmem>> -> memref<1024xf32, #tpu.memory_space<vmem>>
      tpu.wait_dma2 semaphore(%arg11 : memref<!tpu.dma_semaphore, #tpu.memory_space<semaphore_mem>>) src(%dma_wait3A_111 : memref<1024xf32, #tpu.memory_space<vmem>>) dst(%dma_wait3A_109 : memref<1024xf32, #tpu.memory_space<hbm>>)
      %dma_wait3A_112 = arith.constant 4 : i32
      %dma_wait3A_113 = arith.constant 4096 : i32
      %dma_wait3A_114 = tpu.memref_slice %arg6[%dma_wait3A_113] : memref<5120xf32, #tpu.memory_space<vmem>> -> memref<1024xf32, #tpu.memory_space<vmem>>
      %dma_wait3A_115 = tpu.memref_slice %arg4[%dma_wait3A_112, %add3A, %mul3A_0] : memref<50x32x16384xf32, #tpu.memory_space<hbm>> -> memref<1x1x1024xf32, #tpu.memory_space<hbm>>
      %dma_wait3A_116 = tpu.memref_squeeze %dma_wait3A_115 : memref<1x1x1024xf32, #tpu.memory_space<hbm>> -> memref<1024xf32, #tpu.memory_space<hbm>>
      %dma_wait3A_117 = tpu.memref_slice %arg4[%dma_wait3A_112, %add3A, %mul3A_0] : memref<50x32x16384xf32, #tpu.memory_space<hbm>> -> memref<1x1x1024xf32, #tpu.memory_space<hbm>>
      %dma_wait3A_118 = tpu.memref_squeeze %dma_wait3A_117 : memref<1x1x1024xf32, #tpu.memory_space<hbm>> -> memref<1024xf32, #tpu.memory_space<hbm>>
      %dma_wait3A_119 = arith.constant 4096 : i32
      %dma_wait3A_120 = tpu.memref_slice %arg6[%dma_wait3A_119] : memref<5120xf32, #tpu.memory_space<vmem>> -> memref<1024xf32, #tpu.memory_space<vmem>>
      tpu.wait_dma2 semaphore(%arg11 : memref<!tpu.dma_semaphore, #tpu.memory_space<semaphore_mem>>) src(%dma_wait3A_120 : memref<1024xf32, #tpu.memory_space<vmem>>) dst(%dma_wait3A_118 : memref<1024xf32, #tpu.memory_space<hbm>>)
      %dma_start3A_121 = arith.constant 10240 : i32
      %dma_start3A_122 = tpu.memref_slice %arg5[%dma_start3A_121] : memref<51200xi32, #tpu.memory_space<vmem>> -> memref<5120xi32, #tpu.memory_space<vmem>>
      %dma_start3A_123 = arith.constant 0 : i32
      %dma_start3A_124 = tpu.memref_slice %arg8[%dma_start3A_123] : memref<1000000xf32, #tpu.memory_space<vmem_shared>> -> memref<1000000xf32, #tpu.memory_space<vmem_shared>>
      tpu.enqueue_indirect_dma source(%dma_start3A_124 : memref<1000000xf32, #tpu.memory_space<vmem_shared>>) target(%arg6 : memref<5120xf32, #tpu.memory_space<vmem>>) offsets(%dma_start3A_122 : memref<5120xi32, #tpu.memory_space<vmem>>) semaphore(%arg9 : memref<!tpu.dma_semaphore, #tpu.memory_space<semaphore_mem>>)
      %dma_wait3A_125 = arith.constant 5120 : i32
      %dma_wait3A_126 = tpu.memref_slice %arg5[%dma_wait3A_125] : memref<51200xi32, #tpu.memory_space<vmem>> -> memref<5120xi32, #tpu.memory_space<vmem>>
      %dma_wait3A_127 = arith.constant 0 : i32
      %dma_wait3A_128 = tpu.memref_slice %arg8[%dma_wait3A_127] : memref<1000000xf32, #tpu.memory_space<vmem_shared>> -> memref<1000000xf32, #tpu.memory_space<vmem_shared>>
      tpu.wait_indirect_dma semaphore(%arg10 : memref<!tpu.dma_semaphore, #tpu.memory_space<semaphore_mem>>) src(%dma_wait3A_128 : memref<1000000xf32, #tpu.memory_space<vmem_shared>>) dst(%arg7 : memref<5120xf32, #tpu.memory_space<vmem>>)
      %dma_start3A_129 = arith.constant 5 : i32
      %dma_start3A_130 = arith.constant 0 : i32
      %dma_start3A_131 = tpu.memref_slice %arg7[%dma_start3A_130] : memref<5120xf32, #tpu.memory_space<vmem>> -> memref<1024xf32, #tpu.memory_space<vmem>>
      %dma_start3A_132 = tpu.memref_slice %arg4[%dma_start3A_129, %add3A, %mul3A_0] : memref<50x32x16384xf32, #tpu.memory_space<hbm>> -> memref<1x1x1024xf32, #tpu.memory_space<hbm>>
      %dma_start3A_133 = tpu.memref_squeeze %dma_start3A_132 : memref<1x1x1024xf32, #tpu.memory_space<hbm>> -> memref<1024xf32, #tpu.memory_space<hbm>>
      %dma_start3A_134 = tpu.memref_slice %arg4[%dma_start3A_129, %add3A, %mul3A_0] : memref<50x32x16384xf32, #tpu.memory_space<hbm>> -> memref<1x1x1024xf32, #tpu.memory_space<hbm>>
      %dma_start3A_135 = tpu.memref_squeeze %dma_start3A_134 : memref<1x1x1024xf32, #tpu.memory_space<hbm>> -> memref<1024xf32, #tpu.memory_space<hbm>>
      %dma_start3A_136 = arith.constant 0 : i32
      %dma_start3A_137 = tpu.memref_slice %arg7[%dma_start3A_136] : memref<5120xf32, #tpu.memory_space<vmem>> -> memref<1024xf32, #tpu.memory_space<vmem>>
      tpu.enqueue_dma source(%dma_start3A_137 : memref<1024xf32, #tpu.memory_space<vmem>>) target(%dma_start3A_135 : memref<1024xf32, #tpu.memory_space<hbm>>) target_semaphore(%arg12 : memref<!tpu.dma_semaphore, #tpu.memory_space<semaphore_mem>>)
      %dma_start3A_138 = arith.constant 6 : i32
      %dma_start3A_139 = arith.constant 1024 : i32
      %dma_start3A_140 = tpu.memref_slice %arg7[%dma_start3A_139] : memref<5120xf32, #tpu.memory_space<vmem>> -> memref<1024xf32, #tpu.memory_space<vmem>>
      %dma_start3A_141 = tpu.memref_slice %arg4[%dma_start3A_138, %add3A, %mul3A_0] : memref<50x32x16384xf32, #tpu.memory_space<hbm>> -> memref<1x1x1024xf32, #tpu.memory_space<hbm>>
      %dma_start3A_142 = tpu.memref_squeeze %dma_start3A_141 : memref<1x1x1024xf32, #tpu.memory_space<hbm>> -> memref<1024xf32, #tpu.memory_space<hbm>>
      %dma_start3A_143 = tpu.memref_slice %arg4[%dma_start3A_138, %add3A, %mul3A_0] : memref<50x32x16384xf32, #tpu.memory_space<hbm>> -> memref<1x1x1024xf32, #tpu.memory_space<hbm>>
      %dma_start3A_144 = tpu.memref_squeeze %dma_start3A_143 : memref<1x1x1024xf32, #tpu.memory_space<hbm>> -> memref<1024xf32, #tpu.memory_space<hbm>>
      %dma_start3A_145 = arith.constant 1024 : i32
      %dma_start3A_146 = tpu.memref_slice %arg7[%dma_start3A_145] : memref<5120xf32, #tpu.memory_space<vmem>> -> memref<1024xf32, #tpu.memory_space<vmem>>
      tpu.enqueue_dma source(%dma_start3A_146 : memref<1024xf32, #tpu.memory_space<vmem>>) target(%dma_start3A_144 : memref<1024xf32, #tpu.memory_space<hbm>>) target_semaphore(%arg12 : memref<!tpu.dma_semaphore, #tpu.memory_space<semaphore_mem>>)
      %dma_start3A_147 = arith.constant 7 : i32
      %dma_start3A_148 = arith.constant 2048 : i32
      %dma_start3A_149 = tpu.memref_slice %arg7[%dma_start3A_148] : memref<5120xf32, #tpu.memory_space<vmem>> -> memref<1024xf32, #tpu.memory_space<vmem>>
      %dma_start3A_150 = tpu.memref_slice %arg4[%dma_start3A_147, %add3A, %mul3A_0] : memref<50x32x16384xf32, #tpu.memory_space<hbm>> -> memref<1x1x1024xf32, #tpu.memory_space<hbm>>
      %dma_start3A_151 = tpu.memref_squeeze %dma_start3A_150 : memref<1x1x1024xf32, #tpu.memory_space<hbm>> -> memref<1024xf32, #tpu.memory_space<hbm>>
      %dma_start3A_152 = tpu.memref_slice %arg4[%dma_start3A_147, %add3A, %mul3A_0] : memref<50x32x16384xf32, #tpu.memory_space<hbm>> -> memref<1x1x1024xf32, #tpu.memory_space<hbm>>
      %dma_start3A_153 = tpu.memref_squeeze %dma_start3A_152 : memref<1x1x1024xf32, #tpu.memory_space<hbm>> -> memref<1024xf32, #tpu.memory_space<hbm>>
      %dma_start3A_154 = arith.constant 2048 : i32
      %dma_start3A_155 = tpu.memref_slice %arg7[%dma_start3A_154] : memref<5120xf32, #tpu.memory_space<vmem>> -> memref<1024xf32, #tpu.memory_space<vmem>>
      tpu.enqueue_dma source(%dma_start3A_155 : memref<1024xf32, #tpu.memory_space<vmem>>) target(%dma_start3A_153 : memref<1024xf32, #tpu.memory_space<hbm>>) target_semaphore(%arg12 : memref<!tpu.dma_semaphore, #tpu.memory_space<semaphore_mem>>)
      %dma_start3A_156 = arith.constant 8 : i32
      %dma_start3A_157 = arith.constant 3072 : i32
      %dma_start3A_158 = tpu.memref_slice %arg7[%dma_start3A_157] : memref<5120xf32, #tpu.memory_space<vmem>> -> memref<1024xf32, #tpu.memory_space<vmem>>
      %dma_start3A_159 = tpu.memref_slice %arg4[%dma_start3A_156, %add3A, %mul3A_0] : memref<50x32x16384xf32, #tpu.memory_space<hbm>> -> memref<1x1x1024xf32, #tpu.memory_space<hbm>>
      %dma_start3A_160 = tpu.memref_squeeze %dma_start3A_159 : memref<1x1x1024xf32, #tpu.memory_space<hbm>> -> memref<1024xf32, #tpu.memory_space<hbm>>
      %dma_start3A_161 = tpu.memref_slice %arg4[%dma_start3A_156, %add3A, %mul3A_0] : memref<50x32x16384xf32, #tpu.memory_space<hbm>> -> memref<1x1x1024xf32, #tpu.memory_space<hbm>>
      %dma_start3A_162 = tpu.memref_squeeze %dma_start3A_161 : memref<1x1x1024xf32, #tpu.memory_space<hbm>> -> memref<1024xf32, #tpu.memory_space<hbm>>
      %dma_start3A_163 = arith.constant 3072 : i32
      %dma_start3A_164 = tpu.memref_slice %arg7[%dma_start3A_163] : memref<5120xf32, #tpu.memory_space<vmem>> -> memref<1024xf32, #tpu.memory_space<vmem>>
      tpu.enqueue_dma source(%dma_start3A_164 : memref<1024xf32, #tpu.memory_space<vmem>>) target(%dma_start3A_162 : memref<1024xf32, #tpu.memory_space<hbm>>) target_semaphore(%arg12 : memref<!tpu.dma_semaphore, #tpu.memory_space<semaphore_mem>>)
      %dma_start3A_165 = arith.constant 9 : i32
      %dma_start3A_166 = arith.constant 4096 : i32
      %dma_start3A_167 = tpu.memref_slice %arg7[%dma_start3A_166] : memref<5120xf32, #tpu.memory_space<vmem>> -> memref<1024xf32, #tpu.memory_space<vmem>>
      %dma_start3A_168 = tpu.memref_slice %arg4[%dma_start3A_165, %add3A, %mul3A_0] : memref<50x32x16384xf32, #tpu.memory_space<hbm>> -> memref<1x1x1024xf32, #tpu.memory_space<hbm>>
      %dma_start3A_169 = tpu.memref_squeeze %dma_start3A_168 : memref<1x1x1024xf32, #tpu.memory_space<hbm>> -> memref<1024xf32, #tpu.memory_space<hbm>>
      %dma_start3A_170 = tpu.memref_slice %arg4[%dma_start3A_165, %add3A, %mul3A_0] : memref<50x32x16384xf32, #tpu.memory_space<hbm>> -> memref<1x1x1024xf32, #tpu.memory_space<hbm>>
      %dma_start3A_171 = tpu.memref_squeeze %dma_start3A_170 : memref<1x1x1024xf32, #tpu.memory_space<hbm>> -> memref<1024xf32, #tpu.memory_space<hbm>>
      %dma_start3A_172 = arith.constant 4096 : i32
      %dma_start3A_173 = tpu.memref_slice %arg7[%dma_start3A_172] : memref<5120xf32, #tpu.memory_space<vmem>> -> memref<1024xf32, #tpu.memory_space<vmem>>
      tpu.enqueue_dma source(%dma_start3A_173 : memref<1024xf32, #tpu.memory_space<vmem>>) target(%dma_start3A_171 : memref<1024xf32, #tpu.memory_space<hbm>>) target_semaphore(%arg12 : memref<!tpu.dma_semaphore, #tpu.memory_space<semaphore_mem>>)
      %dma_wait3A_174 = arith.constant 5 : i32
      %dma_wait3A_175 = arith.constant 0 : i32
      %dma_wait3A_176 = tpu.memref_slice %arg7[%dma_wait3A_175] : memref<5120xf32, #tpu.memory_space<vmem>> -> memref<1024xf32, #tpu.memory_space<vmem>>
      %dma_wait3A_177 = tpu.memref_slice %arg4[%dma_wait3A_174, %add3A, %mul3A_0] : memref<50x32x16384xf32, #tpu.memory_space<hbm>> -> memref<1x1x1024xf32, #tpu.memory_space<hbm>>
      %dma_wait3A_178 = tpu.memref_squeeze %dma_wait3A_177 : memref<1x1x1024xf32, #tpu.memory_space<hbm>> -> memref<1024xf32, #tpu.memory_space<hbm>>
      %dma_wait3A_179 = tpu.memref_slice %arg4[%dma_wait3A_174, %add3A, %mul3A_0] : memref<50x32x16384xf32, #tpu.memory_space<hbm>> -> memref<1x1x1024xf32, #tpu.memory_space<hbm>>
      %dma_wait3A_180 = tpu.memref_squeeze %dma_wait3A_179 : memref<1x1x1024xf32, #tpu.memory_space<hbm>> -> memref<1024xf32, #tpu.memory_space<hbm>>
      %dma_wait3A_181 = arith.constant 0 : i32
      %dma_wait3A_182 = tpu.memref_slice %arg7[%dma_wait3A_181] : memref<5120xf32, #tpu.memory_space<vmem>> -> memref<1024xf32, #tpu.memory_space<vmem>>
      tpu.wait_dma2 semaphore(%arg12 : memref<!tpu.dma_semaphore, #tpu.memory_space<semaphore_mem>>) src(%dma_wait3A_182 : memref<1024xf32, #tpu.memory_space<vmem>>) dst(%dma_wait3A_180 : memref<1024xf32, #tpu.memory_space<hbm>>)
      %dma_wait3A_183 = arith.constant 6 : i32
      %dma_wait3A_184 = arith.constant 1024 : i32
      %dma_wait3A_185 = tpu.memref_slice %arg7[%dma_wait3A_184] : memref<5120xf32, #tpu.memory_space<vmem>> -> memref<1024xf32, #tpu.memory_space<vmem>>
      %dma_wait3A_186 = tpu.memref_slice %arg4[%dma_wait3A_183, %add3A, %mul3A_0] : memref<50x32x16384xf32, #tpu.memory_space<hbm>> -> memref<1x1x1024xf32, #tpu.memory_space<hbm>>
      %dma_wait3A_187 = tpu.memref_squeeze %dma_wait3A_186 : memref<1x1x1024xf32, #tpu.memory_space<hbm>> -> memref<1024xf32, #tpu.memory_space<hbm>>
      %dma_wait3A_188 = tpu.memref_slice %arg4[%dma_wait3A_183, %add3A, %mul3A_0] : memref<50x32x16384xf32, #tpu.memory_space<hbm>> -> memref<1x1x1024xf32, #tpu.memory_space<hbm>>
      %dma_wait3A_189 = tpu.memref_squeeze %dma_wait3A_188 : memref<1x1x1024xf32, #tpu.memory_space<hbm>> -> memref<1024xf32, #tpu.memory_space<hbm>>
      %dma_wait3A_190 = arith.constant 1024 : i32
      %dma_wait3A_191 = tpu.memref_slice %arg7[%dma_wait3A_190] : memref<5120xf32, #tpu.memory_space<vmem>> -> memref<1024xf32, #tpu.memory_space<vmem>>
      tpu.wait_dma2 semaphore(%arg12 : memref<!tpu.dma_semaphore, #tpu.memory_space<semaphore_mem>>) src(%dma_wait3A_191 : memref<1024xf32, #tpu.memory_space<vmem>>) dst(%dma_wait3A_189 : memref<1024xf32, #tpu.memory_space<hbm>>)
      %dma_wait3A_192 = arith.constant 7 : i32
      %dma_wait3A_193 = arith.constant 2048 : i32
      %dma_wait3A_194 = tpu.memref_slice %arg7[%dma_wait3A_193] : memref<5120xf32, #tpu.memory_space<vmem>> -> memref<1024xf32, #tpu.memory_space<vmem>>
      %dma_wait3A_195 = tpu.memref_slice %arg4[%dma_wait3A_192, %add3A, %mul3A_0] : memref<50x32x16384xf32, #tpu.memory_space<hbm>> -> memref<1x1x1024xf32, #tpu.memory_space<hbm>>
      %dma_wait3A_196 = tpu.memref_squeeze %dma_wait3A_195 : memref<1x1x1024xf32, #tpu.memory_space<hbm>> -> memref<1024xf32, #tpu.memory_space<hbm>>
      %dma_wait3A_197 = tpu.memref_slice %arg4[%dma_wait3A_192, %add3A, %mul3A_0] : memref<50x32x16384xf32, #tpu.memory_space<hbm>> -> memref<1x1x1024xf32, #tpu.memory_space<hbm>>
      %dma_wait3A_198 = tpu.memref_squeeze %dma_wait3A_197 : memref<1x1x1024xf32, #tpu.memory_space<hbm>> -> memref<1024xf32, #tpu.memory_space<hbm>>
      %dma_wait3A_199 = arith.constant 2048 : i32
      %dma_wait3A_200 = tpu.memref_slice %arg7[%dma_wait3A_199] : memref<5120xf32, #tpu.memory_space<vmem>> -> memref<1024xf32, #tpu.memory_space<vmem>>
      tpu.wait_dma2 semaphore(%arg12 : memref<!tpu.dma_semaphore, #tpu.memory_space<semaphore_mem>>) src(%dma_wait3A_200 : memref<1024xf32, #tpu.memory_space<vmem>>) dst(%dma_wait3A_198 : memref<1024xf32, #tpu.memory_space<hbm>>)
      %dma_wait3A_201 = arith.constant 8 : i32
      %dma_wait3A_202 = arith.constant 3072 : i32
      %dma_wait3A_203 = tpu.memref_slice %arg7[%dma_wait3A_202] : memref<5120xf32, #tpu.memory_space<vmem>> -> memref<1024xf32, #tpu.memory_space<vmem>>
      %dma_wait3A_204 = tpu.memref_slice %arg4[%dma_wait3A_201, %add3A, %mul3A_0] : memref<50x32x16384xf32, #tpu.memory_space<hbm>> -> memref<1x1x1024xf32, #tpu.memory_space<hbm>>
      %dma_wait3A_205 = tpu.memref_squeeze %dma_wait3A_204 : memref<1x1x1024xf32, #tpu.memory_space<hbm>> -> memref<1024xf32, #tpu.memory_space<hbm>>
      %dma_wait3A_206 = tpu.memref_slice %arg4[%dma_wait3A_201, %add3A, %mul3A_0] : memref<50x32x16384xf32, #tpu.memory_space<hbm>> -> memref<1x1x1024xf32, #tpu.memory_space<hbm>>
      %dma_wait3A_207 = tpu.memref_squeeze %dma_wait3A_206 : memref<1x1x1024xf32, #tpu.memory_space<hbm>> -> memref<1024xf32, #tpu.memory_space<hbm>>
      %dma_wait3A_208 = arith.constant 3072 : i32
      %dma_wait3A_209 = tpu.memref_slice %arg7[%dma_wait3A_208] : memref<5120xf32, #tpu.memory_space<vmem>> -> memref<1024xf32, #tpu.memory_space<vmem>>
      tpu.wait_dma2 semaphore(%arg12 : memref<!tpu.dma_semaphore, #tpu.memory_space<semaphore_mem>>) src(%dma_wait3A_209 : memref<1024xf32, #tpu.memory_space<vmem>>) dst(%dma_wait3A_207 : memref<1024xf32, #tpu.memory_space<hbm>>)
      %dma_wait3A_210 = arith.constant 9 : i32
      %dma_wait3A_211 = arith.constant 4096 : i32
      %dma_wait3A_212 = tpu.memref_slice %arg7[%dma_wait3A_211] : memref<5120xf32, #tpu.memory_space<vmem>> -> memref<1024xf32, #tpu.memory_space<vmem>>
      %dma_wait3A_213 = tpu.memref_slice %arg4[%dma_wait3A_210, %add3A, %mul3A_0] : memref<50x32x16384xf32, #tpu.memory_space<hbm>> -> memref<1x1x1024xf32, #tpu.memory_space<hbm>>
      %dma_wait3A_214 = tpu.memref_squeeze %dma_wait3A_213 : memref<1x1x1024xf32, #tpu.memory_space<hbm>> -> memref<1024xf32, #tpu.memory_space<hbm>>
      %dma_wait3A_215 = tpu.memref_slice %arg4[%dma_wait3A_210, %add3A, %mul3A_0] : memref<50x32x16384xf32, #tpu.memory_space<hbm>> -> memref<1x1x1024xf32, #tpu.memory_space<hbm>>
      %dma_wait3A_216 = tpu.memref_squeeze %dma_wait3A_215 : memref<1x1x1024xf32, #tpu.memory_space<hbm>> -> memref<1024xf32, #tpu.memory_space<hbm>>
      %dma_wait3A_217 = arith.constant 4096 : i32
      %dma_wait3A_218 = tpu.memref_slice %arg7[%dma_wait3A_217] : memref<5120xf32, #tpu.memory_space<vmem>> -> memref<1024xf32, #tpu.memory_space<vmem>>
      tpu.wait_dma2 semaphore(%arg12 : memref<!tpu.dma_semaphore, #tpu.memory_space<semaphore_mem>>) src(%dma_wait3A_218 : memref<1024xf32, #tpu.memory_space<vmem>>) dst(%dma_wait3A_216 : memref<1024xf32, #tpu.memory_space<hbm>>)
      %dma_start3A_219 = arith.constant 15360 : i32
      %dma_start3A_220 = tpu.memref_slice %arg5[%dma_start3A_219] : memref<51200xi32, #tpu.memory_space<vmem>> -> memref<5120xi32, #tpu.memory_space<vmem>>
      %dma_start3A_221 = arith.constant 0 : i32
      %dma_start3A_222 = tpu.memref_slice %arg8[%dma_start3A_221] : memref<1000000xf32, #tpu.memory_space<vmem_shared>> -> memref<1000000xf32, #tpu.memory_space<vmem_shared>>
      tpu.enqueue_indirect_dma source(%dma_start3A_222 : memref<1000000xf32, #tpu.memory_space<vmem_shared>>) target(%arg7 : memref<5120xf32, #tpu.memory_space<vmem>>) offsets(%dma_start3A_220 : memref<5120xi32, #tpu.memory_space<vmem>>) semaphore(%arg10 : memref<!tpu.dma_semaphore, #tpu.memory_space<semaphore_mem>>)
      %dma_wait3A_223 = arith.constant 10240 : i32
      %dma_wait3A_224 = tpu.memref_slice %arg5[%dma_wait3A_223] : memref<51200xi32, #tpu.memory_space<vmem>> -> memref<5120xi32, #tpu.memory_space<vmem>>
      %dma_wait3A_225 = arith.constant 0 : i32
      %dma_wait3A_226 = tpu.memref_slice %arg8[%dma_wait3A_225] : memref<1000000xf32, #tpu.memory_space<vmem_shared>> -> memref<1000000xf32, #tpu.memory_space<vmem_shared>>
      tpu.wait_indirect_dma semaphore(%arg9 : memref<!tpu.dma_semaphore, #tpu.memory_space<semaphore_mem>>) src(%dma_wait3A_226 : memref<1000000xf32, #tpu.memory_space<vmem_shared>>) dst(%arg6 : memref<5120xf32, #tpu.memory_space<vmem>>)
      %dma_start3A_227 = arith.constant 10 : i32
      %dma_start3A_228 = arith.constant 0 : i32
      %dma_start3A_229 = tpu.memref_slice %arg6[%dma_start3A_228] : memref<5120xf32, #tpu.memory_space<vmem>> -> memref<1024xf32, #tpu.memory_space<vmem>>
      %dma_start3A_230 = tpu.memref_slice %arg4[%dma_start3A_227, %add3A, %mul3A_0] : memref<50x32x16384xf32, #tpu.memory_space<hbm>> -> memref<1x1x1024xf32, #tpu.memory_space<hbm>>
      %dma_start3A_231 = tpu.memref_squeeze %dma_start3A_230 : memref<1x1x1024xf32, #tpu.memory_space<hbm>> -> memref<1024xf32, #tpu.memory_space<hbm>>
      %dma_start3A_232 = tpu.memref_slice %arg4[%dma_start3A_227, %add3A, %mul3A_0] : memref<50x32x16384xf32, #tpu.memory_space<hbm>> -> memref<1x1x1024xf32, #tpu.memory_space<hbm>>
      %dma_start3A_233 = tpu.memref_squeeze %dma_start3A_232 : memref<1x1x1024xf32, #tpu.memory_space<hbm>> -> memref<1024xf32, #tpu.memory_space<hbm>>
      %dma_start3A_234 = arith.constant 0 : i32
      %dma_start3A_235 = tpu.memref_slice %arg6[%dma_start3A_234] : memref<5120xf32, #tpu.memory_space<vmem>> -> memref<1024xf32, #tpu.memory_space<vmem>>
      tpu.enqueue_dma source(%dma_start3A_235 : memref<1024xf32, #tpu.memory_space<vmem>>) target(%dma_start3A_233 : memref<1024xf32, #tpu.memory_space<hbm>>) target_semaphore(%arg11 : memref<!tpu.dma_semaphore, #tpu.memory_space<semaphore_mem>>)
      %dma_start3A_236 = arith.constant 11 : i32
      %dma_start3A_237 = arith.constant 1024 : i32
      %dma_start3A_238 = tpu.memref_slice %arg6[%dma_start3A_237] : memref<5120xf32, #tpu.memory_space<vmem>> -> memref<1024xf32, #tpu.memory_space<vmem>>
      %dma_start3A_239 = tpu.memref_slice %arg4[%dma_start3A_236, %add3A, %mul3A_0] : memref<50x32x16384xf32, #tpu.memory_space<hbm>> -> memref<1x1x1024xf32, #tpu.memory_space<hbm>>
      %dma_start3A_240 = tpu.memref_squeeze %dma_start3A_239 : memref<1x1x1024xf32, #tpu.memory_space<hbm>> -> memref<1024xf32, #tpu.memory_space<hbm>>
      %dma_start3A_241 = tpu.memref_slice %arg4[%dma_start3A_236, %add3A, %mul3A_0] : memref<50x32x16384xf32, #tpu.memory_space<hbm>> -> memref<1x1x1024xf32, #tpu.memory_space<hbm>>
      %dma_start3A_242 = tpu.memref_squeeze %dma_start3A_241 : memref<1x1x1024xf32, #tpu.memory_space<hbm>> -> memref<1024xf32, #tpu.memory_space<hbm>>
      %dma_start3A_243 = arith.constant 1024 : i32
      %dma_start3A_244 = tpu.memref_slice %arg6[%dma_start3A_243] : memref<5120xf32, #tpu.memory_space<vmem>> -> memref<1024xf32, #tpu.memory_space<vmem>>
      tpu.enqueue_dma source(%dma_start3A_244 : memref<1024xf32, #tpu.memory_space<vmem>>) target(%dma_start3A_242 : memref<1024xf32, #tpu.memory_space<hbm>>) target_semaphore(%arg11 : memref<!tpu.dma_semaphore, #tpu.memory_space<semaphore_mem>>)
      %dma_start3A_245 = arith.constant 12 : i32
      %dma_start3A_246 = arith.constant 2048 : i32
      %dma_start3A_247 = tpu.memref_slice %arg6[%dma_start3A_246] : memref<5120xf32, #tpu.memory_space<vmem>> -> memref<1024xf32, #tpu.memory_space<vmem>>
      %dma_start3A_248 = tpu.memref_slice %arg4[%dma_start3A_245, %add3A, %mul3A_0] : memref<50x32x16384xf32, #tpu.memory_space<hbm>> -> memref<1x1x1024xf32, #tpu.memory_space<hbm>>
      %dma_start3A_249 = tpu.memref_squeeze %dma_start3A_248 : memref<1x1x1024xf32, #tpu.memory_space<hbm>> -> memref<1024xf32, #tpu.memory_space<hbm>>
      %dma_start3A_250 = tpu.memref_slice %arg4[%dma_start3A_245, %add3A, %mul3A_0] : memref<50x32x16384xf32, #tpu.memory_space<hbm>> -> memref<1x1x1024xf32, #tpu.memory_space<hbm>>
      %dma_start3A_251 = tpu.memref_squeeze %dma_start3A_250 : memref<1x1x1024xf32, #tpu.memory_space<hbm>> -> memref<1024xf32, #tpu.memory_space<hbm>>
      %dma_start3A_252 = arith.constant 2048 : i32
      %dma_start3A_253 = tpu.memref_slice %arg6[%dma_start3A_252] : memref<5120xf32, #tpu.memory_space<vmem>> -> memref<1024xf32, #tpu.memory_space<vmem>>
      tpu.enqueue_dma source(%dma_start3A_253 : memref<1024xf32, #tpu.memory_space<vmem>>) target(%dma_start3A_251 : memref<1024xf32, #tpu.memory_space<hbm>>) target_semaphore(%arg11 : memref<!tpu.dma_semaphore, #tpu.memory_space<semaphore_mem>>)
      %dma_start3A_254 = arith.constant 13 : i32
      %dma_start3A_255 = arith.constant 3072 : i32
      %dma_start3A_256 = tpu.memref_slice %arg6[%dma_start3A_255] : memref<5120xf32, #tpu.memory_space<vmem>> -> memref<1024xf32, #tpu.memory_space<vmem>>
      %dma_start3A_257 = tpu.memref_slice %arg4[%dma_start3A_254, %add3A, %mul3A_0] : memref<50x32x16384xf32, #tpu.memory_space<hbm>> -> memref<1x1x1024xf32, #tpu.memory_space<hbm>>
      %dma_start3A_258 = tpu.memref_squeeze %dma_start3A_257 : memref<1x1x1024xf32, #tpu.memory_space<hbm>> -> memref<1024xf32, #tpu.memory_space<hbm>>
      %dma_start3A_259 = tpu.memref_slice %arg4[%dma_start3A_254, %add3A, %mul3A_0] : memref<50x32x16384xf32, #tpu.memory_space<hbm>> -> memref<1x1x1024xf32, #tpu.memory_space<hbm>>
      %dma_start3A_260 = tpu.memref_squeeze %dma_start3A_259 : memref<1x1x1024xf32, #tpu.memory_space<hbm>> -> memref<1024xf32, #tpu.memory_space<hbm>>
      %dma_start3A_261 = arith.constant 3072 : i32
      %dma_start3A_262 = tpu.memref_slice %arg6[%dma_start3A_261] : memref<5120xf32, #tpu.memory_space<vmem>> -> memref<1024xf32, #tpu.memory_space<vmem>>
      tpu.enqueue_dma source(%dma_start3A_262 : memref<1024xf32, #tpu.memory_space<vmem>>) target(%dma_start3A_260 : memref<1024xf32, #tpu.memory_space<hbm>>) target_semaphore(%arg11 : memref<!tpu.dma_semaphore, #tpu.memory_space<semaphore_mem>>)
      %dma_start3A_263 = arith.constant 14 : i32
      %dma_start3A_264 = arith.constant 4096 : i32
      %dma_start3A_265 = tpu.memref_slice %arg6[%dma_start3A_264] : memref<5120xf32, #tpu.memory_space<vmem>> -> memref<1024xf32, #tpu.memory_space<vmem>>
      %dma_start3A_266 = tpu.memref_slice %arg4[%dma_start3A_263, %add3A, %mul3A_0] : memref<50x32x16384xf32, #tpu.memory_space<hbm>> -> memref<1x1x1024xf32, #tpu.memory_space<hbm>>
      %dma_start3A_267 = tpu.memref_squeeze %dma_start3A_266 : memref<1x1x1024xf32, #tpu.memory_space<hbm>> -> memref<1024xf32, #tpu.memory_space<hbm>>
      %dma_start3A_268 = tpu.memref_slice %arg4[%dma_start3A_263, %add3A, %mul3A_0] : memref<50x32x16384xf32, #tpu.memory_space<hbm>> -> memref<1x1x1024xf32, #tpu.memory_space<hbm>>
      %dma_start3A_269 = tpu.memref_squeeze %dma_start3A_268 : memref<1x1x1024xf32, #tpu.memory_space<hbm>> -> memref<1024xf32, #tpu.memory_space<hbm>>
      %dma_start3A_270 = arith.constant 4096 : i32
      %dma_start3A_271 = tpu.memref_slice %arg6[%dma_start3A_270] : memref<5120xf32, #tpu.memory_space<vmem>> -> memref<1024xf32, #tpu.memory_space<vmem>>
      tpu.enqueue_dma source(%dma_start3A_271 : memref<1024xf32, #tpu.memory_space<vmem>>) target(%dma_start3A_269 : memref<1024xf32, #tpu.memory_space<hbm>>) target_semaphore(%arg11 : memref<!tpu.dma_semaphore, #tpu.memory_space<semaphore_mem>>)
      %dma_wait3A_272 = arith.constant 10 : i32
      %dma_wait3A_273 = arith.constant 0 : i32
      %dma_wait3A_274 = tpu.memref_slice %arg6[%dma_wait3A_273] : memref<5120xf32, #tpu.memory_space<vmem>> -> memref<1024xf32, #tpu.memory_space<vmem>>
      %dma_wait3A_275 = tpu.memref_slice %arg4[%dma_wait3A_272, %add3A, %mul3A_0] : memref<50x32x16384xf32, #tpu.memory_space<hbm>> -> memref<1x1x1024xf32, #tpu.memory_space<hbm>>
      %dma_wait3A_276 = tpu.memref_squeeze %dma_wait3A_275 : memref<1x1x1024xf32, #tpu.memory_space<hbm>> -> memref<1024xf32, #tpu.memory_space<hbm>>
      %dma_wait3A_277 = tpu.memref_slice %arg4[%dma_wait3A_272, %add3A, %mul3A_0] : memref<50x32x16384xf32, #tpu.memory_space<hbm>> -> memref<1x1x1024xf32, #tpu.memory_space<hbm>>
      %dma_wait3A_278 = tpu.memref_squeeze %dma_wait3A_277 : memref<1x1x1024xf32, #tpu.memory_space<hbm>> -> memref<1024xf32, #tpu.memory_space<hbm>>
      %dma_wait3A_279 = arith.constant 0 : i32
      %dma_wait3A_280 = tpu.memref_slice %arg6[%dma_wait3A_279] : memref<5120xf32, #tpu.memory_space<vmem>> -> memref<1024xf32, #tpu.memory_space<vmem>>
      tpu.wait_dma2 semaphore(%arg11 : memref<!tpu.dma_semaphore, #tpu.memory_space<semaphore_mem>>) src(%dma_wait3A_280 : memref<1024xf32, #tpu.memory_space<vmem>>) dst(%dma_wait3A_278 : memref<1024xf32, #tpu.memory_space<hbm>>)
      %dma_wait3A_281 = arith.constant 11 : i32
      %dma_wait3A_282 = arith.constant 1024 : i32
      %dma_wait3A_283 = tpu.memref_slice %arg6[%dma_wait3A_282] : memref<5120xf32, #tpu.memory_space<vmem>> -> memref<1024xf32, #tpu.memory_space<vmem>>
      %dma_wait3A_284 = tpu.memref_slice %arg4[%dma_wait3A_281, %add3A, %mul3A_0] : memref<50x32x16384xf32, #tpu.memory_space<hbm>> -> memref<1x1x1024xf32, #tpu.memory_space<hbm>>
      %dma_wait3A_285 = tpu.memref_squeeze %dma_wait3A_284 : memref<1x1x1024xf32, #tpu.memory_space<hbm>> -> memref<1024xf32, #tpu.memory_space<hbm>>
      %dma_wait3A_286 = tpu.memref_slice %arg4[%dma_wait3A_281, %add3A, %mul3A_0] : memref<50x32x16384xf32, #tpu.memory_space<hbm>> -> memref<1x1x1024xf32, #tpu.memory_space<hbm>>
      %dma_wait3A_287 = tpu.memref_squeeze %dma_wait3A_286 : memref<1x1x1024xf32, #tpu.memory_space<hbm>> -> memref<1024xf32, #tpu.memory_space<hbm>>
      %dma_wait3A_288 = arith.constant 1024 : i32
      %dma_wait3A_289 = tpu.memref_slice %arg6[%dma_wait3A_288] : memref<5120xf32, #tpu.memory_space<vmem>> -> memref<1024xf32, #tpu.memory_space<vmem>>
      tpu.wait_dma2 semaphore(%arg11 : memref<!tpu.dma_semaphore, #tpu.memory_space<semaphore_mem>>) src(%dma_wait3A_289 : memref<1024xf32, #tpu.memory_space<vmem>>) dst(%dma_wait3A_287 : memref<1024xf32, #tpu.memory_space<hbm>>)
      %dma_wait3A_290 = arith.constant 12 : i32
      %dma_wait3A_291 = arith.constant 2048 : i32
      %dma_wait3A_292 = tpu.memref_slice %arg6[%dma_wait3A_291] : memref<5120xf32, #tpu.memory_space<vmem>> -> memref<1024xf32, #tpu.memory_space<vmem>>
      %dma_wait3A_293 = tpu.memref_slice %arg4[%dma_wait3A_290, %add3A, %mul3A_0] : memref<50x32x16384xf32, #tpu.memory_space<hbm>> -> memref<1x1x1024xf32, #tpu.memory_space<hbm>>
      %dma_wait3A_294 = tpu.memref_squeeze %dma_wait3A_293 : memref<1x1x1024xf32, #tpu.memory_space<hbm>> -> memref<1024xf32, #tpu.memory_space<hbm>>
      %dma_wait3A_295 = tpu.memref_slice %arg4[%dma_wait3A_290, %add3A, %mul3A_0] : memref<50x32x16384xf32, #tpu.memory_space<hbm>> -> memref<1x1x1024xf32, #tpu.memory_space<hbm>>
      %dma_wait3A_296 = tpu.memref_squeeze %dma_wait3A_295 : memref<1x1x1024xf32, #tpu.memory_space<hbm>> -> memref<1024xf32, #tpu.memory_space<hbm>>
      %dma_wait3A_297 = arith.constant 2048 : i32
      %dma_wait3A_298 = tpu.memref_slice %arg6[%dma_wait3A_297] : memref<5120xf32, #tpu.memory_space<vmem>> -> memref<1024xf32, #tpu.memory_space<vmem>>
      tpu.wait_dma2 semaphore(%arg11 : memref<!tpu.dma_semaphore, #tpu.memory_space<semaphore_mem>>) src(%dma_wait3A_298 : memref<1024xf32, #tpu.memory_space<vmem>>) dst(%dma_wait3A_296 : memref<1024xf32, #tpu.memory_space<hbm>>)
      %dma_wait3A_299 = arith.constant 13 : i32
      %dma_wait3A_300 = arith.constant 3072 : i32
      %dma_wait3A_301 = tpu.memref_slice %arg6[%dma_wait3A_300] : memref<5120xf32, #tpu.memory_space<vmem>> -> memref<1024xf32, #tpu.memory_space<vmem>>
      %dma_wait3A_302 = tpu.memref_slice %arg4[%dma_wait3A_299, %add3A, %mul3A_0] : memref<50x32x16384xf32, #tpu.memory_space<hbm>> -> memref<1x1x1024xf32, #tpu.memory_space<hbm>>
      %dma_wait3A_303 = tpu.memref_squeeze %dma_wait3A_302 : memref<1x1x1024xf32, #tpu.memory_space<hbm>> -> memref<1024xf32, #tpu.memory_space<hbm>>
      %dma_wait3A_304 = tpu.memref_slice %arg4[%dma_wait3A_299, %add3A, %mul3A_0] : memref<50x32x16384xf32, #tpu.memory_space<hbm>> -> memref<1x1x1024xf32, #tpu.memory_space<hbm>>
      %dma_wait3A_305 = tpu.memref_squeeze %dma_wait3A_304 : memref<1x1x1024xf32, #tpu.memory_space<hbm>> -> memref<1024xf32, #tpu.memory_space<hbm>>
      %dma_wait3A_306 = arith.constant 3072 : i32
      %dma_wait3A_307 = tpu.memref_slice %arg6[%dma_wait3A_306] : memref<5120xf32, #tpu.memory_space<vmem>> -> memref<1024xf32, #tpu.memory_space<vmem>>
      tpu.wait_dma2 semaphore(%arg11 : memref<!tpu.dma_semaphore, #tpu.memory_space<semaphore_mem>>) src(%dma_wait3A_307 : memref<1024xf32, #tpu.memory_space<vmem>>) dst(%dma_wait3A_305 : memref<1024xf32, #tpu.memory_space<hbm>>)
      %dma_wait3A_308 = arith.constant 14 : i32
      %dma_wait3A_309 = arith.constant 4096 : i32
      %dma_wait3A_310 = tpu.memref_slice %arg6[%dma_wait3A_309] : memref<5120xf32, #tpu.memory_space<vmem>> -> memref<1024xf32, #tpu.memory_space<vmem>>
      %dma_wait3A_311 = tpu.memref_slice %arg4[%dma_wait3A_308, %add3A, %mul3A_0] : memref<50x32x16384xf32, #tpu.memory_space<hbm>> -> memref<1x1x1024xf32, #tpu.memory_space<hbm>>
      %dma_wait3A_312 = tpu.memref_squeeze %dma_wait3A_311 : memref<1x1x1024xf32, #tpu.memory_space<hbm>> -> memref<1024xf32, #tpu.memory_space<hbm>>
      %dma_wait3A_313 = tpu.memref_slice %arg4[%dma_wait3A_308, %add3A, %mul3A_0] : memref<50x32x16384xf32, #tpu.memory_space<hbm>> -> memref<1x1x1024xf32, #tpu.memory_space<hbm>>
      %dma_wait3A_314 = tpu.memref_squeeze %dma_wait3A_313 : memref<1x1x1024xf32, #tpu.memory_space<hbm>> -> memref<1024xf32, #tpu.memory_space<hbm>>
      %dma_wait3A_315 = arith.constant 4096 : i32
      %dma_wait3A_316 = tpu.memref_slice %arg6[%dma_wait3A_315] : memref<5120xf32, #tpu.memory_space<vmem>> -> memref<1024xf32, #tpu.memory_space<vmem>>
      tpu.wait_dma2 semaphore(%arg11 : memref<!tpu.dma_semaphore, #tpu.memory_space<semaphore_mem>>) src(%dma_wait3A_316 : memref<1024xf32, #tpu.memory_space<vmem>>) dst(%dma_wait3A_314 : memref<1024xf32, #tpu.memory_space<hbm>>)
      %dma_start3A_317 = arith.constant 20480 : i32
      %dma_start3A_318 = tpu.memref_slice %arg5[%dma_start3A_317] : memref<51200xi32, #tpu.memory_space<vmem>> -> memref<5120xi32, #tpu.memory_space<vmem>>
      %dma_start3A_319 = arith.constant 0 : i32
      %dma_start3A_320 = tpu.memref_slice %arg8[%dma_start3A_319] : memref<1000000xf32, #tpu.memory_space<vmem_shared>> -> memref<1000000xf32, #tpu.memory_space<vmem_shared>>
      tpu.enqueue_indirect_dma source(%dma_start3A_320 : memref<1000000xf32, #tpu.memory_space<vmem_shared>>) target(%arg6 : memref<5120xf32, #tpu.memory_space<vmem>>) offsets(%dma_start3A_318 : memref<5120xi32, #tpu.memory_space<vmem>>) semaphore(%arg9 : memref<!tpu.dma_semaphore, #tpu.memory_space<semaphore_mem>>)
      %dma_wait3A_321 = arith.constant 15360 : i32
      %dma_wait3A_322 = tpu.memref_slice %arg5[%dma_wait3A_321] : memref<51200xi32, #tpu.memory_space<vmem>> -> memref<5120xi32, #tpu.memory_space<vmem>>
      %dma_wait3A_323 = arith.constant 0 : i32
      %dma_wait3A_324 = tpu.memref_slice %arg8[%dma_wait3A_323] : memref<1000000xf32, #tpu.memory_space<vmem_shared>> -> memref<1000000xf32, #tpu.memory_space<vmem_shared>>
      tpu.wait_indirect_dma semaphore(%arg10 : memref<!tpu.dma_semaphore, #tpu.memory_space<semaphore_mem>>) src(%dma_wait3A_324 : memref<1000000xf32, #tpu.memory_space<vmem_shared>>) dst(%arg7 : memref<5120xf32, #tpu.memory_space<vmem>>)
      %dma_start3A_325 = arith.constant 15 : i32
      %dma_start3A_326 = arith.constant 0 : i32
      %dma_start3A_327 = tpu.memref_slice %arg7[%dma_start3A_326] : memref<5120xf32, #tpu.memory_space<vmem>> -> memref<1024xf32, #tpu.memory_space<vmem>>
      %dma_start3A_328 = tpu.memref_slice %arg4[%dma_start3A_325, %add3A, %mul3A_0] : memref<50x32x16384xf32, #tpu.memory_space<hbm>> -> memref<1x1x1024xf32, #tpu.memory_space<hbm>>
      %dma_start3A_329 = tpu.memref_squeeze %dma_start3A_328 : memref<1x1x1024xf32, #tpu.memory_space<hbm>> -> memref<1024xf32, #tpu.memory_space<hbm>>
      %dma_start3A_330 = tpu.memref_slice %arg4[%dma_start3A_325, %add3A, %mul3A_0] : memref<50x32x16384xf32, #tpu.memory_space<hbm>> -> memref<1x1x1024xf32, #tpu.memory_space<hbm>>
      %dma_start3A_331 = tpu.memref_squeeze %dma_start3A_330 : memref<1x1x1024xf32, #tpu.memory_space<hbm>> -> memref<1024xf32, #tpu.memory_space<hbm>>
      %dma_start3A_332 = arith.constant 0 : i32
      %dma_start3A_333 = tpu.memref_slice %arg7[%dma_start3A_332] : memref<5120xf32, #tpu.memory_space<vmem>> -> memref<1024xf32, #tpu.memory_space<vmem>>
      tpu.enqueue_dma source(%dma_start3A_333 : memref<1024xf32, #tpu.memory_space<vmem>>) target(%dma_start3A_331 : memref<1024xf32, #tpu.memory_space<hbm>>) target_semaphore(%arg12 : memref<!tpu.dma_semaphore, #tpu.memory_space<semaphore_mem>>)
      %dma_start3A_334 = arith.constant 16 : i32
      %dma_start3A_335 = arith.constant 1024 : i32
      %dma_start3A_336 = tpu.memref_slice %arg7[%dma_start3A_335] : memref<5120xf32, #tpu.memory_space<vmem>> -> memref<1024xf32, #tpu.memory_space<vmem>>
      %dma_start3A_337 = tpu.memref_slice %arg4[%dma_start3A_334, %add3A, %mul3A_0] : memref<50x32x16384xf32, #tpu.memory_space<hbm>> -> memref<1x1x1024xf32, #tpu.memory_space<hbm>>
      %dma_start3A_338 = tpu.memref_squeeze %dma_start3A_337 : memref<1x1x1024xf32, #tpu.memory_space<hbm>> -> memref<1024xf32, #tpu.memory_space<hbm>>
      %dma_start3A_339 = tpu.memref_slice %arg4[%dma_start3A_334, %add3A, %mul3A_0] : memref<50x32x16384xf32, #tpu.memory_space<hbm>> -> memref<1x1x1024xf32, #tpu.memory_space<hbm>>
      %dma_start3A_340 = tpu.memref_squeeze %dma_start3A_339 : memref<1x1x1024xf32, #tpu.memory_space<hbm>> -> memref<1024xf32, #tpu.memory_space<hbm>>
      %dma_start3A_341 = arith.constant 1024 : i32
      %dma_start3A_342 = tpu.memref_slice %arg7[%dma_start3A_341] : memref<5120xf32, #tpu.memory_space<vmem>> -> memref<1024xf32, #tpu.memory_space<vmem>>
      tpu.enqueue_dma source(%dma_start3A_342 : memref<1024xf32, #tpu.memory_space<vmem>>) target(%dma_start3A_340 : memref<1024xf32, #tpu.memory_space<hbm>>) target_semaphore(%arg12 : memref<!tpu.dma_semaphore, #tpu.memory_space<semaphore_mem>>)
      %dma_start3A_343 = arith.constant 17 : i32
      %dma_start3A_344 = arith.constant 2048 : i32
      %dma_start3A_345 = tpu.memref_slice %arg7[%dma_start3A_344] : memref<5120xf32, #tpu.memory_space<vmem>> -> memref<1024xf32, #tpu.memory_space<vmem>>
      %dma_start3A_346 = tpu.memref_slice %arg4[%dma_start3A_343, %add3A, %mul3A_0] : memref<50x32x16384xf32, #tpu.memory_space<hbm>> -> memref<1x1x1024xf32, #tpu.memory_space<hbm>>
      %dma_start3A_347 = tpu.memref_squeeze %dma_start3A_346 : memref<1x1x1024xf32, #tpu.memory_space<hbm>> -> memref<1024xf32, #tpu.memory_space<hbm>>
      %dma_start3A_348 = tpu.memref_slice %arg4[%dma_start3A_343, %add3A, %mul3A_0] : memref<50x32x16384xf32, #tpu.memory_space<hbm>> -> memref<1x1x1024xf32, #tpu.memory_space<hbm>>
      %dma_start3A_349 = tpu.memref_squeeze %dma_start3A_348 : memref<1x1x1024xf32, #tpu.memory_space<hbm>> -> memref<1024xf32, #tpu.memory_space<hbm>>
      %dma_start3A_350 = arith.constant 2048 : i32
      %dma_start3A_351 = tpu.memref_slice %arg7[%dma_start3A_350] : memref<5120xf32, #tpu.memory_space<vmem>> -> memref<1024xf32, #tpu.memory_space<vmem>>
      tpu.enqueue_dma source(%dma_start3A_351 : memref<1024xf32, #tpu.memory_space<vmem>>) target(%dma_start3A_349 : memref<1024xf32, #tpu.memory_space<hbm>>) target_semaphore(%arg12 : memref<!tpu.dma_semaphore, #tpu.memory_space<semaphore_mem>>)
      %dma_start3A_352 = arith.constant 18 : i32
      %dma_start3A_353 = arith.constant 3072 : i32
      %dma_start3A_354 = tpu.memref_slice %arg7[%dma_start3A_353] : memref<5120xf32, #tpu.memory_space<vmem>> -> memref<1024xf32, #tpu.memory_space<vmem>>
      %dma_start3A_355 = tpu.memref_slice %arg4[%dma_start3A_352, %add3A, %mul3A_0] : memref<50x32x16384xf32, #tpu.memory_space<hbm>> -> memref<1x1x1024xf32, #tpu.memory_space<hbm>>
      %dma_start3A_356 = tpu.memref_squeeze %dma_start3A_355 : memref<1x1x1024xf32, #tpu.memory_space<hbm>> -> memref<1024xf32, #tpu.memory_space<hbm>>
      %dma_start3A_357 = tpu.memref_slice %arg4[%dma_start3A_352, %add3A, %mul3A_0] : memref<50x32x16384xf32, #tpu.memory_space<hbm>> -> memref<1x1x1024xf32, #tpu.memory_space<hbm>>
      %dma_start3A_358 = tpu.memref_squeeze %dma_start3A_357 : memref<1x1x1024xf32, #tpu.memory_space<hbm>> -> memref<1024xf32, #tpu.memory_space<hbm>>
      %dma_start3A_359 = arith.constant 3072 : i32
      %dma_start3A_360 = tpu.memref_slice %arg7[%dma_start3A_359] : memref<5120xf32, #tpu.memory_space<vmem>> -> memref<1024xf32, #tpu.memory_space<vmem>>
      tpu.enqueue_dma source(%dma_start3A_360 : memref<1024xf32, #tpu.memory_space<vmem>>) target(%dma_start3A_358 : memref<1024xf32, #tpu.memory_space<hbm>>) target_semaphore(%arg12 : memref<!tpu.dma_semaphore, #tpu.memory_space<semaphore_mem>>)
      %dma_start3A_361 = arith.constant 19 : i32
      %dma_start3A_362 = arith.constant 4096 : i32
      %dma_start3A_363 = tpu.memref_slice %arg7[%dma_start3A_362] : memref<5120xf32, #tpu.memory_space<vmem>> -> memref<1024xf32, #tpu.memory_space<vmem>>
      %dma_start3A_364 = tpu.memref_slice %arg4[%dma_start3A_361, %add3A, %mul3A_0] : memref<50x32x16384xf32, #tpu.memory_space<hbm>> -> memref<1x1x1024xf32, #tpu.memory_space<hbm>>
      %dma_start3A_365 = tpu.memref_squeeze %dma_start3A_364 : memref<1x1x1024xf32, #tpu.memory_space<hbm>> -> memref<1024xf32, #tpu.memory_space<hbm>>
      %dma_start3A_366 = tpu.memref_slice %arg4[%dma_start3A_361, %add3A, %mul3A_0] : memref<50x32x16384xf32, #tpu.memory_space<hbm>> -> memref<1x1x1024xf32, #tpu.memory_space<hbm>>
      %dma_start3A_367 = tpu.memref_squeeze %dma_start3A_366 : memref<1x1x1024xf32, #tpu.memory_space<hbm>> -> memref<1024xf32, #tpu.memory_space<hbm>>
      %dma_start3A_368 = arith.constant 4096 : i32
      %dma_start3A_369 = tpu.memref_slice %arg7[%dma_start3A_368] : memref<5120xf32, #tpu.memory_space<vmem>> -> memref<1024xf32, #tpu.memory_space<vmem>>
      tpu.enqueue_dma source(%dma_start3A_369 : memref<1024xf32, #tpu.memory_space<vmem>>) target(%dma_start3A_367 : memref<1024xf32, #tpu.memory_space<hbm>>) target_semaphore(%arg12 : memref<!tpu.dma_semaphore, #tpu.memory_space<semaphore_mem>>)
      %dma_wait3A_370 = arith.constant 15 : i32
      %dma_wait3A_371 = arith.constant 0 : i32
      %dma_wait3A_372 = tpu.memref_slice %arg7[%dma_wait3A_371] : memref<5120xf32, #tpu.memory_space<vmem>> -> memref<1024xf32, #tpu.memory_space<vmem>>
      %dma_wait3A_373 = tpu.memref_slice %arg4[%dma_wait3A_370, %add3A, %mul3A_0] : memref<50x32x16384xf32, #tpu.memory_space<hbm>> -> memref<1x1x1024xf32, #tpu.memory_space<hbm>>
      %dma_wait3A_374 = tpu.memref_squeeze %dma_wait3A_373 : memref<1x1x1024xf32, #tpu.memory_space<hbm>> -> memref<1024xf32, #tpu.memory_space<hbm>>
      %dma_wait3A_375 = tpu.memref_slice %arg4[%dma_wait3A_370, %add3A, %mul3A_0] : memref<50x32x16384xf32, #tpu.memory_space<hbm>> -> memref<1x1x1024xf32, #tpu.memory_space<hbm>>
      %dma_wait3A_376 = tpu.memref_squeeze %dma_wait3A_375 : memref<1x1x1024xf32, #tpu.memory_space<hbm>> -> memref<1024xf32, #tpu.memory_space<hbm>>
      %dma_wait3A_377 = arith.constant 0 : i32
      %dma_wait3A_378 = tpu.memref_slice %arg7[%dma_wait3A_377] : memref<5120xf32, #tpu.memory_space<vmem>> -> memref<1024xf32, #tpu.memory_space<vmem>>
      tpu.wait_dma2 semaphore(%arg12 : memref<!tpu.dma_semaphore, #tpu.memory_space<semaphore_mem>>) src(%dma_wait3A_378 : memref<1024xf32, #tpu.memory_space<vmem>>) dst(%dma_wait3A_376 : memref<1024xf32, #tpu.memory_space<hbm>>)
      %dma_wait3A_379 = arith.constant 16 : i32
      %dma_wait3A_380 = arith.constant 1024 : i32
      %dma_wait3A_381 = tpu.memref_slice %arg7[%dma_wait3A_380] : memref<5120xf32, #tpu.memory_space<vmem>> -> memref<1024xf32, #tpu.memory_space<vmem>>
      %dma_wait3A_382 = tpu.memref_slice %arg4[%dma_wait3A_379, %add3A, %mul3A_0] : memref<50x32x16384xf32, #tpu.memory_space<hbm>> -> memref<1x1x1024xf32, #tpu.memory_space<hbm>>
      %dma_wait3A_383 = tpu.memref_squeeze %dma_wait3A_382 : memref<1x1x1024xf32, #tpu.memory_space<hbm>> -> memref<1024xf32, #tpu.memory_space<hbm>>
      %dma_wait3A_384 = tpu.memref_slice %arg4[%dma_wait3A_379, %add3A, %mul3A_0] : memref<50x32x16384xf32, #tpu.memory_space<hbm>> -> memref<1x1x1024xf32, #tpu.memory_space<hbm>>
      %dma_wait3A_385 = tpu.memref_squeeze %dma_wait3A_384 : memref<1x1x1024xf32, #tpu.memory_space<hbm>> -> memref<1024xf32, #tpu.memory_space<hbm>>
      %dma_wait3A_386 = arith.constant 1024 : i32
      %dma_wait3A_387 = tpu.memref_slice %arg7[%dma_wait3A_386] : memref<5120xf32, #tpu.memory_space<vmem>> -> memref<1024xf32, #tpu.memory_space<vmem>>
      tpu.wait_dma2 semaphore(%arg12 : memref<!tpu.dma_semaphore, #tpu.memory_space<semaphore_mem>>) src(%dma_wait3A_387 : memref<1024xf32, #tpu.memory_space<vmem>>) dst(%dma_wait3A_385 : memref<1024xf32, #tpu.memory_space<hbm>>)
      %dma_wait3A_388 = arith.constant 17 : i32
      %dma_wait3A_389 = arith.constant 2048 : i32
      %dma_wait3A_390 = tpu.memref_slice %arg7[%dma_wait3A_389] : memref<5120xf32, #tpu.memory_space<vmem>> -> memref<1024xf32, #tpu.memory_space<vmem>>
      %dma_wait3A_391 = tpu.memref_slice %arg4[%dma_wait3A_388, %add3A, %mul3A_0] : memref<50x32x16384xf32, #tpu.memory_space<hbm>> -> memref<1x1x1024xf32, #tpu.memory_space<hbm>>
      %dma_wait3A_392 = tpu.memref_squeeze %dma_wait3A_391 : memref<1x1x1024xf32, #tpu.memory_space<hbm>> -> memref<1024xf32, #tpu.memory_space<hbm>>
      %dma_wait3A_393 = tpu.memref_slice %arg4[%dma_wait3A_388, %add3A, %mul3A_0] : memref<50x32x16384xf32, #tpu.memory_space<hbm>> -> memref<1x1x1024xf32, #tpu.memory_space<hbm>>
      %dma_wait3A_394 = tpu.memref_squeeze %dma_wait3A_393 : memref<1x1x1024xf32, #tpu.memory_space<hbm>> -> memref<1024xf32, #tpu.memory_space<hbm>>
      %dma_wait3A_395 = arith.constant 2048 : i32
      %dma_wait3A_396 = tpu.memref_slice %arg7[%dma_wait3A_395] : memref<5120xf32, #tpu.memory_space<vmem>> -> memref<1024xf32, #tpu.memory_space<vmem>>
      tpu.wait_dma2 semaphore(%arg12 : memref<!tpu.dma_semaphore, #tpu.memory_space<semaphore_mem>>) src(%dma_wait3A_396 : memref<1024xf32, #tpu.memory_space<vmem>>) dst(%dma_wait3A_394 : memref<1024xf32, #tpu.memory_space<hbm>>)
      %dma_wait3A_397 = arith.constant 18 : i32
      %dma_wait3A_398 = arith.constant 3072 : i32
      %dma_wait3A_399 = tpu.memref_slice %arg7[%dma_wait3A_398] : memref<5120xf32, #tpu.memory_space<vmem>> -> memref<1024xf32, #tpu.memory_space<vmem>>
      %dma_wait3A_400 = tpu.memref_slice %arg4[%dma_wait3A_397, %add3A, %mul3A_0] : memref<50x32x16384xf32, #tpu.memory_space<hbm>> -> memref<1x1x1024xf32, #tpu.memory_space<hbm>>
      %dma_wait3A_401 = tpu.memref_squeeze %dma_wait3A_400 : memref<1x1x1024xf32, #tpu.memory_space<hbm>> -> memref<1024xf32, #tpu.memory_space<hbm>>
      %dma_wait3A_402 = tpu.memref_slice %arg4[%dma_wait3A_397, %add3A, %mul3A_0] : memref<50x32x16384xf32, #tpu.memory_space<hbm>> -> memref<1x1x1024xf32, #tpu.memory_space<hbm>>
      %dma_wait3A_403 = tpu.memref_squeeze %dma_wait3A_402 : memref<1x1x1024xf32, #tpu.memory_space<hbm>> -> memref<1024xf32, #tpu.memory_space<hbm>>
      %dma_wait3A_404 = arith.constant 3072 : i32
      %dma_wait3A_405 = tpu.memref_slice %arg7[%dma_wait3A_404] : memref<5120xf32, #tpu.memory_space<vmem>> -> memref<1024xf32, #tpu.memory_space<vmem>>
      tpu.wait_dma2 semaphore(%arg12 : memref<!tpu.dma_semaphore, #tpu.memory_space<semaphore_mem>>) src(%dma_wait3A_405 : memref<1024xf32, #tpu.memory_space<vmem>>) dst(%dma_wait3A_403 : memref<1024xf32, #tpu.memory_space<hbm>>)
      %dma_wait3A_406 = arith.constant 19 : i32
      %dma_wait3A_407 = arith.constant 4096 : i32
      %dma_wait3A_408 = tpu.memref_slice %arg7[%dma_wait3A_407] : memref<5120xf32, #tpu.memory_space<vmem>> -> memref<1024xf32, #tpu.memory_space<vmem>>
      %dma_wait3A_409 = tpu.memref_slice %arg4[%dma_wait3A_406, %add3A, %mul3A_0] : memref<50x32x16384xf32, #tpu.memory_space<hbm>> -> memref<1x1x1024xf32, #tpu.memory_space<hbm>>
      %dma_wait3A_410 = tpu.memref_squeeze %dma_wait3A_409 : memref<1x1x1024xf32, #tpu.memory_space<hbm>> -> memref<1024xf32, #tpu.memory_space<hbm>>
      %dma_wait3A_411 = tpu.memref_slice %arg4[%dma_wait3A_406, %add3A, %mul3A_0] : memref<50x32x16384xf32, #tpu.memory_space<hbm>> -> memref<1x1x1024xf32, #tpu.memory_space<hbm>>
      %dma_wait3A_412 = tpu.memref_squeeze %dma_wait3A_411 : memref<1x1x1024xf32, #tpu.memory_space<hbm>> -> memref<1024xf32, #tpu.memory_space<hbm>>
      %dma_wait3A_413 = arith.constant 4096 : i32
      %dma_wait3A_414 = tpu.memref_slice %arg7[%dma_wait3A_413] : memref<5120xf32, #tpu.memory_space<vmem>> -> memref<1024xf32, #tpu.memory_space<vmem>>
      tpu.wait_dma2 semaphore(%arg12 : memref<!tpu.dma_semaphore, #tpu.memory_space<semaphore_mem>>) src(%dma_wait3A_414 : memref<1024xf32, #tpu.memory_space<vmem>>) dst(%dma_wait3A_412 : memref<1024xf32, #tpu.memory_space<hbm>>)
      %dma_start3A_415 = arith.constant 25600 : i32
      %dma_start3A_416 = tpu.memref_slice %arg5[%dma_start3A_415] : memref<51200xi32, #tpu.memory_space<vmem>> -> memref<5120xi32, #tpu.memory_space<vmem>>
      %dma_start3A_417 = arith.constant 0 : i32
      %dma_start3A_418 = tpu.memref_slice %arg8[%dma_start3A_417] : memref<1000000xf32, #tpu.memory_space<vmem_shared>> -> memref<1000000xf32, #tpu.memory_space<vmem_shared>>
      tpu.enqueue_indirect_dma source(%dma_start3A_418 : memref<1000000xf32, #tpu.memory_space<vmem_shared>>) target(%arg7 : memref<5120xf32, #tpu.memory_space<vmem>>) offsets(%dma_start3A_416 : memref<5120xi32, #tpu.memory_space<vmem>>) semaphore(%arg10 : memref<!tpu.dma_semaphore, #tpu.memory_space<semaphore_mem>>)
      %dma_wait3A_419 = arith.constant 20480 : i32
      %dma_wait3A_420 = tpu.memref_slice %arg5[%dma_wait3A_419] : memref<51200xi32, #tpu.memory_space<vmem>> -> memref<5120xi32, #tpu.memory_space<vmem>>
      %dma_wait3A_421 = arith.constant 0 : i32
      %dma_wait3A_422 = tpu.memref_slice %arg8[%dma_wait3A_421] : memref<1000000xf32, #tpu.memory_space<vmem_shared>> -> memref<1000000xf32, #tpu.memory_space<vmem_shared>>
      tpu.wait_indirect_dma semaphore(%arg9 : memref<!tpu.dma_semaphore, #tpu.memory_space<semaphore_mem>>) src(%dma_wait3A_422 : memref<1000000xf32, #tpu.memory_space<vmem_shared>>) dst(%arg6 : memref<5120xf32, #tpu.memory_space<vmem>>)
      %dma_start3A_423 = arith.constant 20 : i32
      %dma_start3A_424 = arith.constant 0 : i32
      %dma_start3A_425 = tpu.memref_slice %arg6[%dma_start3A_424] : memref<5120xf32, #tpu.memory_space<vmem>> -> memref<1024xf32, #tpu.memory_space<vmem>>
      %dma_start3A_426 = tpu.memref_slice %arg4[%dma_start3A_423, %add3A, %mul3A_0] : memref<50x32x16384xf32, #tpu.memory_space<hbm>> -> memref<1x1x1024xf32, #tpu.memory_space<hbm>>
      %dma_start3A_427 = tpu.memref_squeeze %dma_start3A_426 : memref<1x1x1024xf32, #tpu.memory_space<hbm>> -> memref<1024xf32, #tpu.memory_space<hbm>>
      %dma_start3A_428 = tpu.memref_slice %arg4[%dma_start3A_423, %add3A, %mul3A_0] : memref<50x32x16384xf32, #tpu.memory_space<hbm>> -> memref<1x1x1024xf32, #tpu.memory_space<hbm>>
      %dma_start3A_429 = tpu.memref_squeeze %dma_start3A_428 : memref<1x1x1024xf32, #tpu.memory_space<hbm>> -> memref<1024xf32, #tpu.memory_space<hbm>>
      %dma_start3A_430 = arith.constant 0 : i32
      %dma_start3A_431 = tpu.memref_slice %arg6[%dma_start3A_430] : memref<5120xf32, #tpu.memory_space<vmem>> -> memref<1024xf32, #tpu.memory_space<vmem>>
      tpu.enqueue_dma source(%dma_start3A_431 : memref<1024xf32, #tpu.memory_space<vmem>>) target(%dma_start3A_429 : memref<1024xf32, #tpu.memory_space<hbm>>) target_semaphore(%arg11 : memref<!tpu.dma_semaphore, #tpu.memory_space<semaphore_mem>>)
      %dma_start3A_432 = arith.constant 21 : i32
      %dma_start3A_433 = arith.constant 1024 : i32
      %dma_start3A_434 = tpu.memref_slice %arg6[%dma_start3A_433] : memref<5120xf32, #tpu.memory_space<vmem>> -> memref<1024xf32, #tpu.memory_space<vmem>>
      %dma_start3A_435 = tpu.memref_slice %arg4[%dma_start3A_432, %add3A, %mul3A_0] : memref<50x32x16384xf32, #tpu.memory_space<hbm>> -> memref<1x1x1024xf32, #tpu.memory_space<hbm>>
      %dma_start3A_436 = tpu.memref_squeeze %dma_start3A_435 : memref<1x1x1024xf32, #tpu.memory_space<hbm>> -> memref<1024xf32, #tpu.memory_space<hbm>>
      %dma_start3A_437 = tpu.memref_slice %arg4[%dma_start3A_432, %add3A, %mul3A_0] : memref<50x32x16384xf32, #tpu.memory_space<hbm>> -> memref<1x1x1024xf32, #tpu.memory_space<hbm>>
      %dma_start3A_438 = tpu.memref_squeeze %dma_start3A_437 : memref<1x1x1024xf32, #tpu.memory_space<hbm>> -> memref<1024xf32, #tpu.memory_space<hbm>>
      %dma_start3A_439 = arith.constant 1024 : i32
      %dma_start3A_440 = tpu.memref_slice %arg6[%dma_start3A_439] : memref<5120xf32, #tpu.memory_space<vmem>> -> memref<1024xf32, #tpu.memory_space<vmem>>
      tpu.enqueue_dma source(%dma_start3A_440 : memref<1024xf32, #tpu.memory_space<vmem>>) target(%dma_start3A_438 : memref<1024xf32, #tpu.memory_space<hbm>>) target_semaphore(%arg11 : memref<!tpu.dma_semaphore, #tpu.memory_space<semaphore_mem>>)
      %dma_start3A_441 = arith.constant 22 : i32
      %dma_start3A_442 = arith.constant 2048 : i32
      %dma_start3A_443 = tpu.memref_slice %arg6[%dma_start3A_442] : memref<5120xf32, #tpu.memory_space<vmem>> -> memref<1024xf32, #tpu.memory_space<vmem>>
      %dma_start3A_444 = tpu.memref_slice %arg4[%dma_start3A_441, %add3A, %mul3A_0] : memref<50x32x16384xf32, #tpu.memory_space<hbm>> -> memref<1x1x1024xf32, #tpu.memory_space<hbm>>
      %dma_start3A_445 = tpu.memref_squeeze %dma_start3A_444 : memref<1x1x1024xf32, #tpu.memory_space<hbm>> -> memref<1024xf32, #tpu.memory_space<hbm>>
      %dma_start3A_446 = tpu.memref_slice %arg4[%dma_start3A_441, %add3A, %mul3A_0] : memref<50x32x16384xf32, #tpu.memory_space<hbm>> -> memref<1x1x1024xf32, #tpu.memory_space<hbm>>
      %dma_start3A_447 = tpu.memref_squeeze %dma_start3A_446 : memref<1x1x1024xf32, #tpu.memory_space<hbm>> -> memref<1024xf32, #tpu.memory_space<hbm>>
      %dma_start3A_448 = arith.constant 2048 : i32
      %dma_start3A_449 = tpu.memref_slice %arg6[%dma_start3A_448] : memref<5120xf32, #tpu.memory_space<vmem>> -> memref<1024xf32, #tpu.memory_space<vmem>>
      tpu.enqueue_dma source(%dma_start3A_449 : memref<1024xf32, #tpu.memory_space<vmem>>) target(%dma_start3A_447 : memref<1024xf32, #tpu.memory_space<hbm>>) target_semaphore(%arg11 : memref<!tpu.dma_semaphore, #tpu.memory_space<semaphore_mem>>)
      %dma_start3A_450 = arith.constant 23 : i32
      %dma_start3A_451 = arith.constant 3072 : i32
      %dma_start3A_452 = tpu.memref_slice %arg6[%dma_start3A_451] : memref<5120xf32, #tpu.memory_space<vmem>> -> memref<1024xf32, #tpu.memory_space<vmem>>
      %dma_start3A_453 = tpu.memref_slice %arg4[%dma_start3A_450, %add3A, %mul3A_0] : memref<50x32x16384xf32, #tpu.memory_space<hbm>> -> memref<1x1x1024xf32, #tpu.memory_space<hbm>>
      %dma_start3A_454 = tpu.memref_squeeze %dma_start3A_453 : memref<1x1x1024xf32, #tpu.memory_space<hbm>> -> memref<1024xf32, #tpu.memory_space<hbm>>
      %dma_start3A_455 = tpu.memref_slice %arg4[%dma_start3A_450, %add3A, %mul3A_0] : memref<50x32x16384xf32, #tpu.memory_space<hbm>> -> memref<1x1x1024xf32, #tpu.memory_space<hbm>>
      %dma_start3A_456 = tpu.memref_squeeze %dma_start3A_455 : memref<1x1x1024xf32, #tpu.memory_space<hbm>> -> memref<1024xf32, #tpu.memory_space<hbm>>
      %dma_start3A_457 = arith.constant 3072 : i32
      %dma_start3A_458 = tpu.memref_slice %arg6[%dma_start3A_457] : memref<5120xf32, #tpu.memory_space<vmem>> -> memref<1024xf32, #tpu.memory_space<vmem>>
      tpu.enqueue_dma source(%dma_start3A_458 : memref<1024xf32, #tpu.memory_space<vmem>>) target(%dma_start3A_456 : memref<1024xf32, #tpu.memory_space<hbm>>) target_semaphore(%arg11 : memref<!tpu.dma_semaphore, #tpu.memory_space<semaphore_mem>>)
      %dma_start3A_459 = arith.constant 24 : i32
      %dma_start3A_460 = arith.constant 4096 : i32
      %dma_start3A_461 = tpu.memref_slice %arg6[%dma_start3A_460] : memref<5120xf32, #tpu.memory_space<vmem>> -> memref<1024xf32, #tpu.memory_space<vmem>>
      %dma_start3A_462 = tpu.memref_slice %arg4[%dma_start3A_459, %add3A, %mul3A_0] : memref<50x32x16384xf32, #tpu.memory_space<hbm>> -> memref<1x1x1024xf32, #tpu.memory_space<hbm>>
      %dma_start3A_463 = tpu.memref_squeeze %dma_start3A_462 : memref<1x1x1024xf32, #tpu.memory_space<hbm>> -> memref<1024xf32, #tpu.memory_space<hbm>>
      %dma_start3A_464 = tpu.memref_slice %arg4[%dma_start3A_459, %add3A, %mul3A_0] : memref<50x32x16384xf32, #tpu.memory_space<hbm>> -> memref<1x1x1024xf32, #tpu.memory_space<hbm>>
      %dma_start3A_465 = tpu.memref_squeeze %dma_start3A_464 : memref<1x1x1024xf32, #tpu.memory_space<hbm>> -> memref<1024xf32, #tpu.memory_space<hbm>>
      %dma_start3A_466 = arith.constant 4096 : i32
      %dma_start3A_467 = tpu.memref_slice %arg6[%dma_start3A_466] : memref<5120xf32, #tpu.memory_space<vmem>> -> memref<1024xf32, #tpu.memory_space<vmem>>
      tpu.enqueue_dma source(%dma_start3A_467 : memref<1024xf32, #tpu.memory_space<vmem>>) target(%dma_start3A_465 : memref<1024xf32, #tpu.memory_space<hbm>>) target_semaphore(%arg11 : memref<!tpu.dma_semaphore, #tpu.memory_space<semaphore_mem>>)
      %dma_wait3A_468 = arith.constant 20 : i32
      %dma_wait3A_469 = arith.constant 0 : i32
      %dma_wait3A_470 = tpu.memref_slice %arg6[%dma_wait3A_469] : memref<5120xf32, #tpu.memory_space<vmem>> -> memref<1024xf32, #tpu.memory_space<vmem>>
      %dma_wait3A_471 = tpu.memref_slice %arg4[%dma_wait3A_468, %add3A, %mul3A_0] : memref<50x32x16384xf32, #tpu.memory_space<hbm>> -> memref<1x1x1024xf32, #tpu.memory_space<hbm>>
      %dma_wait3A_472 = tpu.memref_squeeze %dma_wait3A_471 : memref<1x1x1024xf32, #tpu.memory_space<hbm>> -> memref<1024xf32, #tpu.memory_space<hbm>>
      %dma_wait3A_473 = tpu.memref_slice %arg4[%dma_wait3A_468, %add3A, %mul3A_0] : memref<50x32x16384xf32, #tpu.memory_space<hbm>> -> memref<1x1x1024xf32, #tpu.memory_space<hbm>>
      %dma_wait3A_474 = tpu.memref_squeeze %dma_wait3A_473 : memref<1x1x1024xf32, #tpu.memory_space<hbm>> -> memref<1024xf32, #tpu.memory_space<hbm>>
      %dma_wait3A_475 = arith.constant 0 : i32
      %dma_wait3A_476 = tpu.memref_slice %arg6[%dma_wait3A_475] : memref<5120xf32, #tpu.memory_space<vmem>> -> memref<1024xf32, #tpu.memory_space<vmem>>
      tpu.wait_dma2 semaphore(%arg11 : memref<!tpu.dma_semaphore, #tpu.memory_space<semaphore_mem>>) src(%dma_wait3A_476 : memref<1024xf32, #tpu.memory_space<vmem>>) dst(%dma_wait3A_474 : memref<1024xf32, #tpu.memory_space<hbm>>)
      %dma_wait3A_477 = arith.constant 21 : i32
      %dma_wait3A_478 = arith.constant 1024 : i32
      %dma_wait3A_479 = tpu.memref_slice %arg6[%dma_wait3A_478] : memref<5120xf32, #tpu.memory_space<vmem>> -> memref<1024xf32, #tpu.memory_space<vmem>>
      %dma_wait3A_480 = tpu.memref_slice %arg4[%dma_wait3A_477, %add3A, %mul3A_0] : memref<50x32x16384xf32, #tpu.memory_space<hbm>> -> memref<1x1x1024xf32, #tpu.memory_space<hbm>>
      %dma_wait3A_481 = tpu.memref_squeeze %dma_wait3A_480 : memref<1x1x1024xf32, #tpu.memory_space<hbm>> -> memref<1024xf32, #tpu.memory_space<hbm>>
      %dma_wait3A_482 = tpu.memref_slice %arg4[%dma_wait3A_477, %add3A, %mul3A_0] : memref<50x32x16384xf32, #tpu.memory_space<hbm>> -> memref<1x1x1024xf32, #tpu.memory_space<hbm>>
      %dma_wait3A_483 = tpu.memref_squeeze %dma_wait3A_482 : memref<1x1x1024xf32, #tpu.memory_space<hbm>> -> memref<1024xf32, #tpu.memory_space<hbm>>
      %dma_wait3A_484 = arith.constant 1024 : i32
      %dma_wait3A_485 = tpu.memref_slice %arg6[%dma_wait3A_484] : memref<5120xf32, #tpu.memory_space<vmem>> -> memref<1024xf32, #tpu.memory_space<vmem>>
      tpu.wait_dma2 semaphore(%arg11 : memref<!tpu.dma_semaphore, #tpu.memory_space<semaphore_mem>>) src(%dma_wait3A_485 : memref<1024xf32, #tpu.memory_space<vmem>>) dst(%dma_wait3A_483 : memref<1024xf32, #tpu.memory_space<hbm>>)
      %dma_wait3A_486 = arith.constant 22 : i32
      %dma_wait3A_487 = arith.constant 2048 : i32
      %dma_wait3A_488 = tpu.memref_slice %arg6[%dma_wait3A_487] : memref<5120xf32, #tpu.memory_space<vmem>> -> memref<1024xf32, #tpu.memory_space<vmem>>
      %dma_wait3A_489 = tpu.memref_slice %arg4[%dma_wait3A_486, %add3A, %mul3A_0] : memref<50x32x16384xf32, #tpu.memory_space<hbm>> -> memref<1x1x1024xf32, #tpu.memory_space<hbm>>
      %dma_wait3A_490 = tpu.memref_squeeze %dma_wait3A_489 : memref<1x1x1024xf32, #tpu.memory_space<hbm>> -> memref<1024xf32, #tpu.memory_space<hbm>>
      %dma_wait3A_491 = tpu.memref_slice %arg4[%dma_wait3A_486, %add3A, %mul3A_0] : memref<50x32x16384xf32, #tpu.memory_space<hbm>> -> memref<1x1x1024xf32, #tpu.memory_space<hbm>>
      %dma_wait3A_492 = tpu.memref_squeeze %dma_wait3A_491 : memref<1x1x1024xf32, #tpu.memory_space<hbm>> -> memref<1024xf32, #tpu.memory_space<hbm>>
      %dma_wait3A_493 = arith.constant 2048 : i32
      %dma_wait3A_494 = tpu.memref_slice %arg6[%dma_wait3A_493] : memref<5120xf32, #tpu.memory_space<vmem>> -> memref<1024xf32, #tpu.memory_space<vmem>>
      tpu.wait_dma2 semaphore(%arg11 : memref<!tpu.dma_semaphore, #tpu.memory_space<semaphore_mem>>) src(%dma_wait3A_494 : memref<1024xf32, #tpu.memory_space<vmem>>) dst(%dma_wait3A_492 : memref<1024xf32, #tpu.memory_space<hbm>>)
      %dma_wait3A_495 = arith.constant 23 : i32
      %dma_wait3A_496 = arith.constant 3072 : i32
      %dma_wait3A_497 = tpu.memref_slice %arg6[%dma_wait3A_496] : memref<5120xf32, #tpu.memory_space<vmem>> -> memref<1024xf32, #tpu.memory_space<vmem>>
      %dma_wait3A_498 = tpu.memref_slice %arg4[%dma_wait3A_495, %add3A, %mul3A_0] : memref<50x32x16384xf32, #tpu.memory_space<hbm>> -> memref<1x1x1024xf32, #tpu.memory_space<hbm>>
      %dma_wait3A_499 = tpu.memref_squeeze %dma_wait3A_498 : memref<1x1x1024xf32, #tpu.memory_space<hbm>> -> memref<1024xf32, #tpu.memory_space<hbm>>
      %dma_wait3A_500 = tpu.memref_slice %arg4[%dma_wait3A_495, %add3A, %mul3A_0] : memref<50x32x16384xf32, #tpu.memory_space<hbm>> -> memref<1x1x1024xf32, #tpu.memory_space<hbm>>
      %dma_wait3A_501 = tpu.memref_squeeze %dma_wait3A_500 : memref<1x1x1024xf32, #tpu.memory_space<hbm>> -> memref<1024xf32, #tpu.memory_space<hbm>>
      %dma_wait3A_502 = arith.constant 3072 : i32
      %dma_wait3A_503 = tpu.memref_slice %arg6[%dma_wait3A_502] : memref<5120xf32, #tpu.memory_space<vmem>> -> memref<1024xf32, #tpu.memory_space<vmem>>
      tpu.wait_dma2 semaphore(%arg11 : memref<!tpu.dma_semaphore, #tpu.memory_space<semaphore_mem>>) src(%dma_wait3A_503 : memref<1024xf32, #tpu.memory_space<vmem>>) dst(%dma_wait3A_501 : memref<1024xf32, #tpu.memory_space<hbm>>)
      %dma_wait3A_504 = arith.constant 24 : i32
      %dma_wait3A_505 = arith.constant 4096 : i32
      %dma_wait3A_506 = tpu.memref_slice %arg6[%dma_wait3A_505] : memref<5120xf32, #tpu.memory_space<vmem>> -> memref<1024xf32, #tpu.memory_space<vmem>>
      %dma_wait3A_507 = tpu.memref_slice %arg4[%dma_wait3A_504, %add3A, %mul3A_0] : memref<50x32x16384xf32, #tpu.memory_space<hbm>> -> memref<1x1x1024xf32, #tpu.memory_space<hbm>>
      %dma_wait3A_508 = tpu.memref_squeeze %dma_wait3A_507 : memref<1x1x1024xf32, #tpu.memory_space<hbm>> -> memref<1024xf32, #tpu.memory_space<hbm>>
      %dma_wait3A_509 = tpu.memref_slice %arg4[%dma_wait3A_504, %add3A, %mul3A_0] : memref<50x32x16384xf32, #tpu.memory_space<hbm>> -> memref<1x1x1024xf32, #tpu.memory_space<hbm>>
      %dma_wait3A_510 = tpu.memref_squeeze %dma_wait3A_509 : memref<1x1x1024xf32, #tpu.memory_space<hbm>> -> memref<1024xf32, #tpu.memory_space<hbm>>
      %dma_wait3A_511 = arith.constant 4096 : i32
      %dma_wait3A_512 = tpu.memref_slice %arg6[%dma_wait3A_511] : memref<5120xf32, #tpu.memory_space<vmem>> -> memref<1024xf32, #tpu.memory_space<vmem>>
      tpu.wait_dma2 semaphore(%arg11 : memref<!tpu.dma_semaphore, #tpu.memory_space<semaphore_mem>>) src(%dma_wait3A_512 : memref<1024xf32, #tpu.memory_space<vmem>>) dst(%dma_wait3A_510 : memref<1024xf32, #tpu.memory_space<hbm>>)
      %dma_start3A_513 = arith.constant 30720 : i32
      %dma_start3A_514 = tpu.memref_slice %arg5[%dma_start3A_513] : memref<51200xi32, #tpu.memory_space<vmem>> -> memref<5120xi32, #tpu.memory_space<vmem>>
      %dma_start3A_515 = arith.constant 0 : i32
      %dma_start3A_516 = tpu.memref_slice %arg8[%dma_start3A_515] : memref<1000000xf32, #tpu.memory_space<vmem_shared>> -> memref<1000000xf32, #tpu.memory_space<vmem_shared>>
      tpu.enqueue_indirect_dma source(%dma_start3A_516 : memref<1000000xf32, #tpu.memory_space<vmem_shared>>) target(%arg6 : memref<5120xf32, #tpu.memory_space<vmem>>) offsets(%dma_start3A_514 : memref<5120xi32, #tpu.memory_space<vmem>>) semaphore(%arg9 : memref<!tpu.dma_semaphore, #tpu.memory_space<semaphore_mem>>)
      %dma_wait3A_517 = arith.constant 25600 : i32
      %dma_wait3A_518 = tpu.memref_slice %arg5[%dma_wait3A_517] : memref<51200xi32, #tpu.memory_space<vmem>> -> memref<5120xi32, #tpu.memory_space<vmem>>
      %dma_wait3A_519 = arith.constant 0 : i32
      %dma_wait3A_520 = tpu.memref_slice %arg8[%dma_wait3A_519] : memref<1000000xf32, #tpu.memory_space<vmem_shared>> -> memref<1000000xf32, #tpu.memory_space<vmem_shared>>
      tpu.wait_indirect_dma semaphore(%arg10 : memref<!tpu.dma_semaphore, #tpu.memory_space<semaphore_mem>>) src(%dma_wait3A_520 : memref<1000000xf32, #tpu.memory_space<vmem_shared>>) dst(%arg7 : memref<5120xf32, #tpu.memory_space<vmem>>)
      %dma_start3A_521 = arith.constant 25 : i32
      %dma_start3A_522 = arith.constant 0 : i32
      %dma_start3A_523 = tpu.memref_slice %arg7[%dma_start3A_522] : memref<5120xf32, #tpu.memory_space<vmem>> -> memref<1024xf32, #tpu.memory_space<vmem>>
      %dma_start3A_524 = tpu.memref_slice %arg4[%dma_start3A_521, %add3A, %mul3A_0] : memref<50x32x16384xf32, #tpu.memory_space<hbm>> -> memref<1x1x1024xf32, #tpu.memory_space<hbm>>
      %dma_start3A_525 = tpu.memref_squeeze %dma_start3A_524 : memref<1x1x1024xf32, #tpu.memory_space<hbm>> -> memref<1024xf32, #tpu.memory_space<hbm>>
      %dma_start3A_526 = tpu.memref_slice %arg4[%dma_start3A_521, %add3A, %mul3A_0] : memref<50x32x16384xf32, #tpu.memory_space<hbm>> -> memref<1x1x1024xf32, #tpu.memory_space<hbm>>
      %dma_start3A_527 = tpu.memref_squeeze %dma_start3A_526 : memref<1x1x1024xf32, #tpu.memory_space<hbm>> -> memref<1024xf32, #tpu.memory_space<hbm>>
      %dma_start3A_528 = arith.constant 0 : i32
      %dma_start3A_529 = tpu.memref_slice %arg7[%dma_start3A_528] : memref<5120xf32, #tpu.memory_space<vmem>> -> memref<1024xf32, #tpu.memory_space<vmem>>
      tpu.enqueue_dma source(%dma_start3A_529 : memref<1024xf32, #tpu.memory_space<vmem>>) target(%dma_start3A_527 : memref<1024xf32, #tpu.memory_space<hbm>>) target_semaphore(%arg12 : memref<!tpu.dma_semaphore, #tpu.memory_space<semaphore_mem>>)
      %dma_start3A_530 = arith.constant 26 : i32
      %dma_start3A_531 = arith.constant 1024 : i32
      %dma_start3A_532 = tpu.memref_slice %arg7[%dma_start3A_531] : memref<5120xf32, #tpu.memory_space<vmem>> -> memref<1024xf32, #tpu.memory_space<vmem>>
      %dma_start3A_533 = tpu.memref_slice %arg4[%dma_start3A_530, %add3A, %mul3A_0] : memref<50x32x16384xf32, #tpu.memory_space<hbm>> -> memref<1x1x1024xf32, #tpu.memory_space<hbm>>
      %dma_start3A_534 = tpu.memref_squeeze %dma_start3A_533 : memref<1x1x1024xf32, #tpu.memory_space<hbm>> -> memref<1024xf32, #tpu.memory_space<hbm>>
      %dma_start3A_535 = tpu.memref_slice %arg4[%dma_start3A_530, %add3A, %mul3A_0] : memref<50x32x16384xf32, #tpu.memory_space<hbm>> -> memref<1x1x1024xf32, #tpu.memory_space<hbm>>
      %dma_start3A_536 = tpu.memref_squeeze %dma_start3A_535 : memref<1x1x1024xf32, #tpu.memory_space<hbm>> -> memref<1024xf32, #tpu.memory_space<hbm>>
      %dma_start3A_537 = arith.constant 1024 : i32
      %dma_start3A_538 = tpu.memref_slice %arg7[%dma_start3A_537] : memref<5120xf32, #tpu.memory_space<vmem>> -> memref<1024xf32, #tpu.memory_space<vmem>>
      tpu.enqueue_dma source(%dma_start3A_538 : memref<1024xf32, #tpu.memory_space<vmem>>) target(%dma_start3A_536 : memref<1024xf32, #tpu.memory_space<hbm>>) target_semaphore(%arg12 : memref<!tpu.dma_semaphore, #tpu.memory_space<semaphore_mem>>)
      %dma_start3A_539 = arith.constant 27 : i32
      %dma_start3A_540 = arith.constant 2048 : i32
      %dma_start3A_541 = tpu.memref_slice %arg7[%dma_start3A_540] : memref<5120xf32, #tpu.memory_space<vmem>> -> memref<1024xf32, #tpu.memory_space<vmem>>
      %dma_start3A_542 = tpu.memref_slice %arg4[%dma_start3A_539, %add3A, %mul3A_0] : memref<50x32x16384xf32, #tpu.memory_space<hbm>> -> memref<1x1x1024xf32, #tpu.memory_space<hbm>>
      %dma_start3A_543 = tpu.memref_squeeze %dma_start3A_542 : memref<1x1x1024xf32, #tpu.memory_space<hbm>> -> memref<1024xf32, #tpu.memory_space<hbm>>
      %dma_start3A_544 = tpu.memref_slice %arg4[%dma_start3A_539, %add3A, %mul3A_0] : memref<50x32x16384xf32, #tpu.memory_space<hbm>> -> memref<1x1x1024xf32, #tpu.memory_space<hbm>>
      %dma_start3A_545 = tpu.memref_squeeze %dma_start3A_544 : memref<1x1x1024xf32, #tpu.memory_space<hbm>> -> memref<1024xf32, #tpu.memory_space<hbm>>
      %dma_start3A_546 = arith.constant 2048 : i32
      %dma_start3A_547 = tpu.memref_slice %arg7[%dma_start3A_546] : memref<5120xf32, #tpu.memory_space<vmem>> -> memref<1024xf32, #tpu.memory_space<vmem>>
      tpu.enqueue_dma source(%dma_start3A_547 : memref<1024xf32, #tpu.memory_space<vmem>>) target(%dma_start3A_545 : memref<1024xf32, #tpu.memory_space<hbm>>) target_semaphore(%arg12 : memref<!tpu.dma_semaphore, #tpu.memory_space<semaphore_mem>>)
      %dma_start3A_548 = arith.constant 28 : i32
      %dma_start3A_549 = arith.constant 3072 : i32
      %dma_start3A_550 = tpu.memref_slice %arg7[%dma_start3A_549] : memref<5120xf32, #tpu.memory_space<vmem>> -> memref<1024xf32, #tpu.memory_space<vmem>>
      %dma_start3A_551 = tpu.memref_slice %arg4[%dma_start3A_548, %add3A, %mul3A_0] : memref<50x32x16384xf32, #tpu.memory_space<hbm>> -> memref<1x1x1024xf32, #tpu.memory_space<hbm>>
      %dma_start3A_552 = tpu.memref_squeeze %dma_start3A_551 : memref<1x1x1024xf32, #tpu.memory_space<hbm>> -> memref<1024xf32, #tpu.memory_space<hbm>>
      %dma_start3A_553 = tpu.memref_slice %arg4[%dma_start3A_548, %add3A, %mul3A_0] : memref<50x32x16384xf32, #tpu.memory_space<hbm>> -> memref<1x1x1024xf32, #tpu.memory_space<hbm>>
      %dma_start3A_554 = tpu.memref_squeeze %dma_start3A_553 : memref<1x1x1024xf32, #tpu.memory_space<hbm>> -> memref<1024xf32, #tpu.memory_space<hbm>>
      %dma_start3A_555 = arith.constant 3072 : i32
      %dma_start3A_556 = tpu.memref_slice %arg7[%dma_start3A_555] : memref<5120xf32, #tpu.memory_space<vmem>> -> memref<1024xf32, #tpu.memory_space<vmem>>
      tpu.enqueue_dma source(%dma_start3A_556 : memref<1024xf32, #tpu.memory_space<vmem>>) target(%dma_start3A_554 : memref<1024xf32, #tpu.memory_space<hbm>>) target_semaphore(%arg12 : memref<!tpu.dma_semaphore, #tpu.memory_space<semaphore_mem>>)
      %dma_start3A_557 = arith.constant 29 : i32
      %dma_start3A_558 = arith.constant 4096 : i32
      %dma_start3A_559 = tpu.memref_slice %arg7[%dma_start3A_558] : memref<5120xf32, #tpu.memory_space<vmem>> -> memref<1024xf32, #tpu.memory_space<vmem>>
      %dma_start3A_560 = tpu.memref_slice %arg4[%dma_start3A_557, %add3A, %mul3A_0] : memref<50x32x16384xf32, #tpu.memory_space<hbm>> -> memref<1x1x1024xf32, #tpu.memory_space<hbm>>
      %dma_start3A_561 = tpu.memref_squeeze %dma_start3A_560 : memref<1x1x1024xf32, #tpu.memory_space<hbm>> -> memref<1024xf32, #tpu.memory_space<hbm>>
      %dma_start3A_562 = tpu.memref_slice %arg4[%dma_start3A_557, %add3A, %mul3A_0] : memref<50x32x16384xf32, #tpu.memory_space<hbm>> -> memref<1x1x1024xf32, #tpu.memory_space<hbm>>
      %dma_start3A_563 = tpu.memref_squeeze %dma_start3A_562 : memref<1x1x1024xf32, #tpu.memory_space<hbm>> -> memref<1024xf32, #tpu.memory_space<hbm>>
      %dma_start3A_564 = arith.constant 4096 : i32
      %dma_start3A_565 = tpu.memref_slice %arg7[%dma_start3A_564] : memref<5120xf32, #tpu.memory_space<vmem>> -> memref<1024xf32, #tpu.memory_space<vmem>>
      tpu.enqueue_dma source(%dma_start3A_565 : memref<1024xf32, #tpu.memory_space<vmem>>) target(%dma_start3A_563 : memref<1024xf32, #tpu.memory_space<hbm>>) target_semaphore(%arg12 : memref<!tpu.dma_semaphore, #tpu.memory_space<semaphore_mem>>)
      %dma_wait3A_566 = arith.constant 25 : i32
      %dma_wait3A_567 = arith.constant 0 : i32
      %dma_wait3A_568 = tpu.memref_slice %arg7[%dma_wait3A_567] : memref<5120xf32, #tpu.memory_space<vmem>> -> memref<1024xf32, #tpu.memory_space<vmem>>
      %dma_wait3A_569 = tpu.memref_slice %arg4[%dma_wait3A_566, %add3A, %mul3A_0] : memref<50x32x16384xf32, #tpu.memory_space<hbm>> -> memref<1x1x1024xf32, #tpu.memory_space<hbm>>
      %dma_wait3A_570 = tpu.memref_squeeze %dma_wait3A_569 : memref<1x1x1024xf32, #tpu.memory_space<hbm>> -> memref<1024xf32, #tpu.memory_space<hbm>>
      %dma_wait3A_571 = tpu.memref_slice %arg4[%dma_wait3A_566, %add3A, %mul3A_0] : memref<50x32x16384xf32, #tpu.memory_space<hbm>> -> memref<1x1x1024xf32, #tpu.memory_space<hbm>>
      %dma_wait3A_572 = tpu.memref_squeeze %dma_wait3A_571 : memref<1x1x1024xf32, #tpu.memory_space<hbm>> -> memref<1024xf32, #tpu.memory_space<hbm>>
      %dma_wait3A_573 = arith.constant 0 : i32
      %dma_wait3A_574 = tpu.memref_slice %arg7[%dma_wait3A_573] : memref<5120xf32, #tpu.memory_space<vmem>> -> memref<1024xf32, #tpu.memory_space<vmem>>
      tpu.wait_dma2 semaphore(%arg12 : memref<!tpu.dma_semaphore, #tpu.memory_space<semaphore_mem>>) src(%dma_wait3A_574 : memref<1024xf32, #tpu.memory_space<vmem>>) dst(%dma_wait3A_572 : memref<1024xf32, #tpu.memory_space<hbm>>)
      %dma_wait3A_575 = arith.constant 26 : i32
      %dma_wait3A_576 = arith.constant 1024 : i32
      %dma_wait3A_577 = tpu.memref_slice %arg7[%dma_wait3A_576] : memref<5120xf32, #tpu.memory_space<vmem>> -> memref<1024xf32, #tpu.memory_space<vmem>>
      %dma_wait3A_578 = tpu.memref_slice %arg4[%dma_wait3A_575, %add3A, %mul3A_0] : memref<50x32x16384xf32, #tpu.memory_space<hbm>> -> memref<1x1x1024xf32, #tpu.memory_space<hbm>>
      %dma_wait3A_579 = tpu.memref_squeeze %dma_wait3A_578 : memref<1x1x1024xf32, #tpu.memory_space<hbm>> -> memref<1024xf32, #tpu.memory_space<hbm>>
      %dma_wait3A_580 = tpu.memref_slice %arg4[%dma_wait3A_575, %add3A, %mul3A_0] : memref<50x32x16384xf32, #tpu.memory_space<hbm>> -> memref<1x1x1024xf32, #tpu.memory_space<hbm>>
      %dma_wait3A_581 = tpu.memref_squeeze %dma_wait3A_580 : memref<1x1x1024xf32, #tpu.memory_space<hbm>> -> memref<1024xf32, #tpu.memory_space<hbm>>
      %dma_wait3A_582 = arith.constant 1024 : i32
      %dma_wait3A_583 = tpu.memref_slice %arg7[%dma_wait3A_582] : memref<5120xf32, #tpu.memory_space<vmem>> -> memref<1024xf32, #tpu.memory_space<vmem>>
      tpu.wait_dma2 semaphore(%arg12 : memref<!tpu.dma_semaphore, #tpu.memory_space<semaphore_mem>>) src(%dma_wait3A_583 : memref<1024xf32, #tpu.memory_space<vmem>>) dst(%dma_wait3A_581 : memref<1024xf32, #tpu.memory_space<hbm>>)
      %dma_wait3A_584 = arith.constant 27 : i32
      %dma_wait3A_585 = arith.constant 2048 : i32
      %dma_wait3A_586 = tpu.memref_slice %arg7[%dma_wait3A_585] : memref<5120xf32, #tpu.memory_space<vmem>> -> memref<1024xf32, #tpu.memory_space<vmem>>
      %dma_wait3A_587 = tpu.memref_slice %arg4[%dma_wait3A_584, %add3A, %mul3A_0] : memref<50x32x16384xf32, #tpu.memory_space<hbm>> -> memref<1x1x1024xf32, #tpu.memory_space<hbm>>
      %dma_wait3A_588 = tpu.memref_squeeze %dma_wait3A_587 : memref<1x1x1024xf32, #tpu.memory_space<hbm>> -> memref<1024xf32, #tpu.memory_space<hbm>>
      %dma_wait3A_589 = tpu.memref_slice %arg4[%dma_wait3A_584, %add3A, %mul3A_0] : memref<50x32x16384xf32, #tpu.memory_space<hbm>> -> memref<1x1x1024xf32, #tpu.memory_space<hbm>>
      %dma_wait3A_590 = tpu.memref_squeeze %dma_wait3A_589 : memref<1x1x1024xf32, #tpu.memory_space<hbm>> -> memref<1024xf32, #tpu.memory_space<hbm>>
      %dma_wait3A_591 = arith.constant 2048 : i32
      %dma_wait3A_592 = tpu.memref_slice %arg7[%dma_wait3A_591] : memref<5120xf32, #tpu.memory_space<vmem>> -> memref<1024xf32, #tpu.memory_space<vmem>>
      tpu.wait_dma2 semaphore(%arg12 : memref<!tpu.dma_semaphore, #tpu.memory_space<semaphore_mem>>) src(%dma_wait3A_592 : memref<1024xf32, #tpu.memory_space<vmem>>) dst(%dma_wait3A_590 : memref<1024xf32, #tpu.memory_space<hbm>>)
      %dma_wait3A_593 = arith.constant 28 : i32
      %dma_wait3A_594 = arith.constant 3072 : i32
      %dma_wait3A_595 = tpu.memref_slice %arg7[%dma_wait3A_594] : memref<5120xf32, #tpu.memory_space<vmem>> -> memref<1024xf32, #tpu.memory_space<vmem>>
      %dma_wait3A_596 = tpu.memref_slice %arg4[%dma_wait3A_593, %add3A, %mul3A_0] : memref<50x32x16384xf32, #tpu.memory_space<hbm>> -> memref<1x1x1024xf32, #tpu.memory_space<hbm>>
      %dma_wait3A_597 = tpu.memref_squeeze %dma_wait3A_596 : memref<1x1x1024xf32, #tpu.memory_space<hbm>> -> memref<1024xf32, #tpu.memory_space<hbm>>
      %dma_wait3A_598 = tpu.memref_slice %arg4[%dma_wait3A_593, %add3A, %mul3A_0] : memref<50x32x16384xf32, #tpu.memory_space<hbm>> -> memref<1x1x1024xf32, #tpu.memory_space<hbm>>
      %dma_wait3A_599 = tpu.memref_squeeze %dma_wait3A_598 : memref<1x1x1024xf32, #tpu.memory_space<hbm>> -> memref<1024xf32, #tpu.memory_space<hbm>>
      %dma_wait3A_600 = arith.constant 3072 : i32
      %dma_wait3A_601 = tpu.memref_slice %arg7[%dma_wait3A_600] : memref<5120xf32, #tpu.memory_space<vmem>> -> memref<1024xf32, #tpu.memory_space<vmem>>
      tpu.wait_dma2 semaphore(%arg12 : memref<!tpu.dma_semaphore, #tpu.memory_space<semaphore_mem>>) src(%dma_wait3A_601 : memref<1024xf32, #tpu.memory_space<vmem>>) dst(%dma_wait3A_599 : memref<1024xf32, #tpu.memory_space<hbm>>)
      %dma_wait3A_602 = arith.constant 29 : i32
      %dma_wait3A_603 = arith.constant 4096 : i32
      %dma_wait3A_604 = tpu.memref_slice %arg7[%dma_wait3A_603] : memref<5120xf32, #tpu.memory_space<vmem>> -> memref<1024xf32, #tpu.memory_space<vmem>>
      %dma_wait3A_605 = tpu.memref_slice %arg4[%dma_wait3A_602, %add3A, %mul3A_0] : memref<50x32x16384xf32, #tpu.memory_space<hbm>> -> memref<1x1x1024xf32, #tpu.memory_space<hbm>>
      %dma_wait3A_606 = tpu.memref_squeeze %dma_wait3A_605 : memref<1x1x1024xf32, #tpu.memory_space<hbm>> -> memref<1024xf32, #tpu.memory_space<hbm>>
      %dma_wait3A_607 = tpu.memref_slice %arg4[%dma_wait3A_602, %add3A, %mul3A_0] : memref<50x32x16384xf32, #tpu.memory_space<hbm>> -> memref<1x1x1024xf32, #tpu.memory_space<hbm>>
      %dma_wait3A_608 = tpu.memref_squeeze %dma_wait3A_607 : memref<1x1x1024xf32, #tpu.memory_space<hbm>> -> memref<1024xf32, #tpu.memory_space<hbm>>
      %dma_wait3A_609 = arith.constant 4096 : i32
      %dma_wait3A_610 = tpu.memref_slice %arg7[%dma_wait3A_609] : memref<5120xf32, #tpu.memory_space<vmem>> -> memref<1024xf32, #tpu.memory_space<vmem>>
      tpu.wait_dma2 semaphore(%arg12 : memref<!tpu.dma_semaphore, #tpu.memory_space<semaphore_mem>>) src(%dma_wait3A_610 : memref<1024xf32, #tpu.memory_space<vmem>>) dst(%dma_wait3A_608 : memref<1024xf32, #tpu.memory_space<hbm>>)
      %dma_start3A_611 = arith.constant 35840 : i32
      %dma_start3A_612 = tpu.memref_slice %arg5[%dma_start3A_611] : memref<51200xi32, #tpu.memory_space<vmem>> -> memref<5120xi32, #tpu.memory_space<vmem>>
      %dma_start3A_613 = arith.constant 0 : i32
      %dma_start3A_614 = tpu.memref_slice %arg8[%dma_start3A_613] : memref<1000000xf32, #tpu.memory_space<vmem_shared>> -> memref<1000000xf32, #tpu.memory_space<vmem_shared>>
      tpu.enqueue_indirect_dma source(%dma_start3A_614 : memref<1000000xf32, #tpu.memory_space<vmem_shared>>) target(%arg7 : memref<5120xf32, #tpu.memory_space<vmem>>) offsets(%dma_start3A_612 : memref<5120xi32, #tpu.memory_space<vmem>>) semaphore(%arg10 : memref<!tpu.dma_semaphore, #tpu.memory_space<semaphore_mem>>)
      %dma_wait3A_615 = arith.constant 30720 : i32
      %dma_wait3A_616 = tpu.memref_slice %arg5[%dma_wait3A_615] : memref<51200xi32, #tpu.memory_space<vmem>> -> memref<5120xi32, #tpu.memory_space<vmem>>
      %dma_wait3A_617 = arith.constant 0 : i32
      %dma_wait3A_618 = tpu.memref_slice %arg8[%dma_wait3A_617] : memref<1000000xf32, #tpu.memory_space<vmem_shared>> -> memref<1000000xf32, #tpu.memory_space<vmem_shared>>
      tpu.wait_indirect_dma semaphore(%arg9 : memref<!tpu.dma_semaphore, #tpu.memory_space<semaphore_mem>>) src(%dma_wait3A_618 : memref<1000000xf32, #tpu.memory_space<vmem_shared>>) dst(%arg6 : memref<5120xf32, #tpu.memory_space<vmem>>)
      %dma_start3A_619 = arith.constant 30 : i32
      %dma_start3A_620 = arith.constant 0 : i32
      %dma_start3A_621 = tpu.memref_slice %arg6[%dma_start3A_620] : memref<5120xf32, #tpu.memory_space<vmem>> -> memref<1024xf32, #tpu.memory_space<vmem>>
      %dma_start3A_622 = tpu.memref_slice %arg4[%dma_start3A_619, %add3A, %mul3A_0] : memref<50x32x16384xf32, #tpu.memory_space<hbm>> -> memref<1x1x1024xf32, #tpu.memory_space<hbm>>
      %dma_start3A_623 = tpu.memref_squeeze %dma_start3A_622 : memref<1x1x1024xf32, #tpu.memory_space<hbm>> -> memref<1024xf32, #tpu.memory_space<hbm>>
      %dma_start3A_624 = tpu.memref_slice %arg4[%dma_start3A_619, %add3A, %mul3A_0] : memref<50x32x16384xf32, #tpu.memory_space<hbm>> -> memref<1x1x1024xf32, #tpu.memory_space<hbm>>
      %dma_start3A_625 = tpu.memref_squeeze %dma_start3A_624 : memref<1x1x1024xf32, #tpu.memory_space<hbm>> -> memref<1024xf32, #tpu.memory_space<hbm>>
      %dma_start3A_626 = arith.constant 0 : i32
      %dma_start3A_627 = tpu.memref_slice %arg6[%dma_start3A_626] : memref<5120xf32, #tpu.memory_space<vmem>> -> memref<1024xf32, #tpu.memory_space<vmem>>
      tpu.enqueue_dma source(%dma_start3A_627 : memref<1024xf32, #tpu.memory_space<vmem>>) target(%dma_start3A_625 : memref<1024xf32, #tpu.memory_space<hbm>>) target_semaphore(%arg11 : memref<!tpu.dma_semaphore, #tpu.memory_space<semaphore_mem>>)
      %dma_start3A_628 = arith.constant 31 : i32
      %dma_start3A_629 = arith.constant 1024 : i32
      %dma_start3A_630 = tpu.memref_slice %arg6[%dma_start3A_629] : memref<5120xf32, #tpu.memory_space<vmem>> -> memref<1024xf32, #tpu.memory_space<vmem>>
      %dma_start3A_631 = tpu.memref_slice %arg4[%dma_start3A_628, %add3A, %mul3A_0] : memref<50x32x16384xf32, #tpu.memory_space<hbm>> -> memref<1x1x1024xf32, #tpu.memory_space<hbm>>
      %dma_start3A_632 = tpu.memref_squeeze %dma_start3A_631 : memref<1x1x1024xf32, #tpu.memory_space<hbm>> -> memref<1024xf32, #tpu.memory_space<hbm>>
      %dma_start3A_633 = tpu.memref_slice %arg4[%dma_start3A_628, %add3A, %mul3A_0] : memref<50x32x16384xf32, #tpu.memory_space<hbm>> -> memref<1x1x1024xf32, #tpu.memory_space<hbm>>
      %dma_start3A_634 = tpu.memref_squeeze %dma_start3A_633 : memref<1x1x1024xf32, #tpu.memory_space<hbm>> -> memref<1024xf32, #tpu.memory_space<hbm>>
      %dma_start3A_635 = arith.constant 1024 : i32
      %dma_start3A_636 = tpu.memref_slice %arg6[%dma_start3A_635] : memref<5120xf32, #tpu.memory_space<vmem>> -> memref<1024xf32, #tpu.memory_space<vmem>>
      tpu.enqueue_dma source(%dma_start3A_636 : memref<1024xf32, #tpu.memory_space<vmem>>) target(%dma_start3A_634 : memref<1024xf32, #tpu.memory_space<hbm>>) target_semaphore(%arg11 : memref<!tpu.dma_semaphore, #tpu.memory_space<semaphore_mem>>)
      %dma_start3A_637 = arith.constant 32 : i32
      %dma_start3A_638 = arith.constant 2048 : i32
      %dma_start3A_639 = tpu.memref_slice %arg6[%dma_start3A_638] : memref<5120xf32, #tpu.memory_space<vmem>> -> memref<1024xf32, #tpu.memory_space<vmem>>
      %dma_start3A_640 = tpu.memref_slice %arg4[%dma_start3A_637, %add3A, %mul3A_0] : memref<50x32x16384xf32, #tpu.memory_space<hbm>> -> memref<1x1x1024xf32, #tpu.memory_space<hbm>>
      %dma_start3A_641 = tpu.memref_squeeze %dma_start3A_640 : memref<1x1x1024xf32, #tpu.memory_space<hbm>> -> memref<1024xf32, #tpu.memory_space<hbm>>
      %dma_start3A_642 = tpu.memref_slice %arg4[%dma_start3A_637, %add3A, %mul3A_0] : memref<50x32x16384xf32, #tpu.memory_space<hbm>> -> memref<1x1x1024xf32, #tpu.memory_space<hbm>>
      %dma_start3A_643 = tpu.memref_squeeze %dma_start3A_642 : memref<1x1x1024xf32, #tpu.memory_space<hbm>> -> memref<1024xf32, #tpu.memory_space<hbm>>
      %dma_start3A_644 = arith.constant 2048 : i32
      %dma_start3A_645 = tpu.memref_slice %arg6[%dma_start3A_644] : memref<5120xf32, #tpu.memory_space<vmem>> -> memref<1024xf32, #tpu.memory_space<vmem>>
      tpu.enqueue_dma source(%dma_start3A_645 : memref<1024xf32, #tpu.memory_space<vmem>>) target(%dma_start3A_643 : memref<1024xf32, #tpu.memory_space<hbm>>) target_semaphore(%arg11 : memref<!tpu.dma_semaphore, #tpu.memory_space<semaphore_mem>>)
      %dma_start3A_646 = arith.constant 33 : i32
      %dma_start3A_647 = arith.constant 3072 : i32
      %dma_start3A_648 = tpu.memref_slice %arg6[%dma_start3A_647] : memref<5120xf32, #tpu.memory_space<vmem>> -> memref<1024xf32, #tpu.memory_space<vmem>>
      %dma_start3A_649 = tpu.memref_slice %arg4[%dma_start3A_646, %add3A, %mul3A_0] : memref<50x32x16384xf32, #tpu.memory_space<hbm>> -> memref<1x1x1024xf32, #tpu.memory_space<hbm>>
      %dma_start3A_650 = tpu.memref_squeeze %dma_start3A_649 : memref<1x1x1024xf32, #tpu.memory_space<hbm>> -> memref<1024xf32, #tpu.memory_space<hbm>>
      %dma_start3A_651 = tpu.memref_slice %arg4[%dma_start3A_646, %add3A, %mul3A_0] : memref<50x32x16384xf32, #tpu.memory_space<hbm>> -> memref<1x1x1024xf32, #tpu.memory_space<hbm>>
      %dma_start3A_652 = tpu.memref_squeeze %dma_start3A_651 : memref<1x1x1024xf32, #tpu.memory_space<hbm>> -> memref<1024xf32, #tpu.memory_space<hbm>>
      %dma_start3A_653 = arith.constant 3072 : i32
      %dma_start3A_654 = tpu.memref_slice %arg6[%dma_start3A_653] : memref<5120xf32, #tpu.memory_space<vmem>> -> memref<1024xf32, #tpu.memory_space<vmem>>
      tpu.enqueue_dma source(%dma_start3A_654 : memref<1024xf32, #tpu.memory_space<vmem>>) target(%dma_start3A_652 : memref<1024xf32, #tpu.memory_space<hbm>>) target_semaphore(%arg11 : memref<!tpu.dma_semaphore, #tpu.memory_space<semaphore_mem>>)
      %dma_start3A_655 = arith.constant 34 : i32
      %dma_start3A_656 = arith.constant 4096 : i32
      %dma_start3A_657 = tpu.memref_slice %arg6[%dma_start3A_656] : memref<5120xf32, #tpu.memory_space<vmem>> -> memref<1024xf32, #tpu.memory_space<vmem>>
      %dma_start3A_658 = tpu.memref_slice %arg4[%dma_start3A_655, %add3A, %mul3A_0] : memref<50x32x16384xf32, #tpu.memory_space<hbm>> -> memref<1x1x1024xf32, #tpu.memory_space<hbm>>
      %dma_start3A_659 = tpu.memref_squeeze %dma_start3A_658 : memref<1x1x1024xf32, #tpu.memory_space<hbm>> -> memref<1024xf32, #tpu.memory_space<hbm>>
      %dma_start3A_660 = tpu.memref_slice %arg4[%dma_start3A_655, %add3A, %mul3A_0] : memref<50x32x16384xf32, #tpu.memory_space<hbm>> -> memref<1x1x1024xf32, #tpu.memory_space<hbm>>
      %dma_start3A_661 = tpu.memref_squeeze %dma_start3A_660 : memref<1x1x1024xf32, #tpu.memory_space<hbm>> -> memref<1024xf32, #tpu.memory_space<hbm>>
      %dma_start3A_662 = arith.constant 4096 : i32
      %dma_start3A_663 = tpu.memref_slice %arg6[%dma_start3A_662] : memref<5120xf32, #tpu.memory_space<vmem>> -> memref<1024xf32, #tpu.memory_space<vmem>>
      tpu.enqueue_dma source(%dma_start3A_663 : memref<1024xf32, #tpu.memory_space<vmem>>) target(%dma_start3A_661 : memref<1024xf32, #tpu.memory_space<hbm>>) target_semaphore(%arg11 : memref<!tpu.dma_semaphore, #tpu.memory_space<semaphore_mem>>)
      %dma_wait3A_664 = arith.constant 30 : i32
      %dma_wait3A_665 = arith.constant 0 : i32
      %dma_wait3A_666 = tpu.memref_slice %arg6[%dma_wait3A_665] : memref<5120xf32, #tpu.memory_space<vmem>> -> memref<1024xf32, #tpu.memory_space<vmem>>
      %dma_wait3A_667 = tpu.memref_slice %arg4[%dma_wait3A_664, %add3A, %mul3A_0] : memref<50x32x16384xf32, #tpu.memory_space<hbm>> -> memref<1x1x1024xf32, #tpu.memory_space<hbm>>
      %dma_wait3A_668 = tpu.memref_squeeze %dma_wait3A_667 : memref<1x1x1024xf32, #tpu.memory_space<hbm>> -> memref<1024xf32, #tpu.memory_space<hbm>>
      %dma_wait3A_669 = tpu.memref_slice %arg4[%dma_wait3A_664, %add3A, %mul3A_0] : memref<50x32x16384xf32, #tpu.memory_space<hbm>> -> memref<1x1x1024xf32, #tpu.memory_space<hbm>>
      %dma_wait3A_670 = tpu.memref_squeeze %dma_wait3A_669 : memref<1x1x1024xf32, #tpu.memory_space<hbm>> -> memref<1024xf32, #tpu.memory_space<hbm>>
      %dma_wait3A_671 = arith.constant 0 : i32
      %dma_wait3A_672 = tpu.memref_slice %arg6[%dma_wait3A_671] : memref<5120xf32, #tpu.memory_space<vmem>> -> memref<1024xf32, #tpu.memory_space<vmem>>
      tpu.wait_dma2 semaphore(%arg11 : memref<!tpu.dma_semaphore, #tpu.memory_space<semaphore_mem>>) src(%dma_wait3A_672 : memref<1024xf32, #tpu.memory_space<vmem>>) dst(%dma_wait3A_670 : memref<1024xf32, #tpu.memory_space<hbm>>)
      %dma_wait3A_673 = arith.constant 31 : i32
      %dma_wait3A_674 = arith.constant 1024 : i32
      %dma_wait3A_675 = tpu.memref_slice %arg6[%dma_wait3A_674] : memref<5120xf32, #tpu.memory_space<vmem>> -> memref<1024xf32, #tpu.memory_space<vmem>>
      %dma_wait3A_676 = tpu.memref_slice %arg4[%dma_wait3A_673, %add3A, %mul3A_0] : memref<50x32x16384xf32, #tpu.memory_space<hbm>> -> memref<1x1x1024xf32, #tpu.memory_space<hbm>>
      %dma_wait3A_677 = tpu.memref_squeeze %dma_wait3A_676 : memref<1x1x1024xf32, #tpu.memory_space<hbm>> -> memref<1024xf32, #tpu.memory_space<hbm>>
      %dma_wait3A_678 = tpu.memref_slice %arg4[%dma_wait3A_673, %add3A, %mul3A_0] : memref<50x32x16384xf32, #tpu.memory_space<hbm>> -> memref<1x1x1024xf32, #tpu.memory_space<hbm>>
      %dma_wait3A_679 = tpu.memref_squeeze %dma_wait3A_678 : memref<1x1x1024xf32, #tpu.memory_space<hbm>> -> memref<1024xf32, #tpu.memory_space<hbm>>
      %dma_wait3A_680 = arith.constant 1024 : i32
      %dma_wait3A_681 = tpu.memref_slice %arg6[%dma_wait3A_680] : memref<5120xf32, #tpu.memory_space<vmem>> -> memref<1024xf32, #tpu.memory_space<vmem>>
      tpu.wait_dma2 semaphore(%arg11 : memref<!tpu.dma_semaphore, #tpu.memory_space<semaphore_mem>>) src(%dma_wait3A_681 : memref<1024xf32, #tpu.memory_space<vmem>>) dst(%dma_wait3A_679 : memref<1024xf32, #tpu.memory_space<hbm>>)
      %dma_wait3A_682 = arith.constant 32 : i32
      %dma_wait3A_683 = arith.constant 2048 : i32
      %dma_wait3A_684 = tpu.memref_slice %arg6[%dma_wait3A_683] : memref<5120xf32, #tpu.memory_space<vmem>> -> memref<1024xf32, #tpu.memory_space<vmem>>
      %dma_wait3A_685 = tpu.memref_slice %arg4[%dma_wait3A_682, %add3A, %mul3A_0] : memref<50x32x16384xf32, #tpu.memory_space<hbm>> -> memref<1x1x1024xf32, #tpu.memory_space<hbm>>
      %dma_wait3A_686 = tpu.memref_squeeze %dma_wait3A_685 : memref<1x1x1024xf32, #tpu.memory_space<hbm>> -> memref<1024xf32, #tpu.memory_space<hbm>>
      %dma_wait3A_687 = tpu.memref_slice %arg4[%dma_wait3A_682, %add3A, %mul3A_0] : memref<50x32x16384xf32, #tpu.memory_space<hbm>> -> memref<1x1x1024xf32, #tpu.memory_space<hbm>>
      %dma_wait3A_688 = tpu.memref_squeeze %dma_wait3A_687 : memref<1x1x1024xf32, #tpu.memory_space<hbm>> -> memref<1024xf32, #tpu.memory_space<hbm>>
      %dma_wait3A_689 = arith.constant 2048 : i32
      %dma_wait3A_690 = tpu.memref_slice %arg6[%dma_wait3A_689] : memref<5120xf32, #tpu.memory_space<vmem>> -> memref<1024xf32, #tpu.memory_space<vmem>>
      tpu.wait_dma2 semaphore(%arg11 : memref<!tpu.dma_semaphore, #tpu.memory_space<semaphore_mem>>) src(%dma_wait3A_690 : memref<1024xf32, #tpu.memory_space<vmem>>) dst(%dma_wait3A_688 : memref<1024xf32, #tpu.memory_space<hbm>>)
      %dma_wait3A_691 = arith.constant 33 : i32
      %dma_wait3A_692 = arith.constant 3072 : i32
      %dma_wait3A_693 = tpu.memref_slice %arg6[%dma_wait3A_692] : memref<5120xf32, #tpu.memory_space<vmem>> -> memref<1024xf32, #tpu.memory_space<vmem>>
      %dma_wait3A_694 = tpu.memref_slice %arg4[%dma_wait3A_691, %add3A, %mul3A_0] : memref<50x32x16384xf32, #tpu.memory_space<hbm>> -> memref<1x1x1024xf32, #tpu.memory_space<hbm>>
      %dma_wait3A_695 = tpu.memref_squeeze %dma_wait3A_694 : memref<1x1x1024xf32, #tpu.memory_space<hbm>> -> memref<1024xf32, #tpu.memory_space<hbm>>
      %dma_wait3A_696 = tpu.memref_slice %arg4[%dma_wait3A_691, %add3A, %mul3A_0] : memref<50x32x16384xf32, #tpu.memory_space<hbm>> -> memref<1x1x1024xf32, #tpu.memory_space<hbm>>
      %dma_wait3A_697 = tpu.memref_squeeze %dma_wait3A_696 : memref<1x1x1024xf32, #tpu.memory_space<hbm>> -> memref<1024xf32, #tpu.memory_space<hbm>>
      %dma_wait3A_698 = arith.constant 3072 : i32
      %dma_wait3A_699 = tpu.memref_slice %arg6[%dma_wait3A_698] : memref<5120xf32, #tpu.memory_space<vmem>> -> memref<1024xf32, #tpu.memory_space<vmem>>
      tpu.wait_dma2 semaphore(%arg11 : memref<!tpu.dma_semaphore, #tpu.memory_space<semaphore_mem>>) src(%dma_wait3A_699 : memref<1024xf32, #tpu.memory_space<vmem>>) dst(%dma_wait3A_697 : memref<1024xf32, #tpu.memory_space<hbm>>)
      %dma_wait3A_700 = arith.constant 34 : i32
      %dma_wait3A_701 = arith.constant 4096 : i32
      %dma_wait3A_702 = tpu.memref_slice %arg6[%dma_wait3A_701] : memref<5120xf32, #tpu.memory_space<vmem>> -> memref<1024xf32, #tpu.memory_space<vmem>>
      %dma_wait3A_703 = tpu.memref_slice %arg4[%dma_wait3A_700, %add3A, %mul3A_0] : memref<50x32x16384xf32, #tpu.memory_space<hbm>> -> memref<1x1x1024xf32, #tpu.memory_space<hbm>>
      %dma_wait3A_704 = tpu.memref_squeeze %dma_wait3A_703 : memref<1x1x1024xf32, #tpu.memory_space<hbm>> -> memref<1024xf32, #tpu.memory_space<hbm>>
      %dma_wait3A_705 = tpu.memref_slice %arg4[%dma_wait3A_700, %add3A, %mul3A_0] : memref<50x32x16384xf32, #tpu.memory_space<hbm>> -> memref<1x1x1024xf32, #tpu.memory_space<hbm>>
      %dma_wait3A_706 = tpu.memref_squeeze %dma_wait3A_705 : memref<1x1x1024xf32, #tpu.memory_space<hbm>> -> memref<1024xf32, #tpu.memory_space<hbm>>
      %dma_wait3A_707 = arith.constant 4096 : i32
      %dma_wait3A_708 = tpu.memref_slice %arg6[%dma_wait3A_707] : memref<5120xf32, #tpu.memory_space<vmem>> -> memref<1024xf32, #tpu.memory_space<vmem>>
      tpu.wait_dma2 semaphore(%arg11 : memref<!tpu.dma_semaphore, #tpu.memory_space<semaphore_mem>>) src(%dma_wait3A_708 : memref<1024xf32, #tpu.memory_space<vmem>>) dst(%dma_wait3A_706 : memref<1024xf32, #tpu.memory_space<hbm>>)
      %dma_start3A_709 = arith.constant 40960 : i32
      %dma_start3A_710 = tpu.memref_slice %arg5[%dma_start3A_709] : memref<51200xi32, #tpu.memory_space<vmem>> -> memref<5120xi32, #tpu.memory_space<vmem>>
      %dma_start3A_711 = arith.constant 0 : i32
      %dma_start3A_712 = tpu.memref_slice %arg8[%dma_start3A_711] : memref<1000000xf32, #tpu.memory_space<vmem_shared>> -> memref<1000000xf32, #tpu.memory_space<vmem_shared>>
      tpu.enqueue_indirect_dma source(%dma_start3A_712 : memref<1000000xf32, #tpu.memory_space<vmem_shared>>) target(%arg6 : memref<5120xf32, #tpu.memory_space<vmem>>) offsets(%dma_start3A_710 : memref<5120xi32, #tpu.memory_space<vmem>>) semaphore(%arg9 : memref<!tpu.dma_semaphore, #tpu.memory_space<semaphore_mem>>)
      %dma_wait3A_713 = arith.constant 35840 : i32
      %dma_wait3A_714 = tpu.memref_slice %arg5[%dma_wait3A_713] : memref<51200xi32, #tpu.memory_space<vmem>> -> memref<5120xi32, #tpu.memory_space<vmem>>
      %dma_wait3A_715 = arith.constant 0 : i32
      %dma_wait3A_716 = tpu.memref_slice %arg8[%dma_wait3A_715] : memref<1000000xf32, #tpu.memory_space<vmem_shared>> -> memref<1000000xf32, #tpu.memory_space<vmem_shared>>
      tpu.wait_indirect_dma semaphore(%arg10 : memref<!tpu.dma_semaphore, #tpu.memory_space<semaphore_mem>>) src(%dma_wait3A_716 : memref<1000000xf32, #tpu.memory_space<vmem_shared>>) dst(%arg7 : memref<5120xf32, #tpu.memory_space<vmem>>)
      %dma_start3A_717 = arith.constant 35 : i32
      %dma_start3A_718 = arith.constant 0 : i32
      %dma_start3A_719 = tpu.memref_slice %arg7[%dma_start3A_718] : memref<5120xf32, #tpu.memory_space<vmem>> -> memref<1024xf32, #tpu.memory_space<vmem>>
      %dma_start3A_720 = tpu.memref_slice %arg4[%dma_start3A_717, %add3A, %mul3A_0] : memref<50x32x16384xf32, #tpu.memory_space<hbm>> -> memref<1x1x1024xf32, #tpu.memory_space<hbm>>
      %dma_start3A_721 = tpu.memref_squeeze %dma_start3A_720 : memref<1x1x1024xf32, #tpu.memory_space<hbm>> -> memref<1024xf32, #tpu.memory_space<hbm>>
      %dma_start3A_722 = tpu.memref_slice %arg4[%dma_start3A_717, %add3A, %mul3A_0] : memref<50x32x16384xf32, #tpu.memory_space<hbm>> -> memref<1x1x1024xf32, #tpu.memory_space<hbm>>
      %dma_start3A_723 = tpu.memref_squeeze %dma_start3A_722 : memref<1x1x1024xf32, #tpu.memory_space<hbm>> -> memref<1024xf32, #tpu.memory_space<hbm>>
      %dma_start3A_724 = arith.constant 0 : i32
      %dma_start3A_725 = tpu.memref_slice %arg7[%dma_start3A_724] : memref<5120xf32, #tpu.memory_space<vmem>> -> memref<1024xf32, #tpu.memory_space<vmem>>
      tpu.enqueue_dma source(%dma_start3A_725 : memref<1024xf32, #tpu.memory_space<vmem>>) target(%dma_start3A_723 : memref<1024xf32, #tpu.memory_space<hbm>>) target_semaphore(%arg12 : memref<!tpu.dma_semaphore, #tpu.memory_space<semaphore_mem>>)
      %dma_start3A_726 = arith.constant 36 : i32
      %dma_start3A_727 = arith.constant 1024 : i32
      %dma_start3A_728 = tpu.memref_slice %arg7[%dma_start3A_727] : memref<5120xf32, #tpu.memory_space<vmem>> -> memref<1024xf32, #tpu.memory_space<vmem>>
      %dma_start3A_729 = tpu.memref_slice %arg4[%dma_start3A_726, %add3A, %mul3A_0] : memref<50x32x16384xf32, #tpu.memory_space<hbm>> -> memref<1x1x1024xf32, #tpu.memory_space<hbm>>
      %dma_start3A_730 = tpu.memref_squeeze %dma_start3A_729 : memref<1x1x1024xf32, #tpu.memory_space<hbm>> -> memref<1024xf32, #tpu.memory_space<hbm>>
      %dma_start3A_731 = tpu.memref_slice %arg4[%dma_start3A_726, %add3A, %mul3A_0] : memref<50x32x16384xf32, #tpu.memory_space<hbm>> -> memref<1x1x1024xf32, #tpu.memory_space<hbm>>
      %dma_start3A_732 = tpu.memref_squeeze %dma_start3A_731 : memref<1x1x1024xf32, #tpu.memory_space<hbm>> -> memref<1024xf32, #tpu.memory_space<hbm>>
      %dma_start3A_733 = arith.constant 1024 : i32
      %dma_start3A_734 = tpu.memref_slice %arg7[%dma_start3A_733] : memref<5120xf32, #tpu.memory_space<vmem>> -> memref<1024xf32, #tpu.memory_space<vmem>>
      tpu.enqueue_dma source(%dma_start3A_734 : memref<1024xf32, #tpu.memory_space<vmem>>) target(%dma_start3A_732 : memref<1024xf32, #tpu.memory_space<hbm>>) target_semaphore(%arg12 : memref<!tpu.dma_semaphore, #tpu.memory_space<semaphore_mem>>)
      %dma_start3A_735 = arith.constant 37 : i32
      %dma_start3A_736 = arith.constant 2048 : i32
      %dma_start3A_737 = tpu.memref_slice %arg7[%dma_start3A_736] : memref<5120xf32, #tpu.memory_space<vmem>> -> memref<1024xf32, #tpu.memory_space<vmem>>
      %dma_start3A_738 = tpu.memref_slice %arg4[%dma_start3A_735, %add3A, %mul3A_0] : memref<50x32x16384xf32, #tpu.memory_space<hbm>> -> memref<1x1x1024xf32, #tpu.memory_space<hbm>>
      %dma_start3A_739 = tpu.memref_squeeze %dma_start3A_738 : memref<1x1x1024xf32, #tpu.memory_space<hbm>> -> memref<1024xf32, #tpu.memory_space<hbm>>
      %dma_start3A_740 = tpu.memref_slice %arg4[%dma_start3A_735, %add3A, %mul3A_0] : memref<50x32x16384xf32, #tpu.memory_space<hbm>> -> memref<1x1x1024xf32, #tpu.memory_space<hbm>>
      %dma_start3A_741 = tpu.memref_squeeze %dma_start3A_740 : memref<1x1x1024xf32, #tpu.memory_space<hbm>> -> memref<1024xf32, #tpu.memory_space<hbm>>
      %dma_start3A_742 = arith.constant 2048 : i32
      %dma_start3A_743 = tpu.memref_slice %arg7[%dma_start3A_742] : memref<5120xf32, #tpu.memory_space<vmem>> -> memref<1024xf32, #tpu.memory_space<vmem>>
      tpu.enqueue_dma source(%dma_start3A_743 : memref<1024xf32, #tpu.memory_space<vmem>>) target(%dma_start3A_741 : memref<1024xf32, #tpu.memory_space<hbm>>) target_semaphore(%arg12 : memref<!tpu.dma_semaphore, #tpu.memory_space<semaphore_mem>>)
      %dma_start3A_744 = arith.constant 38 : i32
      %dma_start3A_745 = arith.constant 3072 : i32
      %dma_start3A_746 = tpu.memref_slice %arg7[%dma_start3A_745] : memref<5120xf32, #tpu.memory_space<vmem>> -> memref<1024xf32, #tpu.memory_space<vmem>>
      %dma_start3A_747 = tpu.memref_slice %arg4[%dma_start3A_744, %add3A, %mul3A_0] : memref<50x32x16384xf32, #tpu.memory_space<hbm>> -> memref<1x1x1024xf32, #tpu.memory_space<hbm>>
      %dma_start3A_748 = tpu.memref_squeeze %dma_start3A_747 : memref<1x1x1024xf32, #tpu.memory_space<hbm>> -> memref<1024xf32, #tpu.memory_space<hbm>>
      %dma_start3A_749 = tpu.memref_slice %arg4[%dma_start3A_744, %add3A, %mul3A_0] : memref<50x32x16384xf32, #tpu.memory_space<hbm>> -> memref<1x1x1024xf32, #tpu.memory_space<hbm>>
      %dma_start3A_750 = tpu.memref_squeeze %dma_start3A_749 : memref<1x1x1024xf32, #tpu.memory_space<hbm>> -> memref<1024xf32, #tpu.memory_space<hbm>>
      %dma_start3A_751 = arith.constant 3072 : i32
      %dma_start3A_752 = tpu.memref_slice %arg7[%dma_start3A_751] : memref<5120xf32, #tpu.memory_space<vmem>> -> memref<1024xf32, #tpu.memory_space<vmem>>
      tpu.enqueue_dma source(%dma_start3A_752 : memref<1024xf32, #tpu.memory_space<vmem>>) target(%dma_start3A_750 : memref<1024xf32, #tpu.memory_space<hbm>>) target_semaphore(%arg12 : memref<!tpu.dma_semaphore, #tpu.memory_space<semaphore_mem>>)
      %dma_start3A_753 = arith.constant 39 : i32
      %dma_start3A_754 = arith.constant 4096 : i32
      %dma_start3A_755 = tpu.memref_slice %arg7[%dma_start3A_754] : memref<5120xf32, #tpu.memory_space<vmem>> -> memref<1024xf32, #tpu.memory_space<vmem>>
      %dma_start3A_756 = tpu.memref_slice %arg4[%dma_start3A_753, %add3A, %mul3A_0] : memref<50x32x16384xf32, #tpu.memory_space<hbm>> -> memref<1x1x1024xf32, #tpu.memory_space<hbm>>
      %dma_start3A_757 = tpu.memref_squeeze %dma_start3A_756 : memref<1x1x1024xf32, #tpu.memory_space<hbm>> -> memref<1024xf32, #tpu.memory_space<hbm>>
      %dma_start3A_758 = tpu.memref_slice %arg4[%dma_start3A_753, %add3A, %mul3A_0] : memref<50x32x16384xf32, #tpu.memory_space<hbm>> -> memref<1x1x1024xf32, #tpu.memory_space<hbm>>
      %dma_start3A_759 = tpu.memref_squeeze %dma_start3A_758 : memref<1x1x1024xf32, #tpu.memory_space<hbm>> -> memref<1024xf32, #tpu.memory_space<hbm>>
      %dma_start3A_760 = arith.constant 4096 : i32
      %dma_start3A_761 = tpu.memref_slice %arg7[%dma_start3A_760] : memref<5120xf32, #tpu.memory_space<vmem>> -> memref<1024xf32, #tpu.memory_space<vmem>>
      tpu.enqueue_dma source(%dma_start3A_761 : memref<1024xf32, #tpu.memory_space<vmem>>) target(%dma_start3A_759 : memref<1024xf32, #tpu.memory_space<hbm>>) target_semaphore(%arg12 : memref<!tpu.dma_semaphore, #tpu.memory_space<semaphore_mem>>)
      %dma_wait3A_762 = arith.constant 35 : i32
      %dma_wait3A_763 = arith.constant 0 : i32
      %dma_wait3A_764 = tpu.memref_slice %arg7[%dma_wait3A_763] : memref<5120xf32, #tpu.memory_space<vmem>> -> memref<1024xf32, #tpu.memory_space<vmem>>
      %dma_wait3A_765 = tpu.memref_slice %arg4[%dma_wait3A_762, %add3A, %mul3A_0] : memref<50x32x16384xf32, #tpu.memory_space<hbm>> -> memref<1x1x1024xf32, #tpu.memory_space<hbm>>
      %dma_wait3A_766 = tpu.memref_squeeze %dma_wait3A_765 : memref<1x1x1024xf32, #tpu.memory_space<hbm>> -> memref<1024xf32, #tpu.memory_space<hbm>>
      %dma_wait3A_767 = tpu.memref_slice %arg4[%dma_wait3A_762, %add3A, %mul3A_0] : memref<50x32x16384xf32, #tpu.memory_space<hbm>> -> memref<1x1x1024xf32, #tpu.memory_space<hbm>>
      %dma_wait3A_768 = tpu.memref_squeeze %dma_wait3A_767 : memref<1x1x1024xf32, #tpu.memory_space<hbm>> -> memref<1024xf32, #tpu.memory_space<hbm>>
      %dma_wait3A_769 = arith.constant 0 : i32
      %dma_wait3A_770 = tpu.memref_slice %arg7[%dma_wait3A_769] : memref<5120xf32, #tpu.memory_space<vmem>> -> memref<1024xf32, #tpu.memory_space<vmem>>
      tpu.wait_dma2 semaphore(%arg12 : memref<!tpu.dma_semaphore, #tpu.memory_space<semaphore_mem>>) src(%dma_wait3A_770 : memref<1024xf32, #tpu.memory_space<vmem>>) dst(%dma_wait3A_768 : memref<1024xf32, #tpu.memory_space<hbm>>)
      %dma_wait3A_771 = arith.constant 36 : i32
      %dma_wait3A_772 = arith.constant 1024 : i32
      %dma_wait3A_773 = tpu.memref_slice %arg7[%dma_wait3A_772] : memref<5120xf32, #tpu.memory_space<vmem>> -> memref<1024xf32, #tpu.memory_space<vmem>>
      %dma_wait3A_774 = tpu.memref_slice %arg4[%dma_wait3A_771, %add3A, %mul3A_0] : memref<50x32x16384xf32, #tpu.memory_space<hbm>> -> memref<1x1x1024xf32, #tpu.memory_space<hbm>>
      %dma_wait3A_775 = tpu.memref_squeeze %dma_wait3A_774 : memref<1x1x1024xf32, #tpu.memory_space<hbm>> -> memref<1024xf32, #tpu.memory_space<hbm>>
      %dma_wait3A_776 = tpu.memref_slice %arg4[%dma_wait3A_771, %add3A, %mul3A_0] : memref<50x32x16384xf32, #tpu.memory_space<hbm>> -> memref<1x1x1024xf32, #tpu.memory_space<hbm>>
      %dma_wait3A_777 = tpu.memref_squeeze %dma_wait3A_776 : memref<1x1x1024xf32, #tpu.memory_space<hbm>> -> memref<1024xf32, #tpu.memory_space<hbm>>
      %dma_wait3A_778 = arith.constant 1024 : i32
      %dma_wait3A_779 = tpu.memref_slice %arg7[%dma_wait3A_778] : memref<5120xf32, #tpu.memory_space<vmem>> -> memref<1024xf32, #tpu.memory_space<vmem>>
      tpu.wait_dma2 semaphore(%arg12 : memref<!tpu.dma_semaphore, #tpu.memory_space<semaphore_mem>>) src(%dma_wait3A_779 : memref<1024xf32, #tpu.memory_space<vmem>>) dst(%dma_wait3A_777 : memref<1024xf32, #tpu.memory_space<hbm>>)
      %dma_wait3A_780 = arith.constant 37 : i32
      %dma_wait3A_781 = arith.constant 2048 : i32
      %dma_wait3A_782 = tpu.memref_slice %arg7[%dma_wait3A_781] : memref<5120xf32, #tpu.memory_space<vmem>> -> memref<1024xf32, #tpu.memory_space<vmem>>
      %dma_wait3A_783 = tpu.memref_slice %arg4[%dma_wait3A_780, %add3A, %mul3A_0] : memref<50x32x16384xf32, #tpu.memory_space<hbm>> -> memref<1x1x1024xf32, #tpu.memory_space<hbm>>
      %dma_wait3A_784 = tpu.memref_squeeze %dma_wait3A_783 : memref<1x1x1024xf32, #tpu.memory_space<hbm>> -> memref<1024xf32, #tpu.memory_space<hbm>>
      %dma_wait3A_785 = tpu.memref_slice %arg4[%dma_wait3A_780, %add3A, %mul3A_0] : memref<50x32x16384xf32, #tpu.memory_space<hbm>> -> memref<1x1x1024xf32, #tpu.memory_space<hbm>>
      %dma_wait3A_786 = tpu.memref_squeeze %dma_wait3A_785 : memref<1x1x1024xf32, #tpu.memory_space<hbm>> -> memref<1024xf32, #tpu.memory_space<hbm>>
      %dma_wait3A_787 = arith.constant 2048 : i32
      %dma_wait3A_788 = tpu.memref_slice %arg7[%dma_wait3A_787] : memref<5120xf32, #tpu.memory_space<vmem>> -> memref<1024xf32, #tpu.memory_space<vmem>>
      tpu.wait_dma2 semaphore(%arg12 : memref<!tpu.dma_semaphore, #tpu.memory_space<semaphore_mem>>) src(%dma_wait3A_788 : memref<1024xf32, #tpu.memory_space<vmem>>) dst(%dma_wait3A_786 : memref<1024xf32, #tpu.memory_space<hbm>>)
      %dma_wait3A_789 = arith.constant 38 : i32
      %dma_wait3A_790 = arith.constant 3072 : i32
      %dma_wait3A_791 = tpu.memref_slice %arg7[%dma_wait3A_790] : memref<5120xf32, #tpu.memory_space<vmem>> -> memref<1024xf32, #tpu.memory_space<vmem>>
      %dma_wait3A_792 = tpu.memref_slice %arg4[%dma_wait3A_789, %add3A, %mul3A_0] : memref<50x32x16384xf32, #tpu.memory_space<hbm>> -> memref<1x1x1024xf32, #tpu.memory_space<hbm>>
      %dma_wait3A_793 = tpu.memref_squeeze %dma_wait3A_792 : memref<1x1x1024xf32, #tpu.memory_space<hbm>> -> memref<1024xf32, #tpu.memory_space<hbm>>
      %dma_wait3A_794 = tpu.memref_slice %arg4[%dma_wait3A_789, %add3A, %mul3A_0] : memref<50x32x16384xf32, #tpu.memory_space<hbm>> -> memref<1x1x1024xf32, #tpu.memory_space<hbm>>
      %dma_wait3A_795 = tpu.memref_squeeze %dma_wait3A_794 : memref<1x1x1024xf32, #tpu.memory_space<hbm>> -> memref<1024xf32, #tpu.memory_space<hbm>>
      %dma_wait3A_796 = arith.constant 3072 : i32
      %dma_wait3A_797 = tpu.memref_slice %arg7[%dma_wait3A_796] : memref<5120xf32, #tpu.memory_space<vmem>> -> memref<1024xf32, #tpu.memory_space<vmem>>
      tpu.wait_dma2 semaphore(%arg12 : memref<!tpu.dma_semaphore, #tpu.memory_space<semaphore_mem>>) src(%dma_wait3A_797 : memref<1024xf32, #tpu.memory_space<vmem>>) dst(%dma_wait3A_795 : memref<1024xf32, #tpu.memory_space<hbm>>)
      %dma_wait3A_798 = arith.constant 39 : i32
      %dma_wait3A_799 = arith.constant 4096 : i32
      %dma_wait3A_800 = tpu.memref_slice %arg7[%dma_wait3A_799] : memref<5120xf32, #tpu.memory_space<vmem>> -> memref<1024xf32, #tpu.memory_space<vmem>>
      %dma_wait3A_801 = tpu.memref_slice %arg4[%dma_wait3A_798, %add3A, %mul3A_0] : memref<50x32x16384xf32, #tpu.memory_space<hbm>> -> memref<1x1x1024xf32, #tpu.memory_space<hbm>>
      %dma_wait3A_802 = tpu.memref_squeeze %dma_wait3A_801 : memref<1x1x1024xf32, #tpu.memory_space<hbm>> -> memref<1024xf32, #tpu.memory_space<hbm>>
      %dma_wait3A_803 = tpu.memref_slice %arg4[%dma_wait3A_798, %add3A, %mul3A_0] : memref<50x32x16384xf32, #tpu.memory_space<hbm>> -> memref<1x1x1024xf32, #tpu.memory_space<hbm>>
      %dma_wait3A_804 = tpu.memref_squeeze %dma_wait3A_803 : memref<1x1x1024xf32, #tpu.memory_space<hbm>> -> memref<1024xf32, #tpu.memory_space<hbm>>
      %dma_wait3A_805 = arith.constant 4096 : i32
      %dma_wait3A_806 = tpu.memref_slice %arg7[%dma_wait3A_805] : memref<5120xf32, #tpu.memory_space<vmem>> -> memref<1024xf32, #tpu.memory_space<vmem>>
      tpu.wait_dma2 semaphore(%arg12 : memref<!tpu.dma_semaphore, #tpu.memory_space<semaphore_mem>>) src(%dma_wait3A_806 : memref<1024xf32, #tpu.memory_space<vmem>>) dst(%dma_wait3A_804 : memref<1024xf32, #tpu.memory_space<hbm>>)
      %dma_start3A_807 = arith.constant 46080 : i32
      %dma_start3A_808 = tpu.memref_slice %arg5[%dma_start3A_807] : memref<51200xi32, #tpu.memory_space<vmem>> -> memref<5120xi32, #tpu.memory_space<vmem>>
      %dma_start3A_809 = arith.constant 0 : i32
      %dma_start3A_810 = tpu.memref_slice %arg8[%dma_start3A_809] : memref<1000000xf32, #tpu.memory_space<vmem_shared>> -> memref<1000000xf32, #tpu.memory_space<vmem_shared>>
      tpu.enqueue_indirect_dma source(%dma_start3A_810 : memref<1000000xf32, #tpu.memory_space<vmem_shared>>) target(%arg7 : memref<5120xf32, #tpu.memory_space<vmem>>) offsets(%dma_start3A_808 : memref<5120xi32, #tpu.memory_space<vmem>>) semaphore(%arg10 : memref<!tpu.dma_semaphore, #tpu.memory_space<semaphore_mem>>)
      %dma_wait3A_811 = arith.constant 40960 : i32
      %dma_wait3A_812 = tpu.memref_slice %arg5[%dma_wait3A_811] : memref<51200xi32, #tpu.memory_space<vmem>> -> memref<5120xi32, #tpu.memory_space<vmem>>
      %dma_wait3A_813 = arith.constant 0 : i32
      %dma_wait3A_814 = tpu.memref_slice %arg8[%dma_wait3A_813] : memref<1000000xf32, #tpu.memory_space<vmem_shared>> -> memref<1000000xf32, #tpu.memory_space<vmem_shared>>
      tpu.wait_indirect_dma semaphore(%arg9 : memref<!tpu.dma_semaphore, #tpu.memory_space<semaphore_mem>>) src(%dma_wait3A_814 : memref<1000000xf32, #tpu.memory_space<vmem_shared>>) dst(%arg6 : memref<5120xf32, #tpu.memory_space<vmem>>)
      %dma_start3A_815 = arith.constant 40 : i32
      %dma_start3A_816 = arith.constant 0 : i32
      %dma_start3A_817 = tpu.memref_slice %arg6[%dma_start3A_816] : memref<5120xf32, #tpu.memory_space<vmem>> -> memref<1024xf32, #tpu.memory_space<vmem>>
      %dma_start3A_818 = tpu.memref_slice %arg4[%dma_start3A_815, %add3A, %mul3A_0] : memref<50x32x16384xf32, #tpu.memory_space<hbm>> -> memref<1x1x1024xf32, #tpu.memory_space<hbm>>
      %dma_start3A_819 = tpu.memref_squeeze %dma_start3A_818 : memref<1x1x1024xf32, #tpu.memory_space<hbm>> -> memref<1024xf32, #tpu.memory_space<hbm>>
      %dma_start3A_820 = tpu.memref_slice %arg4[%dma_start3A_815, %add3A, %mul3A_0] : memref<50x32x16384xf32, #tpu.memory_space<hbm>> -> memref<1x1x1024xf32, #tpu.memory_space<hbm>>
      %dma_start3A_821 = tpu.memref_squeeze %dma_start3A_820 : memref<1x1x1024xf32, #tpu.memory_space<hbm>> -> memref<1024xf32, #tpu.memory_space<hbm>>
      %dma_start3A_822 = arith.constant 0 : i32
      %dma_start3A_823 = tpu.memref_slice %arg6[%dma_start3A_822] : memref<5120xf32, #tpu.memory_space<vmem>> -> memref<1024xf32, #tpu.memory_space<vmem>>
      tpu.enqueue_dma source(%dma_start3A_823 : memref<1024xf32, #tpu.memory_space<vmem>>) target(%dma_start3A_821 : memref<1024xf32, #tpu.memory_space<hbm>>) target_semaphore(%arg11 : memref<!tpu.dma_semaphore, #tpu.memory_space<semaphore_mem>>)
      %dma_start3A_824 = arith.constant 41 : i32
      %dma_start3A_825 = arith.constant 1024 : i32
      %dma_start3A_826 = tpu.memref_slice %arg6[%dma_start3A_825] : memref<5120xf32, #tpu.memory_space<vmem>> -> memref<1024xf32, #tpu.memory_space<vmem>>
      %dma_start3A_827 = tpu.memref_slice %arg4[%dma_start3A_824, %add3A, %mul3A_0] : memref<50x32x16384xf32, #tpu.memory_space<hbm>> -> memref<1x1x1024xf32, #tpu.memory_space<hbm>>
      %dma_start3A_828 = tpu.memref_squeeze %dma_start3A_827 : memref<1x1x1024xf32, #tpu.memory_space<hbm>> -> memref<1024xf32, #tpu.memory_space<hbm>>
      %dma_start3A_829 = tpu.memref_slice %arg4[%dma_start3A_824, %add3A, %mul3A_0] : memref<50x32x16384xf32, #tpu.memory_space<hbm>> -> memref<1x1x1024xf32, #tpu.memory_space<hbm>>
      %dma_start3A_830 = tpu.memref_squeeze %dma_start3A_829 : memref<1x1x1024xf32, #tpu.memory_space<hbm>> -> memref<1024xf32, #tpu.memory_space<hbm>>
      %dma_start3A_831 = arith.constant 1024 : i32
      %dma_start3A_832 = tpu.memref_slice %arg6[%dma_start3A_831] : memref<5120xf32, #tpu.memory_space<vmem>> -> memref<1024xf32, #tpu.memory_space<vmem>>
      tpu.enqueue_dma source(%dma_start3A_832 : memref<1024xf32, #tpu.memory_space<vmem>>) target(%dma_start3A_830 : memref<1024xf32, #tpu.memory_space<hbm>>) target_semaphore(%arg11 : memref<!tpu.dma_semaphore, #tpu.memory_space<semaphore_mem>>)
      %dma_start3A_833 = arith.constant 42 : i32
      %dma_start3A_834 = arith.constant 2048 : i32
      %dma_start3A_835 = tpu.memref_slice %arg6[%dma_start3A_834] : memref<5120xf32, #tpu.memory_space<vmem>> -> memref<1024xf32, #tpu.memory_space<vmem>>
      %dma_start3A_836 = tpu.memref_slice %arg4[%dma_start3A_833, %add3A, %mul3A_0] : memref<50x32x16384xf32, #tpu.memory_space<hbm>> -> memref<1x1x1024xf32, #tpu.memory_space<hbm>>
      %dma_start3A_837 = tpu.memref_squeeze %dma_start3A_836 : memref<1x1x1024xf32, #tpu.memory_space<hbm>> -> memref<1024xf32, #tpu.memory_space<hbm>>
      %dma_start3A_838 = tpu.memref_slice %arg4[%dma_start3A_833, %add3A, %mul3A_0] : memref<50x32x16384xf32, #tpu.memory_space<hbm>> -> memref<1x1x1024xf32, #tpu.memory_space<hbm>>
      %dma_start3A_839 = tpu.memref_squeeze %dma_start3A_838 : memref<1x1x1024xf32, #tpu.memory_space<hbm>> -> memref<1024xf32, #tpu.memory_space<hbm>>
      %dma_start3A_840 = arith.constant 2048 : i32
      %dma_start3A_841 = tpu.memref_slice %arg6[%dma_start3A_840] : memref<5120xf32, #tpu.memory_space<vmem>> -> memref<1024xf32, #tpu.memory_space<vmem>>
      tpu.enqueue_dma source(%dma_start3A_841 : memref<1024xf32, #tpu.memory_space<vmem>>) target(%dma_start3A_839 : memref<1024xf32, #tpu.memory_space<hbm>>) target_semaphore(%arg11 : memref<!tpu.dma_semaphore, #tpu.memory_space<semaphore_mem>>)
      %dma_start3A_842 = arith.constant 43 : i32
      %dma_start3A_843 = arith.constant 3072 : i32
      %dma_start3A_844 = tpu.memref_slice %arg6[%dma_start3A_843] : memref<5120xf32, #tpu.memory_space<vmem>> -> memref<1024xf32, #tpu.memory_space<vmem>>
      %dma_start3A_845 = tpu.memref_slice %arg4[%dma_start3A_842, %add3A, %mul3A_0] : memref<50x32x16384xf32, #tpu.memory_space<hbm>> -> memref<1x1x1024xf32, #tpu.memory_space<hbm>>
      %dma_start3A_846 = tpu.memref_squeeze %dma_start3A_845 : memref<1x1x1024xf32, #tpu.memory_space<hbm>> -> memref<1024xf32, #tpu.memory_space<hbm>>
      %dma_start3A_847 = tpu.memref_slice %arg4[%dma_start3A_842, %add3A, %mul3A_0] : memref<50x32x16384xf32, #tpu.memory_space<hbm>> -> memref<1x1x1024xf32, #tpu.memory_space<hbm>>
      %dma_start3A_848 = tpu.memref_squeeze %dma_start3A_847 : memref<1x1x1024xf32, #tpu.memory_space<hbm>> -> memref<1024xf32, #tpu.memory_space<hbm>>
      %dma_start3A_849 = arith.constant 3072 : i32
      %dma_start3A_850 = tpu.memref_slice %arg6[%dma_start3A_849] : memref<5120xf32, #tpu.memory_space<vmem>> -> memref<1024xf32, #tpu.memory_space<vmem>>
      tpu.enqueue_dma source(%dma_start3A_850 : memref<1024xf32, #tpu.memory_space<vmem>>) target(%dma_start3A_848 : memref<1024xf32, #tpu.memory_space<hbm>>) target_semaphore(%arg11 : memref<!tpu.dma_semaphore, #tpu.memory_space<semaphore_mem>>)
      %dma_start3A_851 = arith.constant 44 : i32
      %dma_start3A_852 = arith.constant 4096 : i32
      %dma_start3A_853 = tpu.memref_slice %arg6[%dma_start3A_852] : memref<5120xf32, #tpu.memory_space<vmem>> -> memref<1024xf32, #tpu.memory_space<vmem>>
      %dma_start3A_854 = tpu.memref_slice %arg4[%dma_start3A_851, %add3A, %mul3A_0] : memref<50x32x16384xf32, #tpu.memory_space<hbm>> -> memref<1x1x1024xf32, #tpu.memory_space<hbm>>
      %dma_start3A_855 = tpu.memref_squeeze %dma_start3A_854 : memref<1x1x1024xf32, #tpu.memory_space<hbm>> -> memref<1024xf32, #tpu.memory_space<hbm>>
      %dma_start3A_856 = tpu.memref_slice %arg4[%dma_start3A_851, %add3A, %mul3A_0] : memref<50x32x16384xf32, #tpu.memory_space<hbm>> -> memref<1x1x1024xf32, #tpu.memory_space<hbm>>
      %dma_start3A_857 = tpu.memref_squeeze %dma_start3A_856 : memref<1x1x1024xf32, #tpu.memory_space<hbm>> -> memref<1024xf32, #tpu.memory_space<hbm>>
      %dma_start3A_858 = arith.constant 4096 : i32
      %dma_start3A_859 = tpu.memref_slice %arg6[%dma_start3A_858] : memref<5120xf32, #tpu.memory_space<vmem>> -> memref<1024xf32, #tpu.memory_space<vmem>>
      tpu.enqueue_dma source(%dma_start3A_859 : memref<1024xf32, #tpu.memory_space<vmem>>) target(%dma_start3A_857 : memref<1024xf32, #tpu.memory_space<hbm>>) target_semaphore(%arg11 : memref<!tpu.dma_semaphore, #tpu.memory_space<semaphore_mem>>)
      %dma_wait3A_860 = arith.constant 46080 : i32
      %dma_wait3A_861 = tpu.memref_slice %arg5[%dma_wait3A_860] : memref<51200xi32, #tpu.memory_space<vmem>> -> memref<5120xi32, #tpu.memory_space<vmem>>
      %dma_wait3A_862 = arith.constant 0 : i32
      %dma_wait3A_863 = tpu.memref_slice %arg8[%dma_wait3A_862] : memref<1000000xf32, #tpu.memory_space<vmem_shared>> -> memref<1000000xf32, #tpu.memory_space<vmem_shared>>
      tpu.wait_indirect_dma semaphore(%arg10 : memref<!tpu.dma_semaphore, #tpu.memory_space<semaphore_mem>>) src(%dma_wait3A_863 : memref<1000000xf32, #tpu.memory_space<vmem_shared>>) dst(%arg7 : memref<5120xf32, #tpu.memory_space<vmem>>)
      %dma_start3A_864 = arith.constant 45 : i32
      %dma_start3A_865 = arith.constant 0 : i32
      %dma_start3A_866 = tpu.memref_slice %arg7[%dma_start3A_865] : memref<5120xf32, #tpu.memory_space<vmem>> -> memref<1024xf32, #tpu.memory_space<vmem>>
      %dma_start3A_867 = tpu.memref_slice %arg4[%dma_start3A_864, %add3A, %mul3A_0] : memref<50x32x16384xf32, #tpu.memory_space<hbm>> -> memref<1x1x1024xf32, #tpu.memory_space<hbm>>
      %dma_start3A_868 = tpu.memref_squeeze %dma_start3A_867 : memref<1x1x1024xf32, #tpu.memory_space<hbm>> -> memref<1024xf32, #tpu.memory_space<hbm>>
      %dma_start3A_869 = tpu.memref_slice %arg4[%dma_start3A_864, %add3A, %mul3A_0] : memref<50x32x16384xf32, #tpu.memory_space<hbm>> -> memref<1x1x1024xf32, #tpu.memory_space<hbm>>
      %dma_start3A_870 = tpu.memref_squeeze %dma_start3A_869 : memref<1x1x1024xf32, #tpu.memory_space<hbm>> -> memref<1024xf32, #tpu.memory_space<hbm>>
      %dma_start3A_871 = arith.constant 0 : i32
      %dma_start3A_872 = tpu.memref_slice %arg7[%dma_start3A_871] : memref<5120xf32, #tpu.memory_space<vmem>> -> memref<1024xf32, #tpu.memory_space<vmem>>
      tpu.enqueue_dma source(%dma_start3A_872 : memref<1024xf32, #tpu.memory_space<vmem>>) target(%dma_start3A_870 : memref<1024xf32, #tpu.memory_space<hbm>>) target_semaphore(%arg12 : memref<!tpu.dma_semaphore, #tpu.memory_space<semaphore_mem>>)
      %dma_start3A_873 = arith.constant 46 : i32
      %dma_start3A_874 = arith.constant 1024 : i32
      %dma_start3A_875 = tpu.memref_slice %arg7[%dma_start3A_874] : memref<5120xf32, #tpu.memory_space<vmem>> -> memref<1024xf32, #tpu.memory_space<vmem>>
      %dma_start3A_876 = tpu.memref_slice %arg4[%dma_start3A_873, %add3A, %mul3A_0] : memref<50x32x16384xf32, #tpu.memory_space<hbm>> -> memref<1x1x1024xf32, #tpu.memory_space<hbm>>
      %dma_start3A_877 = tpu.memref_squeeze %dma_start3A_876 : memref<1x1x1024xf32, #tpu.memory_space<hbm>> -> memref<1024xf32, #tpu.memory_space<hbm>>
      %dma_start3A_878 = tpu.memref_slice %arg4[%dma_start3A_873, %add3A, %mul3A_0] : memref<50x32x16384xf32, #tpu.memory_space<hbm>> -> memref<1x1x1024xf32, #tpu.memory_space<hbm>>
      %dma_start3A_879 = tpu.memref_squeeze %dma_start3A_878 : memref<1x1x1024xf32, #tpu.memory_space<hbm>> -> memref<1024xf32, #tpu.memory_space<hbm>>
      %dma_start3A_880 = arith.constant 1024 : i32
      %dma_start3A_881 = tpu.memref_slice %arg7[%dma_start3A_880] : memref<5120xf32, #tpu.memory_space<vmem>> -> memref<1024xf32, #tpu.memory_space<vmem>>
      tpu.enqueue_dma source(%dma_start3A_881 : memref<1024xf32, #tpu.memory_space<vmem>>) target(%dma_start3A_879 : memref<1024xf32, #tpu.memory_space<hbm>>) target_semaphore(%arg12 : memref<!tpu.dma_semaphore, #tpu.memory_space<semaphore_mem>>)
      %dma_start3A_882 = arith.constant 47 : i32
      %dma_start3A_883 = arith.constant 2048 : i32
      %dma_start3A_884 = tpu.memref_slice %arg7[%dma_start3A_883] : memref<5120xf32, #tpu.memory_space<vmem>> -> memref<1024xf32, #tpu.memory_space<vmem>>
      %dma_start3A_885 = tpu.memref_slice %arg4[%dma_start3A_882, %add3A, %mul3A_0] : memref<50x32x16384xf32, #tpu.memory_space<hbm>> -> memref<1x1x1024xf32, #tpu.memory_space<hbm>>
      %dma_start3A_886 = tpu.memref_squeeze %dma_start3A_885 : memref<1x1x1024xf32, #tpu.memory_space<hbm>> -> memref<1024xf32, #tpu.memory_space<hbm>>
      %dma_start3A_887 = tpu.memref_slice %arg4[%dma_start3A_882, %add3A, %mul3A_0] : memref<50x32x16384xf32, #tpu.memory_space<hbm>> -> memref<1x1x1024xf32, #tpu.memory_space<hbm>>
      %dma_start3A_888 = tpu.memref_squeeze %dma_start3A_887 : memref<1x1x1024xf32, #tpu.memory_space<hbm>> -> memref<1024xf32, #tpu.memory_space<hbm>>
      %dma_start3A_889 = arith.constant 2048 : i32
      %dma_start3A_890 = tpu.memref_slice %arg7[%dma_start3A_889] : memref<5120xf32, #tpu.memory_space<vmem>> -> memref<1024xf32, #tpu.memory_space<vmem>>
      tpu.enqueue_dma source(%dma_start3A_890 : memref<1024xf32, #tpu.memory_space<vmem>>) target(%dma_start3A_888 : memref<1024xf32, #tpu.memory_space<hbm>>) target_semaphore(%arg12 : memref<!tpu.dma_semaphore, #tpu.memory_space<semaphore_mem>>)
      %dma_start3A_891 = arith.constant 48 : i32
      %dma_start3A_892 = arith.constant 3072 : i32
      %dma_start3A_893 = tpu.memref_slice %arg7[%dma_start3A_892] : memref<5120xf32, #tpu.memory_space<vmem>> -> memref<1024xf32, #tpu.memory_space<vmem>>
      %dma_start3A_894 = tpu.memref_slice %arg4[%dma_start3A_891, %add3A, %mul3A_0] : memref<50x32x16384xf32, #tpu.memory_space<hbm>> -> memref<1x1x1024xf32, #tpu.memory_space<hbm>>
      %dma_start3A_895 = tpu.memref_squeeze %dma_start3A_894 : memref<1x1x1024xf32, #tpu.memory_space<hbm>> -> memref<1024xf32, #tpu.memory_space<hbm>>
      %dma_start3A_896 = tpu.memref_slice %arg4[%dma_start3A_891, %add3A, %mul3A_0] : memref<50x32x16384xf32, #tpu.memory_space<hbm>> -> memref<1x1x1024xf32, #tpu.memory_space<hbm>>
      %dma_start3A_897 = tpu.memref_squeeze %dma_start3A_896 : memref<1x1x1024xf32, #tpu.memory_space<hbm>> -> memref<1024xf32, #tpu.memory_space<hbm>>
      %dma_start3A_898 = arith.constant 3072 : i32
      %dma_start3A_899 = tpu.memref_slice %arg7[%dma_start3A_898] : memref<5120xf32, #tpu.memory_space<vmem>> -> memref<1024xf32, #tpu.memory_space<vmem>>
      tpu.enqueue_dma source(%dma_start3A_899 : memref<1024xf32, #tpu.memory_space<vmem>>) target(%dma_start3A_897 : memref<1024xf32, #tpu.memory_space<hbm>>) target_semaphore(%arg12 : memref<!tpu.dma_semaphore, #tpu.memory_space<semaphore_mem>>)
      %dma_start3A_900 = arith.constant 49 : i32
      %dma_start3A_901 = arith.constant 4096 : i32
      %dma_start3A_902 = tpu.memref_slice %arg7[%dma_start3A_901] : memref<5120xf32, #tpu.memory_space<vmem>> -> memref<1024xf32, #tpu.memory_space<vmem>>
      %dma_start3A_903 = tpu.memref_slice %arg4[%dma_start3A_900, %add3A, %mul3A_0] : memref<50x32x16384xf32, #tpu.memory_space<hbm>> -> memref<1x1x1024xf32, #tpu.memory_space<hbm>>
      %dma_start3A_904 = tpu.memref_squeeze %dma_start3A_903 : memref<1x1x1024xf32, #tpu.memory_space<hbm>> -> memref<1024xf32, #tpu.memory_space<hbm>>
      %dma_start3A_905 = tpu.memref_slice %arg4[%dma_start3A_900, %add3A, %mul3A_0] : memref<50x32x16384xf32, #tpu.memory_space<hbm>> -> memref<1x1x1024xf32, #tpu.memory_space<hbm>>
      %dma_start3A_906 = tpu.memref_squeeze %dma_start3A_905 : memref<1x1x1024xf32, #tpu.memory_space<hbm>> -> memref<1024xf32, #tpu.memory_space<hbm>>
      %dma_start3A_907 = arith.constant 4096 : i32
      %dma_start3A_908 = tpu.memref_slice %arg7[%dma_start3A_907] : memref<5120xf32, #tpu.memory_space<vmem>> -> memref<1024xf32, #tpu.memory_space<vmem>>
      tpu.enqueue_dma source(%dma_start3A_908 : memref<1024xf32, #tpu.memory_space<vmem>>) target(%dma_start3A_906 : memref<1024xf32, #tpu.memory_space<hbm>>) target_semaphore(%arg12 : memref<!tpu.dma_semaphore, #tpu.memory_space<semaphore_mem>>)
      %dma_wait3A_909 = arith.constant 40 : i32
      %dma_wait3A_910 = arith.constant 0 : i32
      %dma_wait3A_911 = tpu.memref_slice %arg6[%dma_wait3A_910] : memref<5120xf32, #tpu.memory_space<vmem>> -> memref<1024xf32, #tpu.memory_space<vmem>>
      %dma_wait3A_912 = tpu.memref_slice %arg4[%dma_wait3A_909, %add3A, %mul3A_0] : memref<50x32x16384xf32, #tpu.memory_space<hbm>> -> memref<1x1x1024xf32, #tpu.memory_space<hbm>>
      %dma_wait3A_913 = tpu.memref_squeeze %dma_wait3A_912 : memref<1x1x1024xf32, #tpu.memory_space<hbm>> -> memref<1024xf32, #tpu.memory_space<hbm>>
      %dma_wait3A_914 = tpu.memref_slice %arg4[%dma_wait3A_909, %add3A, %mul3A_0] : memref<50x32x16384xf32, #tpu.memory_space<hbm>> -> memref<1x1x1024xf32, #tpu.memory_space<hbm>>
      %dma_wait3A_915 = tpu.memref_squeeze %dma_wait3A_914 : memref<1x1x1024xf32, #tpu.memory_space<hbm>> -> memref<1024xf32, #tpu.memory_space<hbm>>
      %dma_wait3A_916 = arith.constant 0 : i32
      %dma_wait3A_917 = tpu.memref_slice %arg6[%dma_wait3A_916] : memref<5120xf32, #tpu.memory_space<vmem>> -> memref<1024xf32, #tpu.memory_space<vmem>>
      tpu.wait_dma2 semaphore(%arg11 : memref<!tpu.dma_semaphore, #tpu.memory_space<semaphore_mem>>) src(%dma_wait3A_917 : memref<1024xf32, #tpu.memory_space<vmem>>) dst(%dma_wait3A_915 : memref<1024xf32, #tpu.memory_space<hbm>>)
      %dma_wait3A_918 = arith.constant 41 : i32
      %dma_wait3A_919 = arith.constant 1024 : i32
      %dma_wait3A_920 = tpu.memref_slice %arg6[%dma_wait3A_919] : memref<5120xf32, #tpu.memory_space<vmem>> -> memref<1024xf32, #tpu.memory_space<vmem>>
      %dma_wait3A_921 = tpu.memref_slice %arg4[%dma_wait3A_918, %add3A, %mul3A_0] : memref<50x32x16384xf32, #tpu.memory_space<hbm>> -> memref<1x1x1024xf32, #tpu.memory_space<hbm>>
      %dma_wait3A_922 = tpu.memref_squeeze %dma_wait3A_921 : memref<1x1x1024xf32, #tpu.memory_space<hbm>> -> memref<1024xf32, #tpu.memory_space<hbm>>
      %dma_wait3A_923 = tpu.memref_slice %arg4[%dma_wait3A_918, %add3A, %mul3A_0] : memref<50x32x16384xf32, #tpu.memory_space<hbm>> -> memref<1x1x1024xf32, #tpu.memory_space<hbm>>
      %dma_wait3A_924 = tpu.memref_squeeze %dma_wait3A_923 : memref<1x1x1024xf32, #tpu.memory_space<hbm>> -> memref<1024xf32, #tpu.memory_space<hbm>>
      %dma_wait3A_925 = arith.constant 1024 : i32
      %dma_wait3A_926 = tpu.memref_slice %arg6[%dma_wait3A_925] : memref<5120xf32, #tpu.memory_space<vmem>> -> memref<1024xf32, #tpu.memory_space<vmem>>
      tpu.wait_dma2 semaphore(%arg11 : memref<!tpu.dma_semaphore, #tpu.memory_space<semaphore_mem>>) src(%dma_wait3A_926 : memref<1024xf32, #tpu.memory_space<vmem>>) dst(%dma_wait3A_924 : memref<1024xf32, #tpu.memory_space<hbm>>)
      %dma_wait3A_927 = arith.constant 42 : i32
      %dma_wait3A_928 = arith.constant 2048 : i32
      %dma_wait3A_929 = tpu.memref_slice %arg6[%dma_wait3A_928] : memref<5120xf32, #tpu.memory_space<vmem>> -> memref<1024xf32, #tpu.memory_space<vmem>>
      %dma_wait3A_930 = tpu.memref_slice %arg4[%dma_wait3A_927, %add3A, %mul3A_0] : memref<50x32x16384xf32, #tpu.memory_space<hbm>> -> memref<1x1x1024xf32, #tpu.memory_space<hbm>>
      %dma_wait3A_931 = tpu.memref_squeeze %dma_wait3A_930 : memref<1x1x1024xf32, #tpu.memory_space<hbm>> -> memref<1024xf32, #tpu.memory_space<hbm>>
      %dma_wait3A_932 = tpu.memref_slice %arg4[%dma_wait3A_927, %add3A, %mul3A_0] : memref<50x32x16384xf32, #tpu.memory_space<hbm>> -> memref<1x1x1024xf32, #tpu.memory_space<hbm>>
      %dma_wait3A_933 = tpu.memref_squeeze %dma_wait3A_932 : memref<1x1x1024xf32, #tpu.memory_space<hbm>> -> memref<1024xf32, #tpu.memory_space<hbm>>
      %dma_wait3A_934 = arith.constant 2048 : i32
      %dma_wait3A_935 = tpu.memref_slice %arg6[%dma_wait3A_934] : memref<5120xf32, #tpu.memory_space<vmem>> -> memref<1024xf32, #tpu.memory_space<vmem>>
      tpu.wait_dma2 semaphore(%arg11 : memref<!tpu.dma_semaphore, #tpu.memory_space<semaphore_mem>>) src(%dma_wait3A_935 : memref<1024xf32, #tpu.memory_space<vmem>>) dst(%dma_wait3A_933 : memref<1024xf32, #tpu.memory_space<hbm>>)
      %dma_wait3A_936 = arith.constant 43 : i32
      %dma_wait3A_937 = arith.constant 3072 : i32
      %dma_wait3A_938 = tpu.memref_slice %arg6[%dma_wait3A_937] : memref<5120xf32, #tpu.memory_space<vmem>> -> memref<1024xf32, #tpu.memory_space<vmem>>
      %dma_wait3A_939 = tpu.memref_slice %arg4[%dma_wait3A_936, %add3A, %mul3A_0] : memref<50x32x16384xf32, #tpu.memory_space<hbm>> -> memref<1x1x1024xf32, #tpu.memory_space<hbm>>
      %dma_wait3A_940 = tpu.memref_squeeze %dma_wait3A_939 : memref<1x1x1024xf32, #tpu.memory_space<hbm>> -> memref<1024xf32, #tpu.memory_space<hbm>>
      %dma_wait3A_941 = tpu.memref_slice %arg4[%dma_wait3A_936, %add3A, %mul3A_0] : memref<50x32x16384xf32, #tpu.memory_space<hbm>> -> memref<1x1x1024xf32, #tpu.memory_space<hbm>>
      %dma_wait3A_942 = tpu.memref_squeeze %dma_wait3A_941 : memref<1x1x1024xf32, #tpu.memory_space<hbm>> -> memref<1024xf32, #tpu.memory_space<hbm>>
      %dma_wait3A_943 = arith.constant 3072 : i32
      %dma_wait3A_944 = tpu.memref_slice %arg6[%dma_wait3A_943] : memref<5120xf32, #tpu.memory_space<vmem>> -> memref<1024xf32, #tpu.memory_space<vmem>>
      tpu.wait_dma2 semaphore(%arg11 : memref<!tpu.dma_semaphore, #tpu.memory_space<semaphore_mem>>) src(%dma_wait3A_944 : memref<1024xf32, #tpu.memory_space<vmem>>) dst(%dma_wait3A_942 : memref<1024xf32, #tpu.memory_space<hbm>>)
      %dma_wait3A_945 = arith.constant 44 : i32
      %dma_wait3A_946 = arith.constant 4096 : i32
      %dma_wait3A_947 = tpu.memref_slice %arg6[%dma_wait3A_946] : memref<5120xf32, #tpu.memory_space<vmem>> -> memref<1024xf32, #tpu.memory_space<vmem>>
      %dma_wait3A_948 = tpu.memref_slice %arg4[%dma_wait3A_945, %add3A, %mul3A_0] : memref<50x32x16384xf32, #tpu.memory_space<hbm>> -> memref<1x1x1024xf32, #tpu.memory_space<hbm>>
      %dma_wait3A_949 = tpu.memref_squeeze %dma_wait3A_948 : memref<1x1x1024xf32, #tpu.memory_space<hbm>> -> memref<1024xf32, #tpu.memory_space<hbm>>
      %dma_wait3A_950 = tpu.memref_slice %arg4[%dma_wait3A_945, %add3A, %mul3A_0] : memref<50x32x16384xf32, #tpu.memory_space<hbm>> -> memref<1x1x1024xf32, #tpu.memory_space<hbm>>
      %dma_wait3A_951 = tpu.memref_squeeze %dma_wait3A_950 : memref<1x1x1024xf32, #tpu.memory_space<hbm>> -> memref<1024xf32, #tpu.memory_space<hbm>>
      %dma_wait3A_952 = arith.constant 4096 : i32
      %dma_wait3A_953 = tpu.memref_slice %arg6[%dma_wait3A_952] : memref<5120xf32, #tpu.memory_space<vmem>> -> memref<1024xf32, #tpu.memory_space<vmem>>
      tpu.wait_dma2 semaphore(%arg11 : memref<!tpu.dma_semaphore, #tpu.memory_space<semaphore_mem>>) src(%dma_wait3A_953 : memref<1024xf32, #tpu.memory_space<vmem>>) dst(%dma_wait3A_951 : memref<1024xf32, #tpu.memory_space<hbm>>)
      %dma_wait3A_954 = arith.constant 45 : i32
      %dma_wait3A_955 = arith.constant 0 : i32
      %dma_wait3A_956 = tpu.memref_slice %arg7[%dma_wait3A_955] : memref<5120xf32, #tpu.memory_space<vmem>> -> memref<1024xf32, #tpu.memory_space<vmem>>
      %dma_wait3A_957 = tpu.memref_slice %arg4[%dma_wait3A_954, %add3A, %mul3A_0] : memref<50x32x16384xf32, #tpu.memory_space<hbm>> -> memref<1x1x1024xf32, #tpu.memory_space<hbm>>
      %dma_wait3A_958 = tpu.memref_squeeze %dma_wait3A_957 : memref<1x1x1024xf32, #tpu.memory_space<hbm>> -> memref<1024xf32, #tpu.memory_space<hbm>>
      %dma_wait3A_959 = tpu.memref_slice %arg4[%dma_wait3A_954, %add3A, %mul3A_0] : memref<50x32x16384xf32, #tpu.memory_space<hbm>> -> memref<1x1x1024xf32, #tpu.memory_space<hbm>>
      %dma_wait3A_960 = tpu.memref_squeeze %dma_wait3A_959 : memref<1x1x1024xf32, #tpu.memory_space<hbm>> -> memref<1024xf32, #tpu.memory_space<hbm>>
      %dma_wait3A_961 = arith.constant 0 : i32
      %dma_wait3A_962 = tpu.memref_slice %arg7[%dma_wait3A_961] : memref<5120xf32, #tpu.memory_space<vmem>> -> memref<1024xf32, #tpu.memory_space<vmem>>
      tpu.wait_dma2 semaphore(%arg12 : memref<!tpu.dma_semaphore, #tpu.memory_space<semaphore_mem>>) src(%dma_wait3A_962 : memref<1024xf32, #tpu.memory_space<vmem>>) dst(%dma_wait3A_960 : memref<1024xf32, #tpu.memory_space<hbm>>)
      %dma_wait3A_963 = arith.constant 46 : i32
      %dma_wait3A_964 = arith.constant 1024 : i32
      %dma_wait3A_965 = tpu.memref_slice %arg7[%dma_wait3A_964] : memref<5120xf32, #tpu.memory_space<vmem>> -> memref<1024xf32, #tpu.memory_space<vmem>>
      %dma_wait3A_966 = tpu.memref_slice %arg4[%dma_wait3A_963, %add3A, %mul3A_0] : memref<50x32x16384xf32, #tpu.memory_space<hbm>> -> memref<1x1x1024xf32, #tpu.memory_space<hbm>>
      %dma_wait3A_967 = tpu.memref_squeeze %dma_wait3A_966 : memref<1x1x1024xf32, #tpu.memory_space<hbm>> -> memref<1024xf32, #tpu.memory_space<hbm>>
      %dma_wait3A_968 = tpu.memref_slice %arg4[%dma_wait3A_963, %add3A, %mul3A_0] : memref<50x32x16384xf32, #tpu.memory_space<hbm>> -> memref<1x1x1024xf32, #tpu.memory_space<hbm>>
      %dma_wait3A_969 = tpu.memref_squeeze %dma_wait3A_968 : memref<1x1x1024xf32, #tpu.memory_space<hbm>> -> memref<1024xf32, #tpu.memory_space<hbm>>
      %dma_wait3A_970 = arith.constant 1024 : i32
      %dma_wait3A_971 = tpu.memref_slice %arg7[%dma_wait3A_970] : memref<5120xf32, #tpu.memory_space<vmem>> -> memref<1024xf32, #tpu.memory_space<vmem>>
      tpu.wait_dma2 semaphore(%arg12 : memref<!tpu.dma_semaphore, #tpu.memory_space<semaphore_mem>>) src(%dma_wait3A_971 : memref<1024xf32, #tpu.memory_space<vmem>>) dst(%dma_wait3A_969 : memref<1024xf32, #tpu.memory_space<hbm>>)
      %dma_wait3A_972 = arith.constant 47 : i32
      %dma_wait3A_973 = arith.constant 2048 : i32
      %dma_wait3A_974 = tpu.memref_slice %arg7[%dma_wait3A_973] : memref<5120xf32, #tpu.memory_space<vmem>> -> memref<1024xf32, #tpu.memory_space<vmem>>
      %dma_wait3A_975 = tpu.memref_slice %arg4[%dma_wait3A_972, %add3A, %mul3A_0] : memref<50x32x16384xf32, #tpu.memory_space<hbm>> -> memref<1x1x1024xf32, #tpu.memory_space<hbm>>
      %dma_wait3A_976 = tpu.memref_squeeze %dma_wait3A_975 : memref<1x1x1024xf32, #tpu.memory_space<hbm>> -> memref<1024xf32, #tpu.memory_space<hbm>>
      %dma_wait3A_977 = tpu.memref_slice %arg4[%dma_wait3A_972, %add3A, %mul3A_0] : memref<50x32x16384xf32, #tpu.memory_space<hbm>> -> memref<1x1x1024xf32, #tpu.memory_space<hbm>>
      %dma_wait3A_978 = tpu.memref_squeeze %dma_wait3A_977 : memref<1x1x1024xf32, #tpu.memory_space<hbm>> -> memref<1024xf32, #tpu.memory_space<hbm>>
      %dma_wait3A_979 = arith.constant 2048 : i32
      %dma_wait3A_980 = tpu.memref_slice %arg7[%dma_wait3A_979] : memref<5120xf32, #tpu.memory_space<vmem>> -> memref<1024xf32, #tpu.memory_space<vmem>>
      tpu.wait_dma2 semaphore(%arg12 : memref<!tpu.dma_semaphore, #tpu.memory_space<semaphore_mem>>) src(%dma_wait3A_980 : memref<1024xf32, #tpu.memory_space<vmem>>) dst(%dma_wait3A_978 : memref<1024xf32, #tpu.memory_space<hbm>>)
      %dma_wait3A_981 = arith.constant 48 : i32
      %dma_wait3A_982 = arith.constant 3072 : i32
      %dma_wait3A_983 = tpu.memref_slice %arg7[%dma_wait3A_982] : memref<5120xf32, #tpu.memory_space<vmem>> -> memref<1024xf32, #tpu.memory_space<vmem>>
      %dma_wait3A_984 = tpu.memref_slice %arg4[%dma_wait3A_981, %add3A, %mul3A_0] : memref<50x32x16384xf32, #tpu.memory_space<hbm>> -> memref<1x1x1024xf32, #tpu.memory_space<hbm>>
      %dma_wait3A_985 = tpu.memref_squeeze %dma_wait3A_984 : memref<1x1x1024xf32, #tpu.memory_space<hbm>> -> memref<1024xf32, #tpu.memory_space<hbm>>
      %dma_wait3A_986 = tpu.memref_slice %arg4[%dma_wait3A_981, %add3A, %mul3A_0] : memref<50x32x16384xf32, #tpu.memory_space<hbm>> -> memref<1x1x1024xf32, #tpu.memory_space<hbm>>
      %dma_wait3A_987 = tpu.memref_squeeze %dma_wait3A_986 : memref<1x1x1024xf32, #tpu.memory_space<hbm>> -> memref<1024xf32, #tpu.memory_space<hbm>>
      %dma_wait3A_988 = arith.constant 3072 : i32
      %dma_wait3A_989 = tpu.memref_slice %arg7[%dma_wait3A_988] : memref<5120xf32, #tpu.memory_space<vmem>> -> memref<1024xf32, #tpu.memory_space<vmem>>
      tpu.wait_dma2 semaphore(%arg12 : memref<!tpu.dma_semaphore, #tpu.memory_space<semaphore_mem>>) src(%dma_wait3A_989 : memref<1024xf32, #tpu.memory_space<vmem>>) dst(%dma_wait3A_987 : memref<1024xf32, #tpu.memory_space<hbm>>)
      %dma_wait3A_990 = arith.constant 49 : i32
      %dma_wait3A_991 = arith.constant 4096 : i32
      %dma_wait3A_992 = tpu.memref_slice %arg7[%dma_wait3A_991] : memref<5120xf32, #tpu.memory_space<vmem>> -> memref<1024xf32, #tpu.memory_space<vmem>>
      %dma_wait3A_993 = tpu.memref_slice %arg4[%dma_wait3A_990, %add3A, %mul3A_0] : memref<50x32x16384xf32, #tpu.memory_space<hbm>> -> memref<1x1x1024xf32, #tpu.memory_space<hbm>>
      %dma_wait3A_994 = tpu.memref_squeeze %dma_wait3A_993 : memref<1x1x1024xf32, #tpu.memory_space<hbm>> -> memref<1024xf32, #tpu.memory_space<hbm>>
      %dma_wait3A_995 = tpu.memref_slice %arg4[%dma_wait3A_990, %add3A, %mul3A_0] : memref<50x32x16384xf32, #tpu.memory_space<hbm>> -> memref<1x1x1024xf32, #tpu.memory_space<hbm>>
      %dma_wait3A_996 = tpu.memref_squeeze %dma_wait3A_995 : memref<1x1x1024xf32, #tpu.memory_space<hbm>> -> memref<1024xf32, #tpu.memory_space<hbm>>
      %dma_wait3A_997 = arith.constant 4096 : i32
      %dma_wait3A_998 = tpu.memref_slice %arg7[%dma_wait3A_997] : memref<5120xf32, #tpu.memory_space<vmem>> -> memref<1024xf32, #tpu.memory_space<vmem>>
      tpu.wait_dma2 semaphore(%arg12 : memref<!tpu.dma_semaphore, #tpu.memory_space<semaphore_mem>>) src(%dma_wait3A_998 : memref<1024xf32, #tpu.memory_space<vmem>>) dst(%dma_wait3A_996 : memref<1024xf32, #tpu.memory_space<hbm>>)
    }
    %scan3A_14 = arith.constant 16 : i32
    return
  }
}

</mosaic_0001>

<sc_bundles>
// kernel: kernel.3.cloned.1.call-start
scs
__scs_entry_jumppad:
0x0: {  	(pc) =	sbr.rel $0x88, $3  }
0x1: {  	(tag) =	ssettag $0x0;
	lr =	simm.s32 $0x1  }
0x2: {  	[smem:$0x3F9F] =	sst lr;
	_ =	strace $0xD0000000  }
0x3: {  	_ = 	snop  }
0x4: {  	_ = 	snop  }
0x5: {  	_ = 	snop  }
0x6: {  	_ = 	snop  }
0x7: {  	_ = 	snop  }
__scs_overlays_trampoline_lowered:
0x8: {  	[smem:$0x3FAE] =	sst s0  }
0x9: {  	[smem:$0x3FAF] =	sst s1  }
0xa: {  	[smem:$0x3FB0] =	sst s2  }
0xb: {  	[smem:$0x3FB1] =	sst s3  }
0xc: {  	[smem:$0x3FB2] =	sst s4  }
0xd: {  	[smem:$0x3FB3] =	sst s5  }
0xe: {  	[smem:$0x3FB4] =	sst s6  }
0xf: {  	[smem:$0x3FB5] =	sst s7  }
0x10: {  	[smem:$0x3FB6] =	sst s8  }
0x11: {  	[smem:$0x3FB7] =	sst s9;
	s0 =	simm.s32 @!p0 $0x0  }
0x12: {  	s1 =	sld [smem:$0x3F9D];
	s0 =	simm.s32 @p0 $0x1  }
0x13: {  	[smem:$0x3FB8] =	sst s0;
	s0 =	simm.s32 @!p1 $0x0  }
0x14: {  	s2 =	sld [smem:$0x3F9C];
	s0 =	simm.s32 @p1 $0x1  }
0x15: {  	[smem:$0x3FB9] =	sst s0;
	s0 =	simm.s32 @!p2 $0x0  }
0x16: {  	s3 =	sld [smem:$0x3FDB];
	s0 =	simm.s32 @p2 $0x1  }
0x17: {  	s4 =	simm.s32 $0x1BF5;
	[smem:$0x3FBB] =	sst s0  }
0x18: {  	s0 =	sld [smem:$0x3F9E];
	_ =	swait.ge [sflag:s4], $0x0  }
0x19: {  	s7 =	sld [smem:$0x3F9F]  }
0x1a: {  	s8 =	sadd.s32 $0xFFFFE003, lr  }
0x1b: {  	s9 =	sadd.s32 $0xFFFFFEF7, lr;
	s5 =	simm.s32 $0xFFFFFFFF;
	p2 =	slt.u32 s8, $0xFFFFF086  }
0x1c: {  	p1 =	slt.u32 s9, $0xF7A;
	s5 =	simm.s32 @!p2 $0x0  }
0x1d: {  	s5 =	simm.s32 @p1 $0x1;
	p0 =	seq.s32 s7, s2  }
0x1e: {  	s7 =	smul.u32 @!p0 $0xF7A, s2;
	p2 =	seq.s32 @!p0 s5, $0x0  }
0x1f: {  	s9 =	smul.u32 $0xF7A, s1;
	s8 =	simm.s32 @!p0 $0x1BF5;
	p2 =	por !p2, p0  }
0x20: {  	[sflag:s8] =	ssyncset.s32 @!p0 $0xFFFFF086;
	s6 =	sadd.s32 @!p0 s3, s7;
	s7 =	simm.s32 @!p0 $0x108  }
0x21: {  	s3 =	sadd.s32 s3, s9;
	s6 =	sadd.s32 @!p0 $0x88, s6;
	s7 =	simm.s32 @p2 $0x1082  }
0x22: {  	[simem:s7], [sflag:s8] =	dma.local @!p0 [hbm:s6], $0xF7A  }
0x23: {  	s9 =	sor.u32 $0xD0000000, s2;
	s6 =	simm.s32 $0x108;
	_ =	swait.ge @!p0 [sflag:s8], $0x0  }
0x24: {  	s3 =	sadd.s32 $0x88, s3;
	s6 =	simm.s32 @!p1 $0x1082;
	[sflag:s4] =	ssyncset.s32 $0xFFFFF086  }
0x25: {  	[simem:s6], [sflag:s4] =	dma.local [hbm:s3], $0xF7A  }
0x26: {  	[smem:$0x3F9F] =	sst s1;
	(tag) =	ssettag s2;
	_ =	strace s9  }
0x27: {  	s1 =	sld [smem:$0x3FAF]  }
0x28: {  	s2 =	sld [smem:$0x3FB0]  }
0x29: {  	s4 =	sld [smem:$0x3FB2]  }
0x2a: {  	p0 =	seq.s32 s5, $0x0;
	s5 =	sld [smem:$0x3FB3]  }
0x2b: {  	s6 =	sld [smem:$0x3FB4]  }
0x2c: {  	s7 =	sld [smem:$0x3FB5]  }
0x2d: {  	s3 =	simm.s32 $0x108;
	s8 =	sld [smem:$0x3FB6]  }
0x2e: {  	s3 =	simm.s32 @!p0 $0x1082;
	s9 =	sld [smem:$0x3FB7]  }
0x2f: {  	lr =	sadd.s32 s0, s3;
	s0 =	sld [smem:$0x3FAE]  }
0x30: {  	s3 =	sld [smem:$0x3FB1]  }
0x31: {  	[smem:$0x3FBA] =	sst s10  }
0x32: {  	s10 =	sld [smem:$0x3FB8];
	_ =	sdelay $0x3  }
0x33: {  	p0 =	seq.s32 s10, $0x1;
	s10 =	sld [smem:$0x3FBA];
	_ =	sdelay $0x3  }
0x34: {  	[smem:$0x3FBA] =	sst s10  }
0x35: {  	s10 =	sld [smem:$0x3FB9];
	_ =	sdelay $0x3  }
0x36: {  	p1 =	seq.s32 s10, $0x1;
	s10 =	sld [smem:$0x3FBA];
	_ =	sdelay $0x3  }
0x37: {  	[smem:$0x3FBA] =	sst s10  }
0x38: {  	s10 =	sld [smem:$0x3FBB]  }
0x39: {  	_ = 	snop;
	(pc) =	sbr.ind lr, $3  }
0x3a: {  	_ = 	snop  }
0x3b: {  	_ = 	snop  }
0x3c: {  	p2 =	seq.s32 s10, $0x1;
	s10 =	sld [smem:$0x3FBA]  }
0x3d: {  	_ =	shalt  }
0x3e: {  	_ =	shalt  }
0x3f: {  	_ =	shalt  }
0x40: {  	_ =	shalt  }
0x41: {  	_ =	shalt  }
0x42: {  	_ =	shalt  }
0x43: {  	_ =	shalt  }
0x44: {  	_ =	shalt  }
0x45: {  	_ =	shalt  }
0x46: {  	_ =	shalt  }
0x47: {  	_ =	shalt  }
0x48: {  	_ =	shalt  }
0x49: {  	_ =	shalt  }
0x4a: {  	_ =	shalt  }
0x4b: {  	_ =	shalt  }
0x4c: {  	_ =	shalt  }
0x4d: {  	_ =	shalt  }
0x4e: {  	_ =	shalt  }
0x4f: {  	_ =	shalt  }
0x50: {  	_ =	shalt  }
0x51: {  	_ =	shalt  }
0x52: {  	_ =	shalt  }
0x53: {  	_ =	shalt  }
0x54: {  	_ =	shalt  }
0x55: {  	_ =	shalt  }
0x56: {  	_ =	shalt  }
0x57: {  	_ =	shalt  }
0x58: {  	_ =	shalt  }
0x59: {  	_ =	shalt  }
0x5a: {  	_ =	shalt  }
0x5b: {  	_ =	shalt  }
0x5c: {  	_ =	shalt  }
0x5d: {  	_ =	shalt  }
0x5e: {  	_ =	shalt  }
0x5f: {  	_ =	shalt  }
0x60: {  	_ =	shalt  }
0x61: {  	_ =	shalt  }
0x62: {  	_ =	shalt  }
0x63: {  	_ =	shalt  }
0x64: {  	_ =	shalt  }
0x65: {  	_ =	shalt  }
0x66: {  	_ =	shalt  }
0x67: {  	_ =	shalt  }
0x68: {  	_ =	shalt  }
0x69: {  	_ =	shalt  }
0x6a: {  	_ =	shalt  }
0x6b: {  	_ =	shalt  }
0x6c: {  	_ =	shalt  }
0x6d: {  	_ =	shalt  }
0x6e: {  	_ =	shalt  }
0x6f: {  	_ =	shalt  }
0x70: {  	_ =	shalt  }
0x71: {  	_ =	shalt  }
0x72: {  	_ =	shalt  }
0x73: {  	_ =	shalt  }
0x74: {  	_ =	shalt  }
0x75: {  	_ =	shalt  }
0x76: {  	_ =	shalt  }
0x77: {  	_ =	shalt  }
0x78: {  	_ =	shalt  }
0x79: {  	_ =	shalt  }
0x7a: {  	_ =	shalt  }
0x7b: {  	_ =	shalt  }
0x7c: {  	_ =	shalt  }
0x7d: {  	_ =	shalt  }
0x7e: {  	_ =	shalt  }
0x7f: {  	_ =	shalt  }
0x80: {  	_ =	shalt  }
0x81: {  	_ =	shalt  }
0x82: {  	_ =	shalt  }
0x83: {  	_ =	shalt  }
0x84: {  	_ =	shalt  }
0x85: {  	_ =	shalt  }
0x86: {  	_ =	shalt  }
0x87: {  	_ =	shalt  }
.Lfunc_end0:
.L_simem_size_0:
called_computation_lowered:
.L_overlay_start_0:
0x88: {  	s2 =	sld [smem:$0x3FD9]  }
0x89: {  	s3 =	sld [smem:$0x3FFE];
	_ =	sdelay $0x1  }
0x8a: {  	s1 =	srdreg.scid  }
0x8b: {  	s0 =	sand.u32 $0x1, s1  }
0x8c: {  	s18 =	sshll.u32 s0, $0xA;
	s2 =	sadd.s32 s3, s2  }
0x8d: {  	s2 =	sadd.s32 s2, s18  }
0x8e: {  	[smem:$0x3FC6] =	sst s2  }
0x8f: {  	_ = 	snop  }
0x90: {  	s2 =	sld [smem:$0x3FC9]  }
0x91: {  	s19 =	sld [smem:$0x3FC8]  }
0x92: {  	s4 =	sld [smem:$0x3FD0];
	(tm) =	ssettm $0x1  }
0x93: {  	s5 =	sld [smem:$0x3FFB];
	_ =	sdelay $0x3  }
0x94: {  	_ =	strace s5  }
0x95: {  	s5 =	sld [smem:$0x3FFC];
	_ =	sdelay $0x3  }
0x96: {  	_ =	strace s5  }
0x97: {  	s5 =	sld [smem:$0x3FFD];
	_ =	sdelay $0x3  }
0x98: {  	_ =	strace s5  }
0x99: {  	_ =	strace $0x8FFFFFFF  }
0x9a: {  	s20 =	sld [smem:$0x3FDB];
	_ =	sdelay $0x1  }
0x9b: {  	s6 =	simm.s32 $_scs_section_size  }
0x9c: {  	s7 =	simm.s32 $_size__tile_overlayer_lowered;
	s8 =	simm.s32 $_tile_overlayer_lowered  }
0x9d: {  	s23 =	simm.s32 $0x1BFF;
	s22 =	sshll.u32 s8, $0x1;
	s5 =	sadd.s32 s6, s20  }
0x9e: {  	s9 =	simm.s32 $0x0;
	s21 =	sshll.u32 s7, $0x1;
	s7 =	sadd.s32 s22, s5  }
0x9f: {  	[timem:s9], [sflag:s23] =	dma.local [hbm:s7], s21  }
0xa0: {  	_ =	swait.ge [sflag:s23], s21  }
0xa1: {  	s6 =	ssub.s32 $0x0, s21;
	[sflag:s23] =	ssyncset.done $0x0  }
0xa2: {  	[sflag:s23] =	ssyncadd.s32 s6;
	_ =	sdelay $0x1  }
0xa3: {  	s24 =	simm.s32 $0x1B8B  }
0xa4: {  	_ =	swait.ge [sflag:s24], $0x1  }
0xa5: {  	[sflag:s24] =	ssyncset.done $0x0  }
0xa6: {  	s25 =	simm.s32 $0x1B8E;
	[sflag:s24] =	ssyncadd.s32 $0xFFFFFFFF  }
0xa7: {  	s26 =	simm.s32 $execute0_lowered;
	[smem:$0x3FD2] =	sst s25  }
0xa8: {  	s6 =	sshll.u32 s26, $0x1;
	_ =	strace $0x80000046;
	[dreg:$0x1] =	wrdreg $0xFFFFFFFF  }
0xa9: {  	s28 =	simm.s32 $_size_execute0_lowered;
	s5 =	sadd.s32 s5, s6;
	[dreg:$0x0] =	wrdreg $0x0  }
0xaa: {  	s6 =	sshll.u32 s28, $0x1;
	[dreg:$0x2] =	wrdreg s5  }
0xab: {  	[dreg:$0x3] =	wrdreg s6  }
0xac: {  	[dreg:$0x4] =	wrdreg $0xC0  }
0xad: {  	_ =	task [dreg:s9], $0x5FFFF  }
0xae: {  	[dreg:$0x1] =	wrdreg $0xFFFFFFFF  }
0xaf: {  	[dreg:$0x0] =	wrdreg $0x60  }
0xb0: {  	[dreg:$0x2] =	wrdreg s2  }
0xb1: {  	[dreg:$0x3] =	wrdreg s19  }
0xb2: {  	[dreg:$0x4] =	wrdreg s4  }
0xb3: {  	[dreg:$0x5] =	wrdreg $0xF0000  }
0xb4: {  	[dreg:$0x6] =	wrdreg $0x9  }
0xb5: {  	_ =	task.clear_ibuf [dreg:s9], $0x7FFFF;
	_ =	strace $0x90000046  }
0xb6: {  	s29 =	simm.s32 $0x9;
	_ =	strace $0x80000048  }
0xb7: {  	_ =	swait.ge [sflag:s29], $0x1  }
0xb8: {  	[sflag:s29] =	ssyncadd.s32 $0xFFFFFFFF  }
0xb9: {  	_ =	strace $0x90000048  }
0xba: {  	_ =	sfence  }
0xbb: {  	s30 =	sld [smem:$0x0];
	_ =	sdelay $0x2  }
0xbc: {  	s31 =	sshll.u32 s1, $0xD;
	s1 =	sshrl.u32 s1, $0x2  }
0xbd: {  	s3 =	sand.u32 $0x4000, s31;
	s1 =	sadd.s32 s1, s30  }
0xbe: {  	s0 =	sor.u32 s3, s0;
	s1 =	sshll.u32 s1, $0x11  }
0xbf: {  	s0 =	sor.u32 s1, s0  }
0xc0: {  	s0 =	sadd.s32 $0x8F2B, s0  }
0xc1: {  	[sflag:s0] =	ssyncadd.remote.s32 $0x1  }
0xc2: {  	_ =	sfence.sel $0xFFFF  }
0xc3: {  	[dreg:$0x0] =	wrdreg $0xFFFFFFFF;
	(pc) =	sbr.abs _section_cstart, $3  }
0xc4: {  	[dreg:$0x1] =	wrdreg $0xFFFFFFFF  }
0xc5: {  	_ =	task.clear_ibuf [dreg:s9], $0x2FFFF;
	_ =	strace $0x9FFFFFFF  }
0xc6: {  	(tm) =	ssettm $0x7FFFFFFF  }
0xc7: {  	_ =	shalt  }
tec
execute0_lowered:
.L_overlay_start_1:
0x0: {  	(tag) =	ssettag $0x1  }
0x1: {  	s0 =	rddreg [dreg:$0x0]  }
0x2: {  	s1 =	rddreg [dreg:$0x1]  }
0x3: {  	s8 =	rddreg [dreg:$0x2]  }
0x4: {  	s2 =	rddreg [dreg:$0x3]  }
0x5: {  	s26 =	simm.s32 $0x0;
	[dreg:$0x5] =	wrdreg s1  }
0x6: {  	[smem:$0x7FF] =	sst s26;
	s22 =	sadd.s32 $0x10000, s8  }
0x7: {  	s23 =	sadd.s32 $0x20000, s8;
	_ =	strace $0x80000047;
	[dreg:$0x6] =	wrdreg s22  }
0x8: {  	s24 =	sadd.s32 $0x30000, s8;
	[dreg:$0x7] =	wrdreg s23  }
0x9: {  	s25 =	sadd.s32 $0x40000, s8;
	[dreg:$0x8] =	wrdreg s24  }
0xa: {  	s28 =	sadd.s32 $0x50000, s8;
	[dreg:$0x9] =	wrdreg s25  }
0xb: {  	s29 =	sadd.s32 $0x60000, s8;
	[dreg:$0xa] =	wrdreg s28  }
0xc: {  	s30 =	sadd.s32 $0x70000, s8;
	[dreg:$0xb] =	wrdreg s29  }
0xd: {  	s31 =	sadd.s32 $0x80000, s8;
	[dreg:$0xc] =	wrdreg s30  }
0xe: {  	s3 =	sadd.s32 $0x90000, s8;
	[dreg:$0xd] =	wrdreg s31  }
0xf: {  	s4 =	sadd.s32 $0xA0000, s8;
	[dreg:$0xe] =	wrdreg s3  }
0x10: {  	s5 =	sadd.s32 $0xB0000, s8;
	[dreg:$0xf] =	wrdreg s4  }
0x11: {  	s6 =	sadd.s32 $0xC0000, s8;
	[dreg:$0x10] =	wrdreg s5  }
0x12: {  	s7 =	sadd.s32 $0xD0000, s8;
	[dreg:$0x11] =	wrdreg s6  }
0x13: {  	s9 =	sadd.s32 $0xE0000, s8;
	[dreg:$0x12] =	wrdreg s7  }
0x14: {  	s10 =	sadd.s32 $0xF0000, s8;
	[dreg:$0x13] =	wrdreg s9  }
0x15: {  	s11 =	sadd.s32 $0x100000, s8;
	[dreg:$0x14] =	wrdreg s10  }
0x16: {  	s12 =	sadd.s32 $0x110000, s8;
	[dreg:$0x15] =	wrdreg s11  }
0x17: {  	s13 =	sadd.s32 $0x120000, s8;
	[dreg:$0x16] =	wrdreg s12  }
0x18: {  	s14 =	sadd.s32 $0x130000, s8;
	[dreg:$0x17] =	wrdreg s13  }
0x19: {  	s15 =	sadd.s32 $0x140000, s8;
	[dreg:$0x18] =	wrdreg s14  }
0x1a: {  	s16 =	sadd.s32 $0x150000, s8;
	[dreg:$0x19] =	wrdreg s15  }
0x1b: {  	s17 =	sadd.s32 $0x160000, s8;
	[dreg:$0x1a] =	wrdreg s16  }
0x1c: {  	s18 =	sadd.s32 $0x170000, s8;
	[dreg:$0x1b] =	wrdreg s17  }
0x1d: {  	s19 =	sadd.s32 $0x180000, s8;
	[dreg:$0x1c] =	wrdreg s18  }
0x1e: {  	s20 =	sadd.s32 $0x190000, s8;
	[dreg:$0x1d] =	wrdreg s19  }
0x1f: {  	s21 =	sadd.s32 $0x1A0000, s8;
	[dreg:$0x1e] =	wrdreg s20  }
0x20: {  	[dreg:$0x1f] =	wrdreg s21;
	s22 =	sadd.s32 $0x1B0000, s8  }
0x21: {  	s23 =	sadd.s32 $0x1C0000, s8;
	[smem:$0x7DB] =	sst s22  }
0x22: {  	s24 =	sadd.s32 $0x1D0000, s8;
	[smem:$0x7DC] =	sst s23  }
0x23: {  	s25 =	sadd.s32 $0x1E0000, s8;
	[smem:$0x7DD] =	sst s24  }
0x24: {  	s28 =	sadd.s32 $0x1F0000, s8;
	[smem:$0x7DE] =	sst s25  }
0x25: {  	s29 =	sadd.s32 $0x200000, s8;
	[smem:$0x7DF] =	sst s28  }
0x26: {  	s30 =	sadd.s32 $0x210000, s8;
	[smem:$0x7E0] =	sst s29  }
0x27: {  	s31 =	sadd.s32 $0x220000, s8;
	[smem:$0x7E1] =	sst s30  }
0x28: {  	s3 =	sadd.s32 $0x230000, s8;
	[smem:$0x7E2] =	sst s31  }
0x29: {  	s4 =	sadd.s32 $0x240000, s8;
	[smem:$0x7E3] =	sst s3  }
0x2a: {  	s5 =	sadd.s32 $0x250000, s8;
	[smem:$0x7E4] =	sst s4  }
0x2b: {  	s6 =	sadd.s32 $0x260000, s8;
	[smem:$0x7E5] =	sst s5  }
0x2c: {  	s7 =	sadd.s32 $0x270000, s8;
	[smem:$0x7E6] =	sst s6  }
0x2d: {  	s9 =	sadd.s32 $0x280000, s8;
	[smem:$0x7E7] =	sst s7  }
0x2e: {  	s10 =	sadd.s32 $0x290000, s8;
	[smem:$0x7E8] =	sst s9  }
0x2f: {  	s11 =	sadd.s32 $0x2A0000, s8;
	[smem:$0x7E9] =	sst s10  }
0x30: {  	s12 =	sadd.s32 $0x2B0000, s8;
	[smem:$0x7EA] =	sst s11  }
0x31: {  	s13 =	sadd.s32 $0x2C0000, s8;
	[smem:$0x7EB] =	sst s12  }
0x32: {  	s14 =	sadd.s32 $0x2D0000, s8;
	[smem:$0x7EC] =	sst s13  }
0x33: {  	s15 =	sadd.s32 $0x2E0000, s8;
	[smem:$0x7ED] =	sst s14  }
0x34: {  	s1 =	simm.s32 $0x0;
	s16 =	sadd.s32 $0x2F0000, s8;
	[smem:$0x7EE] =	sst s15  }
0x35: {  	s17 =	sadd.s32 $0x300000, s8;
	s3 =	srdreg.scid;
	[smem:$0x7EF] =	sst s16  }
0x36: {  	s18 =	sadd.s32 $0x310000, s8;
	s6 =	stileid.u32;
	[smem:$0x7F0] =	sst s17  }
0x37: {  	[smem:$0x7F2] =	sst s18;
	s9 =	simm.s32 $0x80;
	s10 =	simm.s32 $0x400  }
0x38: {  	s11 =	simm.s32 $0x1;
	s12 =	simm.s32 $0x1400;
	s13 =	simm.s32 $0xC800  }
0x39: {  	s14 =	simm.s32 $0xDC00;
	s15 =	simm.s32 $0xCC00;
	s22 =	simm.s32 $0x2800  }
0x3a: {  	s16 =	simm.s32 $0xD000;
	s23 =	simm.s32 $0x3C00;
	[smem:$0x7F5] =	sst s22  }
0x3b: {  	s17 =	simm.s32 $0xD400;
	s24 =	simm.s32 $0x5000;
	[smem:$0x7F6] =	sst s23  }
0x3c: {  	s18 =	simm.s32 $0xD800;
	s25 =	simm.s32 $0x6400;
	[smem:$0x7F7] =	sst s24  }
0x3d: {  	s28 =	simm.s32 $0x7800;
	s29 =	simm.s32 $0x8C00;
	[smem:$0x7F8] =	sst s25  }
0x3e: {  	s30 =	simm.s32 $0xA000;
	s31 =	simm.s32 $0xB400;
	[smem:$0x7F9] =	sst s28  }
0x3f: {  	s3 =	sand.u32 $0x1, s3;
	p0 =	sne.s32 s6, $0x0;
	[smem:$0x7FA] =	sst s29  }
0x40: {  	s22 =	simm.s32 $0xE400;
	s23 =	simm.s32 $0xE800;
	[smem:$0x7FB] =	sst s30  }
0x41: {  	s24 =	simm.s32 $0xEC00;
	[smem:$0x7FC] =	sst s31;
	s4 =	ssub.s32 $0x2, s3  }
0x42: {  	s25 =	simm.s32 $0x4;
	s19 =	sshll.u32 s3, $0x4;
	s5 =	sshrl.u32 s4, $0x1  }
0x43: {  	s21 =	sshll.u32 s3, $0xF;
	[smem:$0x7F1] =	sst s19;
	s7 =	ssub.s32 s4, s5  }
0x44: {  	[smem:$0x7F4] =	sst s21;
	s5 =	sshll.u32 s6, $0xA;
	s20 =	smax.u32 s7, $0x1  }
0x45: {  	s19 =	simm.s32 $0x3;
	s4 =	sadd.s32 s0, s5;
	[smem:$0x7F3] =	sst s20  }
0x46: {  	s21 =	simm.s32 $0xE000;
	s20 =	simm.s32 $0x2;
	[smem:$0x7FD] =	sst s4  }
.LBB2_1:
0x47: {  	s0 =	sand.u32 $0x1C000, s26  }
0x48: {  	s31 =	sand.u32 $0x70, s26;
	s0 =	sadd.s32 s0, s4  }
0x49: {  	[smem:$0x7DA] =	sst s1;
	s0 =	sadd.s32 s31, s0  }
0x4a: {  	[tilespmem:s26], [sflag:$0x1] =	stream.strided.gather [hbm4b:s0+s9], $0x400, s10, s9, $0x38;
	[tilespmem:$0x1E428] =	vst v63  }
0x4b: {  	s1 =	simm.s32 $0x10;
	s3 =	simm.s32 $0x0;
	s0 =	simm.s32 $0x800  }
.LBB2_2:
0x4c: {  	s6 =	sand.u32 $0x1C000, s0;
	p1 =	sne.s32 s0, $0x18800;
	s0 =	sadd.s32 $0x800, s0  }
.Ltmp0:
0x4d: {  	s7 =	sand.u32 $0x70, s1;
	s6 =	sadd.s32 s6, s4;
	(pc) =	sbr.rel @p1 .LBB2_2-.Ltmp0, $4  }
0x4e: {  	s3 =	sadd.s32 $0x400, s3;
	s6 =	sadd.s32 s7, s6  }
0x4f: {  	[tilespmem:s3], [sflag:$0x1] =	stream.strided.gather [hbm4b:s6+s9], $0x400, s10, s9, $0x38;
	[tilespmem:$0x1E428] =	vst v63  }
0x50: {  	_ = 	snop  }
0x51: {  	s1 =	sadd.s32 $0x10, s1  }
0x52: {  	s0 =	simm.s32 $0x32  }
.LBB2_4:
0x53: {  	p1 =	sne.s32 s0, $0x1  }
.Ltmp1:
0x54: {  	_ = 	snop;
	(pc) =	sbr.rel @p1 .LBB2_4-.Ltmp1, $4  }
0x55: {  	_ = 	snop  }
0x56: {  	_ =	swait.ge [sflag:s11], $0x400  }
0x57: {  	[sflag:s11] =	ssyncset.done $0x0  }
0x58: {  	s0 =	sadd.s32 $0xFFFFFFFF, s0;
	[sflag:s11] =	ssyncadd.s32 $0xFFFFFC00  }
0x59: {  	s7 =	sld [smem:$0x7F1];
	_ =	sdelay $0x2  }
0x5a: {  	s0 =	sshrl.u32 @!p0 s7, $0x3  }
0x5b: {  	s1 =	simm.s32 $0x0;
	[bflag:$0x0] =	sbarrier.arrive $0xFFFF;
	s0 =	smul.u32 @!p0 $0x7A1400, s0  }
0x5c: {  	s4 =	simm.s32 @!p0 $0x1C05;
	s30 =	simm.s32 @!p0 $0x5;
	s3 =	sand.u32 @!p0 $0x380, s1  }
0x5d: {  	s28 =	sshrl.u32 @!p0 s2, $0x3;
	s6 =	rddreg [dreg:$0x5];
	s0 =	sor.u32 @!p0 s3, s0  }
0x5e: {  	s29 =	simm.s32 @!p0 $0x80;
	[smem:$0x7D9] =	sst s28;
	s3 =	sshrl.u32 @!p0 s0, $0x3  }
0x5f: {  	s0 =	simm.s32 @!p0 $0x10;
	s3 =	sadd.s32 @!p0 s6, s3;
	s6 =	simm.s32 @!p0 $0x1  }
0x60: {  	[spmem:s28@s0], [sflag:s4] =	dma.strided @!p0 [hbm:s3@s29], $0x1E850, s6, $0x10   }
0x61: {  	_ =	swait.ge @!p0 [sflag:s30], $0x1E850  }
0x62: {  	[sflag:s30] =	ssyncset.done @!p0 $0x0  }
0x63: {  	[sflag:s30] =	ssyncadd.s32 @!p0 $0xFFFE17B0  }
0x64: {  	[bflag:$0x0] =	sbarrier.arrive $0xFFFF  }
0x65: {  	[tilespmem:s13], [sflag:$0x1] =	stream.indirect.gather [spmem:s2], $0x1, s26, s12, $0xb8;
	[tilespmem:$0x1E428] =	vst v63  }
0x66: {  	s0 =	sld [smem:$0x7F4];
	_ =	sdelay $0x1  }
0x67: {  	[tilespmem:s14], [sflag:$0x2] =	stream.indirect.gather [spmem:s2], $0x1, s12, s12, $0xb8;
	[tilespmem:$0x1E428] =	vst v63  }
0x68: {  	s1 =	sand.u32 $0x70, s1;
	s31 =	sand.u32 $0xC000, s0  }
0x69: {  	_ =	swait.ge [sflag:s11], $0x1400;
	s1 =	sor.u32 s1, s31  }
0x6a: {  	[sflag:s11] =	ssyncset.done $0x0;
	s1 =	sor.u32 s5, s1  }
0x6b: {  	s4 =	rddreg [dreg:$0x6];
	[sflag:s11] =	ssyncadd.s32 $0xFFFFEC00;
	s8 =	sadd.s32 s8, s1  }
0x6c: {  	[hbm4b:s8+s9] =	stream.strided.scatter [tilespmem:s13], [sflag:$0x3], $0x400, s10, s9, $0x38;
	[tilespmem:$0x1E428] =	vst v63  }
0x6d: {  	s26 =	rddreg [dreg:$0x7];
	s3 =	sadd.s32 s1, s4  }
0x6e: {  	[hbm4b:s3+s9] =	stream.strided.scatter [tilespmem:s15], [sflag:$0x3], $0x400, s10, s9, $0x38;
	[tilespmem:$0x1E428] =	vst v63  }
0x6f: {  	s28 =	rddreg [dreg:$0x8];
	s29 =	sadd.s32 s1, s26  }
0x70: {  	[hbm4b:s29+s9] =	stream.strided.scatter [tilespmem:s16], [sflag:$0x3], $0x400, s10, s9, $0x38;
	[tilespmem:$0x1E428] =	vst v63  }
0x71: {  	s31 =	rddreg [dreg:$0x9];
	s4 =	sadd.s32 s1, s28  }
0x72: {  	[hbm4b:s4+s9] =	stream.strided.scatter [tilespmem:s17], [sflag:$0x3], $0x400, s10, s9, $0x38;
	[tilespmem:$0x1E428] =	vst v63  }
0x73: {  	s6 =	sadd.s32 s1, s31  }
0x74: {  	[hbm4b:s6+s9] =	stream.strided.scatter [tilespmem:s18], [sflag:$0x3], $0x400, s10, s9, $0x38;
	[tilespmem:$0x1E428] =	vst v63  }
0x75: {  	_ =	swait.ge [sflag:s19], $0x400  }
0x76: {  	[sflag:s19] =	ssyncset.done $0x0  }
0x77: {  	[sflag:s19] =	ssyncadd.s32 $0xFFFFFC00  }
0x78: {  	_ =	swait.ge [sflag:s19], $0x400  }
0x79: {  	[sflag:s19] =	ssyncset.done $0x0  }
0x7a: {  	[sflag:s19] =	ssyncadd.s32 $0xFFFFFC00  }
0x7b: {  	_ =	swait.ge [sflag:s19], $0x400  }
0x7c: {  	[sflag:s19] =	ssyncset.done $0x0  }
0x7d: {  	[sflag:s19] =	ssyncadd.s32 $0xFFFFFC00  }
0x7e: {  	_ =	swait.ge [sflag:s19], $0x400  }
0x7f: {  	[sflag:s19] =	ssyncset.done $0x0  }
0x80: {  	[sflag:s19] =	ssyncadd.s32 $0xFFFFFC00  }
0x81: {  	_ =	swait.ge [sflag:s19], $0x400  }
0x82: {  	s8 =	sld [smem:$0x7F5]  }
0x83: {  	[sflag:s19] =	ssyncset.done $0x0  }
0x84: {  	[sflag:s19] =	ssyncadd.s32 $0xFFFFFC00  }
0x85: {  	[tilespmem:s13], [sflag:$0x1] =	stream.indirect.gather [spmem:s2], $0x1, s8, s12, $0xb8;
	[tilespmem:$0x1E428] =	vst v63  }
0x86: {  	_ =	swait.ge [sflag:s20], $0x1400  }
0x87: {  	s26 =	rddreg [dreg:$0xa];
	[sflag:s20] =	ssyncset.done $0x0  }
0x88: {  	s28 =	rddreg [dreg:$0xb];
	[sflag:s20] =	ssyncadd.s32 $0xFFFFEC00;
	s3 =	sadd.s32 s1, s26  }
0x89: {  	[hbm4b:s3+s9] =	stream.strided.scatter [tilespmem:s14], [sflag:$0x4], $0x400, s10, s9, $0x38;
	[tilespmem:$0x1E428] =	vst v63  }
0x8a: {  	s29 =	rddreg [dreg:$0xc];
	s31 =	sadd.s32 s1, s28  }
0x8b: {  	[hbm4b:s31+s9] =	stream.strided.scatter [tilespmem:s21], [sflag:$0x4], $0x400, s10, s9, $0x38;
	[tilespmem:$0x1E428] =	vst v63  }
0x8c: {  	s4 =	rddreg [dreg:$0xd];
	s26 =	sadd.s32 s1, s29  }
0x8d: {  	[hbm4b:s26+s9] =	stream.strided.scatter [tilespmem:s22], [sflag:$0x4], $0x400, s10, s9, $0x38;
	[tilespmem:$0x1E428] =	vst v63  }
0x8e: {  	s28 =	rddreg [dreg:$0xe];
	s29 =	sadd.s32 s1, s4  }
0x8f: {  	[hbm4b:s29+s9] =	stream.strided.scatter [tilespmem:s23], [sflag:$0x4], $0x400, s10, s9, $0x38;
	[tilespmem:$0x1E428] =	vst v63  }
0x90: {  	s31 =	sadd.s32 s1, s28  }
0x91: {  	[hbm4b:s31+s9] =	stream.strided.scatter [tilespmem:s24], [sflag:$0x4], $0x400, s10, s9, $0x38;
	[tilespmem:$0x1E428] =	vst v63  }
0x92: {  	_ =	swait.ge [sflag:s25], $0x400  }
0x93: {  	[sflag:s25] =	ssyncset.done $0x0  }
0x94: {  	[sflag:s25] =	ssyncadd.s32 $0xFFFFFC00  }
0x95: {  	_ =	swait.ge [sflag:s25], $0x400  }
0x96: {  	[sflag:s25] =	ssyncset.done $0x0  }
0x97: {  	[sflag:s25] =	ssyncadd.s32 $0xFFFFFC00  }
0x98: {  	_ =	swait.ge [sflag:s25], $0x400  }
0x99: {  	[sflag:s25] =	ssyncset.done $0x0  }
0x9a: {  	[sflag:s25] =	ssyncadd.s32 $0xFFFFFC00  }
0x9b: {  	_ =	swait.ge [sflag:s25], $0x400  }
0x9c: {  	[sflag:s25] =	ssyncset.done $0x0  }
0x9d: {  	[sflag:s25] =	ssyncadd.s32 $0xFFFFFC00  }
0x9e: {  	_ =	swait.ge [sflag:s25], $0x400  }
0x9f: {  	s4 =	sld [smem:$0x7F6]  }
0xa0: {  	[sflag:s25] =	ssyncset.done $0x0  }
0xa1: {  	[sflag:s25] =	ssyncadd.s32 $0xFFFFFC00  }
0xa2: {  	[tilespmem:s14], [sflag:$0x2] =	stream.indirect.gather [spmem:s2], $0x1, s4, s12, $0xb8;
	[tilespmem:$0x1E428] =	vst v63  }
0xa3: {  	_ =	swait.ge [sflag:s11], $0x1400  }
0xa4: {  	s6 =	rddreg [dreg:$0xf];
	[sflag:s11] =	ssyncset.done $0x0  }
0xa5: {  	s8 =	rddreg [dreg:$0x10];
	[sflag:s11] =	ssyncadd.s32 $0xFFFFEC00;
	s3 =	sadd.s32 s1, s6  }
0xa6: {  	[hbm4b:s3+s9] =	stream.strided.scatter [tilespmem:s13], [sflag:$0x3], $0x400, s10, s9, $0x38;
	[tilespmem:$0x1E428] =	vst v63  }
0xa7: {  	s26 =	rddreg [dreg:$0x11];
	s28 =	sadd.s32 s1, s8  }
0xa8: {  	[hbm4b:s28+s9] =	stream.strided.scatter [tilespmem:s15], [sflag:$0x3], $0x400, s10, s9, $0x38;
	[tilespmem:$0x1E428] =	vst v63  }
0xa9: {  	s29 =	rddreg [dreg:$0x12];
	s31 =	sadd.s32 s1, s26  }
0xaa: {  	[hbm4b:s31+s9] =	stream.strided.scatter [tilespmem:s16], [sflag:$0x3], $0x400, s10, s9, $0x38;
	[tilespmem:$0x1E428] =	vst v63  }
0xab: {  	s4 =	rddreg [dreg:$0x13];
	s6 =	sadd.s32 s1, s29  }
0xac: {  	[hbm4b:s6+s9] =	stream.strided.scatter [tilespmem:s17], [sflag:$0x3], $0x400, s10, s9, $0x38;
	[tilespmem:$0x1E428] =	vst v63  }
0xad: {  	s26 =	sadd.s32 s1, s4  }
0xae: {  	[hbm4b:s26+s9] =	stream.strided.scatter [tilespmem:s18], [sflag:$0x3], $0x400, s10, s9, $0x38;
	[tilespmem:$0x1E428] =	vst v63  }
0xaf: {  	_ =	swait.ge [sflag:s19], $0x400  }
0xb0: {  	[sflag:s19] =	ssyncset.done $0x0  }
0xb1: {  	[sflag:s19] =	ssyncadd.s32 $0xFFFFFC00  }
0xb2: {  	_ =	swait.ge [sflag:s19], $0x400  }
0xb3: {  	[sflag:s19] =	ssyncset.done $0x0  }
0xb4: {  	[sflag:s19] =	ssyncadd.s32 $0xFFFFFC00  }
0xb5: {  	_ =	swait.ge [sflag:s19], $0x400  }
0xb6: {  	[sflag:s19] =	ssyncset.done $0x0  }
0xb7: {  	[sflag:s19] =	ssyncadd.s32 $0xFFFFFC00  }
0xb8: {  	_ =	swait.ge [sflag:s19], $0x400  }
0xb9: {  	[sflag:s19] =	ssyncset.done $0x0  }
0xba: {  	[sflag:s19] =	ssyncadd.s32 $0xFFFFFC00  }
0xbb: {  	_ =	swait.ge [sflag:s19], $0x400  }
0xbc: {  	s28 =	sld [smem:$0x7F7]  }
0xbd: {  	[sflag:s19] =	ssyncset.done $0x0  }
0xbe: {  	[sflag:s19] =	ssyncadd.s32 $0xFFFFFC00  }
0xbf: {  	[tilespmem:s13], [sflag:$0x1] =	stream.indirect.gather [spmem:s2], $0x1, s28, s12, $0xb8;
	[tilespmem:$0x1E428] =	vst v63  }
0xc0: {  	_ =	swait.ge [sflag:s20], $0x1400  }
0xc1: {  	s29 =	rddreg [dreg:$0x14];
	[sflag:s20] =	ssyncset.done $0x0  }
0xc2: {  	s31 =	rddreg [dreg:$0x15];
	[sflag:s20] =	ssyncadd.s32 $0xFFFFEC00;
	s3 =	sadd.s32 s1, s29  }
0xc3: {  	[hbm4b:s3+s9] =	stream.strided.scatter [tilespmem:s14], [sflag:$0x4], $0x400, s10, s9, $0x38;
	[tilespmem:$0x1E428] =	vst v63  }
0xc4: {  	s4 =	rddreg [dreg:$0x16];
	s26 =	sadd.s32 s1, s31  }
0xc5: {  	[hbm4b:s26+s9] =	stream.strided.scatter [tilespmem:s21], [sflag:$0x4], $0x400, s10, s9, $0x38;
	[tilespmem:$0x1E428] =	vst v63  }
0xc6: {  	s28 =	rddreg [dreg:$0x17];
	s29 =	sadd.s32 s1, s4  }
0xc7: {  	[hbm4b:s29+s9] =	stream.strided.scatter [tilespmem:s22], [sflag:$0x4], $0x400, s10, s9, $0x38;
	[tilespmem:$0x1E428] =	vst v63  }
0xc8: {  	s31 =	rddreg [dreg:$0x18];
	s4 =	sadd.s32 s1, s28  }
0xc9: {  	[hbm4b:s4+s9] =	stream.strided.scatter [tilespmem:s23], [sflag:$0x4], $0x400, s10, s9, $0x38;
	[tilespmem:$0x1E428] =	vst v63  }
0xca: {  	s6 =	sadd.s32 s1, s31  }
0xcb: {  	[hbm4b:s6+s9] =	stream.strided.scatter [tilespmem:s24], [sflag:$0x4], $0x400, s10, s9, $0x38;
	[tilespmem:$0x1E428] =	vst v63  }
0xcc: {  	_ =	swait.ge [sflag:s25], $0x400  }
0xcd: {  	[sflag:s25] =	ssyncset.done $0x0  }
0xce: {  	[sflag:s25] =	ssyncadd.s32 $0xFFFFFC00  }
0xcf: {  	_ =	swait.ge [sflag:s25], $0x400  }
0xd0: {  	[sflag:s25] =	ssyncset.done $0x0  }
0xd1: {  	[sflag:s25] =	ssyncadd.s32 $0xFFFFFC00  }
0xd2: {  	_ =	swait.ge [sflag:s25], $0x400  }
0xd3: {  	[sflag:s25] =	ssyncset.done $0x0  }
0xd4: {  	[sflag:s25] =	ssyncadd.s32 $0xFFFFFC00  }
0xd5: {  	_ =	swait.ge [sflag:s25], $0x400  }
0xd6: {  	[sflag:s25] =	ssyncset.done $0x0  }
0xd7: {  	[sflag:s25] =	ssyncadd.s32 $0xFFFFFC00  }
0xd8: {  	_ =	swait.ge [sflag:s25], $0x400  }
0xd9: {  	s8 =	sld [smem:$0x7F8]  }
0xda: {  	[sflag:s25] =	ssyncset.done $0x0  }
0xdb: {  	[sflag:s25] =	ssyncadd.s32 $0xFFFFFC00  }
0xdc: {  	[tilespmem:s14], [sflag:$0x2] =	stream.indirect.gather [spmem:s2], $0x1, s8, s12, $0xb8;
	[tilespmem:$0x1E428] =	vst v63  }
0xdd: {  	_ =	swait.ge [sflag:s11], $0x1400  }
0xde: {  	s26 =	rddreg [dreg:$0x19];
	[sflag:s11] =	ssyncset.done $0x0  }
0xdf: {  	s28 =	rddreg [dreg:$0x1a];
	[sflag:s11] =	ssyncadd.s32 $0xFFFFEC00;
	s3 =	sadd.s32 s1, s26  }
0xe0: {  	[hbm4b:s3+s9] =	stream.strided.scatter [tilespmem:s13], [sflag:$0x3], $0x400, s10, s9, $0x38;
	[tilespmem:$0x1E428] =	vst v63  }
0xe1: {  	s29 =	rddreg [dreg:$0x1b];
	s31 =	sadd.s32 s1, s28  }
0xe2: {  	[hbm4b:s31+s9] =	stream.strided.scatter [tilespmem:s15], [sflag:$0x3], $0x400, s10, s9, $0x38;
	[tilespmem:$0x1E428] =	vst v63  }
0xe3: {  	s4 =	rddreg [dreg:$0x1c];
	s26 =	sadd.s32 s1, s29  }
0xe4: {  	[hbm4b:s26+s9] =	stream.strided.scatter [tilespmem:s16], [sflag:$0x3], $0x400, s10, s9, $0x38;
	[tilespmem:$0x1E428] =	vst v63  }
0xe5: {  	s28 =	rddreg [dreg:$0x1d];
	s29 =	sadd.s32 s1, s4  }
0xe6: {  	[hbm4b:s29+s9] =	stream.strided.scatter [tilespmem:s17], [sflag:$0x3], $0x400, s10, s9, $0x38;
	[tilespmem:$0x1E428] =	vst v63  }
0xe7: {  	s31 =	sadd.s32 s1, s28  }
0xe8: {  	[hbm4b:s31+s9] =	stream.strided.scatter [tilespmem:s18], [sflag:$0x3], $0x400, s10, s9, $0x38;
	[tilespmem:$0x1E428] =	vst v63  }
0xe9: {  	_ =	swait.ge [sflag:s19], $0x400  }
0xea: {  	[sflag:s19] =	ssyncset.done $0x0  }
0xeb: {  	[sflag:s19] =	ssyncadd.s32 $0xFFFFFC00  }
0xec: {  	_ =	swait.ge [sflag:s19], $0x400  }
0xed: {  	[sflag:s19] =	ssyncset.done $0x0  }
0xee: {  	[sflag:s19] =	ssyncadd.s32 $0xFFFFFC00  }
0xef: {  	_ =	swait.ge [sflag:s19], $0x400  }
0xf0: {  	[sflag:s19] =	ssyncset.done $0x0  }
0xf1: {  	[sflag:s19] =	ssyncadd.s32 $0xFFFFFC00  }
0xf2: {  	_ =	swait.ge [sflag:s19], $0x400  }
0xf3: {  	[sflag:s19] =	ssyncset.done $0x0  }
0xf4: {  	[sflag:s19] =	ssyncadd.s32 $0xFFFFFC00  }
0xf5: {  	_ =	swait.ge [sflag:s19], $0x400  }
0xf6: {  	s4 =	sld [smem:$0x7F9]  }
0xf7: {  	[sflag:s19] =	ssyncset.done $0x0  }
0xf8: {  	[sflag:s19] =	ssyncadd.s32 $0xFFFFFC00  }
0xf9: {  	[tilespmem:s13], [sflag:$0x1] =	stream.indirect.gather [spmem:s2], $0x1, s4, s12, $0xb8;
	[tilespmem:$0x1E428] =	vst v63  }
0xfa: {  	_ =	swait.ge [sflag:s20], $0x1400  }
0xfb: {  	s6 =	rddreg [dreg:$0x1e]  }
0xfc: {  	[sflag:s20] =	ssyncset.done $0x0;
	s8 =	rddreg [dreg:$0x1f]  }
0xfd: {  	s26 =	sld [smem:$0x7DB];
	[sflag:s20] =	ssyncadd.s32 $0xFFFFEC00;
	s3 =	sadd.s32 s1, s6  }
0xfe: {  	[hbm4b:s3+s9] =	stream.strided.scatter [tilespmem:s14], [sflag:$0x4], $0x400, s10, s9, $0x38;
	[tilespmem:$0x1E428] =	vst v63  }
0xff: {  	s29 =	sld [smem:$0x7DC];
	s28 =	sadd.s32 s1, s8  }
0x100: {  	[hbm4b:s28+s9] =	stream.strided.scatter [tilespmem:s21], [sflag:$0x4], $0x400, s10, s9, $0x38;
	[tilespmem:$0x1E428] =	vst v63  }
0x101: {  	s4 =	sld [smem:$0x7DD];
	s31 =	sadd.s32 s1, s26  }
0x102: {  	[hbm4b:s31+s9] =	stream.strided.scatter [tilespmem:s22], [sflag:$0x4], $0x400, s10, s9, $0x38;
	[tilespmem:$0x1E428] =	vst v63  }
0x103: {  	s6 =	sadd.s32 s1, s29  }
0x104: {  	[hbm4b:s6+s9] =	stream.strided.scatter [tilespmem:s23], [sflag:$0x4], $0x400, s10, s9, $0x38;
	[tilespmem:$0x1E428] =	vst v63  }
0x105: {  	s26 =	sadd.s32 s1, s4  }
0x106: {  	[hbm4b:s26+s9] =	stream.strided.scatter [tilespmem:s24], [sflag:$0x4], $0x400, s10, s9, $0x38;
	[tilespmem:$0x1E428] =	vst v63  }
0x107: {  	_ =	swait.ge [sflag:s25], $0x400  }
0x108: {  	[sflag:s25] =	ssyncset.done $0x0  }
0x109: {  	[sflag:s25] =	ssyncadd.s32 $0xFFFFFC00  }
0x10a: {  	_ =	swait.ge [sflag:s25], $0x400  }
0x10b: {  	[sflag:s25] =	ssyncset.done $0x0  }
0x10c: {  	[sflag:s25] =	ssyncadd.s32 $0xFFFFFC00  }
0x10d: {  	_ =	swait.ge [sflag:s25], $0x400  }
0x10e: {  	[sflag:s25] =	ssyncset.done $0x0  }
0x10f: {  	[sflag:s25] =	ssyncadd.s32 $0xFFFFFC00  }
0x110: {  	_ =	swait.ge [sflag:s25], $0x400  }
0x111: {  	[sflag:s25] =	ssyncset.done $0x0  }
0x112: {  	[sflag:s25] =	ssyncadd.s32 $0xFFFFFC00  }
0x113: {  	_ =	swait.ge [sflag:s25], $0x400  }
0x114: {  	s28 =	sld [smem:$0x7FA]  }
0x115: {  	[sflag:s25] =	ssyncset.done $0x0  }
0x116: {  	[sflag:s25] =	ssyncadd.s32 $0xFFFFFC00  }
0x117: {  	[tilespmem:s14], [sflag:$0x2] =	stream.indirect.gather [spmem:s2], $0x1, s28, s12, $0xb8;
	[tilespmem:$0x1E428] =	vst v63  }
0x118: {  	_ =	swait.ge [sflag:s11], $0x1400  }
0x119: {  	s29 =	sld [smem:$0x7DE];
	_ =	sdelay $0x1  }
0x11a: {  	[sflag:s11] =	ssyncset.done $0x0;
	s31 =	sld [smem:$0x7DF]  }
0x11b: {  	s4 =	sld [smem:$0x7E0];
	[sflag:s11] =	ssyncadd.s32 $0xFFFFEC00;
	s3 =	sadd.s32 s1, s29  }
0x11c: {  	[hbm4b:s3+s9] =	stream.strided.scatter [tilespmem:s13], [sflag:$0x3], $0x400, s10, s9, $0x38;
	[tilespmem:$0x1E428] =	vst v63  }
0x11d: {  	s28 =	sld [smem:$0x7E1];
	s26 =	sadd.s32 s1, s31  }
0x11e: {  	[hbm4b:s26+s9] =	stream.strided.scatter [tilespmem:s15], [sflag:$0x3], $0x400, s10, s9, $0x38;
	[tilespmem:$0x1E428] =	vst v63  }
0x11f: {  	s29 =	sadd.s32 s1, s4;
	s31 =	sld [smem:$0x7E2]  }
0x120: {  	[hbm4b:s29+s9] =	stream.strided.scatter [tilespmem:s16], [sflag:$0x3], $0x400, s10, s9, $0x38;
	[tilespmem:$0x1E428] =	vst v63  }
0x121: {  	s4 =	sadd.s32 s1, s28  }
0x122: {  	[hbm4b:s4+s9] =	stream.strided.scatter [tilespmem:s17], [sflag:$0x3], $0x400, s10, s9, $0x38;
	[tilespmem:$0x1E428] =	vst v63  }
0x123: {  	s6 =	sadd.s32 s1, s31  }
0x124: {  	[hbm4b:s6+s9] =	stream.strided.scatter [tilespmem:s18], [sflag:$0x3], $0x400, s10, s9, $0x38;
	[tilespmem:$0x1E428] =	vst v63  }
0x125: {  	_ =	swait.ge [sflag:s19], $0x400  }
0x126: {  	[sflag:s19] =	ssyncset.done $0x0  }
0x127: {  	[sflag:s19] =	ssyncadd.s32 $0xFFFFFC00  }
0x128: {  	_ =	swait.ge [sflag:s19], $0x400  }
0x129: {  	[sflag:s19] =	ssyncset.done $0x0  }
0x12a: {  	[sflag:s19] =	ssyncadd.s32 $0xFFFFFC00  }
0x12b: {  	_ =	swait.ge [sflag:s19], $0x400  }
0x12c: {  	[sflag:s19] =	ssyncset.done $0x0  }
0x12d: {  	[sflag:s19] =	ssyncadd.s32 $0xFFFFFC00  }
0x12e: {  	_ =	swait.ge [sflag:s19], $0x400  }
0x12f: {  	[sflag:s19] =	ssyncset.done $0x0  }
0x130: {  	[sflag:s19] =	ssyncadd.s32 $0xFFFFFC00  }
0x131: {  	_ =	swait.ge [sflag:s19], $0x400  }
0x132: {  	s8 =	sld [smem:$0x7FB]  }
0x133: {  	[sflag:s19] =	ssyncset.done $0x0  }
0x134: {  	[sflag:s19] =	ssyncadd.s32 $0xFFFFFC00  }
0x135: {  	[tilespmem:s13], [sflag:$0x1] =	stream.indirect.gather [spmem:s2], $0x1, s8, s12, $0xb8;
	[tilespmem:$0x1E428] =	vst v63  }
0x136: {  	_ =	swait.ge [sflag:s20], $0x1400  }
0x137: {  	s26 =	sld [smem:$0x7E3];
	_ =	sdelay $0x1  }
0x138: {  	[sflag:s20] =	ssyncset.done $0x0;
	s28 =	sld [smem:$0x7E4]  }
0x139: {  	s29 =	sld [smem:$0x7E5];
	[sflag:s20] =	ssyncadd.s32 $0xFFFFEC00;
	s3 =	sadd.s32 s1, s26  }
0x13a: {  	[hbm4b:s3+s9] =	stream.strided.scatter [tilespmem:s14], [sflag:$0x4], $0x400, s10, s9, $0x38;
	[tilespmem:$0x1E428] =	vst v63  }
0x13b: {  	s4 =	sld [smem:$0x7E6];
	s31 =	sadd.s32 s1, s28  }
0x13c: {  	[hbm4b:s31+s9] =	stream.strided.scatter [tilespmem:s21], [sflag:$0x4], $0x400, s10, s9, $0x38;
	[tilespmem:$0x1E428] =	vst v63  }
0x13d: {  	s26 =	sadd.s32 s1, s29;
	s28 =	sld [smem:$0x7E7]  }
0x13e: {  	[hbm4b:s26+s9] =	stream.strided.scatter [tilespmem:s22], [sflag:$0x4], $0x400, s10, s9, $0x38;
	[tilespmem:$0x1E428] =	vst v63  }
0x13f: {  	s29 =	sadd.s32 s1, s4  }
0x140: {  	[hbm4b:s29+s9] =	stream.strided.scatter [tilespmem:s23], [sflag:$0x4], $0x400, s10, s9, $0x38;
	[tilespmem:$0x1E428] =	vst v63  }
0x141: {  	s31 =	sadd.s32 s1, s28  }
0x142: {  	[hbm4b:s31+s9] =	stream.strided.scatter [tilespmem:s24], [sflag:$0x4], $0x400, s10, s9, $0x38;
	[tilespmem:$0x1E428] =	vst v63  }
0x143: {  	_ =	swait.ge [sflag:s25], $0x400  }
0x144: {  	[sflag:s25] =	ssyncset.done $0x0  }
0x145: {  	[sflag:s25] =	ssyncadd.s32 $0xFFFFFC00  }
0x146: {  	_ =	swait.ge [sflag:s25], $0x400  }
0x147: {  	[sflag:s25] =	ssyncset.done $0x0  }
0x148: {  	[sflag:s25] =	ssyncadd.s32 $0xFFFFFC00  }
0x149: {  	_ =	swait.ge [sflag:s25], $0x400  }
0x14a: {  	[sflag:s25] =	ssyncset.done $0x0  }
0x14b: {  	[sflag:s25] =	ssyncadd.s32 $0xFFFFFC00  }
0x14c: {  	_ =	swait.ge [sflag:s25], $0x400  }
0x14d: {  	[sflag:s25] =	ssyncset.done $0x0  }
0x14e: {  	[sflag:s25] =	ssyncadd.s32 $0xFFFFFC00  }
0x14f: {  	_ =	swait.ge [sflag:s25], $0x400  }
0x150: {  	s4 =	sld [smem:$0x7FC]  }
0x151: {  	[sflag:s25] =	ssyncset.done $0x0  }
0x152: {  	[sflag:s25] =	ssyncadd.s32 $0xFFFFFC00  }
0x153: {  	[tilespmem:s14], [sflag:$0x2] =	stream.indirect.gather [spmem:s2], $0x1, s4, s12, $0xb8;
	[tilespmem:$0x1E428] =	vst v63  }
0x154: {  	_ =	swait.ge [sflag:s11], $0x1400  }
0x155: {  	s6 =	sld [smem:$0x7E8];
	_ =	sdelay $0x1  }
0x156: {  	[sflag:s11] =	ssyncset.done $0x0;
	s8 =	sld [smem:$0x7E9]  }
0x157: {  	s26 =	sld [smem:$0x7EA];
	[sflag:s11] =	ssyncadd.s32 $0xFFFFEC00;
	s3 =	sadd.s32 s1, s6  }
0x158: {  	[hbm4b:s3+s9] =	stream.strided.scatter [tilespmem:s13], [sflag:$0x3], $0x400, s10, s9, $0x38;
	[tilespmem:$0x1E428] =	vst v63  }
0x159: {  	s29 =	sld [smem:$0x7EB];
	s28 =	sadd.s32 s1, s8  }
0x15a: {  	[hbm4b:s28+s9] =	stream.strided.scatter [tilespmem:s15], [sflag:$0x3], $0x400, s10, s9, $0x38;
	[tilespmem:$0x1E428] =	vst v63  }
0x15b: {  	s4 =	sld [smem:$0x7EC];
	s31 =	sadd.s32 s1, s26  }
0x15c: {  	[hbm4b:s31+s9] =	stream.strided.scatter [tilespmem:s16], [sflag:$0x3], $0x400, s10, s9, $0x38;
	[tilespmem:$0x1E428] =	vst v63  }
0x15d: {  	s26 =	sadd.s32 s1, s29  }
0x15e: {  	[hbm4b:s26+s9] =	stream.strided.scatter [tilespmem:s17], [sflag:$0x3], $0x400, s10, s9, $0x38;
	[tilespmem:$0x1E428] =	vst v63  }
0x15f: {  	s28 =	sadd.s32 s1, s4  }
0x160: {  	[hbm4b:s28+s9] =	stream.strided.scatter [tilespmem:s18], [sflag:$0x3], $0x400, s10, s9, $0x38;
	[tilespmem:$0x1E428] =	vst v63  }
0x161: {  	_ =	swait.ge [sflag:s20], $0x1400  }
0x162: {  	s29 =	sld [smem:$0x7ED];
	_ =	sdelay $0x1  }
0x163: {  	[sflag:s20] =	ssyncset.done $0x0;
	s31 =	sld [smem:$0x7EE]  }
0x164: {  	s4 =	sld [smem:$0x7EF];
	[sflag:s20] =	ssyncadd.s32 $0xFFFFEC00;
	s3 =	sadd.s32 s1, s29  }
0x165: {  	[hbm4b:s3+s9] =	stream.strided.scatter [tilespmem:s14], [sflag:$0x4], $0x400, s10, s9, $0x38;
	[tilespmem:$0x1E428] =	vst v63  }
0x166: {  	s26 =	sld [smem:$0x7F0];
	s6 =	sadd.s32 s1, s31  }
0x167: {  	[hbm4b:s6+s9] =	stream.strided.scatter [tilespmem:s21], [sflag:$0x4], $0x400, s10, s9, $0x38;
	[tilespmem:$0x1E428] =	vst v63  }
0x168: {  	s28 =	sadd.s32 s1, s4;
	s29 =	sld [smem:$0x7F2]  }
0x169: {  	[hbm4b:s28+s9] =	stream.strided.scatter [tilespmem:s22], [sflag:$0x4], $0x400, s10, s9, $0x38;
	[tilespmem:$0x1E428] =	vst v63  }
0x16a: {  	s31 =	sadd.s32 s1, s26  }
0x16b: {  	[hbm4b:s31+s9] =	stream.strided.scatter [tilespmem:s23], [sflag:$0x4], $0x400, s10, s9, $0x38;
	[tilespmem:$0x1E428] =	vst v63  }
0x16c: {  	s1 =	sadd.s32 s1, s29  }
0x16d: {  	[hbm4b:s1+s9] =	stream.strided.scatter [tilespmem:s24], [sflag:$0x4], $0x400, s10, s9, $0x38;
	[tilespmem:$0x1E428] =	vst v63  }
0x16e: {  	_ =	swait.ge [sflag:s19], $0x400  }
0x16f: {  	[sflag:s19] =	ssyncset.done $0x0  }
0x170: {  	[sflag:s19] =	ssyncadd.s32 $0xFFFFFC00  }
0x171: {  	_ =	swait.ge [sflag:s19], $0x400  }
0x172: {  	[sflag:s19] =	ssyncset.done $0x0  }
0x173: {  	[sflag:s19] =	ssyncadd.s32 $0xFFFFFC00  }
0x174: {  	_ =	swait.ge [sflag:s19], $0x400  }
0x175: {  	[sflag:s19] =	ssyncset.done $0x0  }
0x176: {  	[sflag:s19] =	ssyncadd.s32 $0xFFFFFC00  }
0x177: {  	_ =	swait.ge [sflag:s19], $0x400  }
0x178: {  	[sflag:s19] =	ssyncset.done $0x0  }
0x179: {  	[sflag:s19] =	ssyncadd.s32 $0xFFFFFC00  }
0x17a: {  	_ =	swait.ge [sflag:s19], $0x400  }
0x17b: {  	[sflag:s19] =	ssyncset.done $0x0  }
0x17c: {  	[sflag:s19] =	ssyncadd.s32 $0xFFFFFC00  }
0x17d: {  	_ =	swait.ge [sflag:s25], $0x400  }
0x17e: {  	[sflag:s25] =	ssyncset.done $0x0  }
0x17f: {  	[sflag:s25] =	ssyncadd.s32 $0xFFFFFC00  }
0x180: {  	_ =	swait.ge [sflag:s25], $0x400  }
0x181: {  	[sflag:s25] =	ssyncset.done $0x0  }
0x182: {  	[sflag:s25] =	ssyncadd.s32 $0xFFFFFC00  }
0x183: {  	_ =	swait.ge [sflag:s25], $0x400  }
0x184: {  	[sflag:s25] =	ssyncset.done $0x0  }
0x185: {  	[sflag:s25] =	ssyncadd.s32 $0xFFFFFC00  }
0x186: {  	_ =	swait.ge [sflag:s25], $0x400  }
0x187: {  	[sflag:s25] =	ssyncset.done $0x0  }
0x188: {  	s8 =	simm.s32 $0x10;
	[sflag:s25] =	ssyncadd.s32 $0xFFFFFC00  }
0x189: {  	s26 =	simm.s32 $0x80;
	s3 =	sadd.s32 $0x1, s7;
	_ =	swait.ge [sflag:s25], $0x400  }
0x18a: {  	s6 =	sadd.s32 $0x800, s0;
	s1 =	simm.s32 $0x100;
	[sflag:s25] =	ssyncset.done $0x0  }
.LBB2_6:
0x18b: {  	s29 =	sshrl.u32 @!p0 s3, $0x3  }
0x18c: {  	[sflag:s25] =	ssyncadd.s32 $0xFFFFFC00;
	s31 =	smov.u32 s1;
	s29 =	smul.u32 @!p0 $0x7A1400, s29  }
0x18d: {  	s0 =	sand.u32 @!p0 $0x380, s26;
	s4 =	simm.s32 @!p0 $0x1;
	[bflag:$0x0] =	sbarrier.arrive $0xFFFF  }
0x18e: {  	s26 =	smov.u32 s31;
	s28 =	sld [smem:$0x7D9];
	s0 =	sor.u32 @!p0 s0, s29  }
0x18f: {  	s31 =	simm.s32 @!p0 $0x80;
	s7 =	rddreg [dreg:$0x5];
	s0 =	sshrl.u32 @!p0 s0, $0x3  }
0x190: {  	s29 =	simm.s32 @!p0 $0x10;
	s0 =	sadd.s32 @!p0 s7, s0;
	s7 =	simm.s32 @!p0 $0x1C05  }
0x191: {  	[spmem:s28@s29], [sflag:s7] =	dma.strided @!p0 [hbm:s0@s31], $0x1E850, s4, $0x10   }
0x192: {  	_ =	swait.ge @!p0 [sflag:s30], $0x1E850  }
0x193: {  	[sflag:s30] =	ssyncset.done @!p0 $0x0  }
0x194: {  	[sflag:s30] =	ssyncadd.s32 @!p0 $0xFFFE17B0  }
0x195: {  	s29 =	simm.s32 $0x0;
	[bflag:$0x0] =	sbarrier.arrive $0xFFFF  }
0x196: {  	[tilespmem:s13], [sflag:$0x1] =	stream.indirect.gather [spmem:s2], $0x1, s29, s12, $0xb8;
	[tilespmem:$0x1E428] =	vst v63  }
0x197: {  	_ = 	snop  }
0x198: {  	[tilespmem:s14], [sflag:$0x2] =	stream.indirect.gather [spmem:s2], $0x1, s12, s12, $0xb8;
	[tilespmem:$0x1E428] =	vst v63  }
0x199: {  	_ =	swait.ge [sflag:s11], $0x1400  }
0x19a: {  	s31 =	sand.u32 $0xC000, s6;
	s4 =	sand.u32 $0x70, s8;
	[sflag:s11] =	ssyncset.done $0x0  }
0x19b: {  	s0 =	sor.u32 s4, s31;
	[sflag:s11] =	ssyncadd.s32 $0xFFFFEC00  }
0x19c: {  	s29 =	sor.u32 s5, s0;
	s7 =	rddreg [dreg:$0x2]  }
0x19d: {  	s0 =	rddreg [dreg:$0x6];
	s28 =	sadd.s32 s7, s29  }
0x19e: {  	[hbm4b:s28+s9] =	stream.strided.scatter [tilespmem:s13], [sflag:$0x3], $0x400, s10, s9, $0x38;
	[tilespmem:$0x1E428] =	vst v63  }
0x19f: {  	s4 =	rddreg [dreg:$0x7];
	s0 =	sadd.s32 s29, s0  }
0x1a0: {  	[hbm4b:s0+s9] =	stream.strided.scatter [tilespmem:s15], [sflag:$0x3], $0x400, s10, s9, $0x38;
	[tilespmem:$0x1E428] =	vst v63  }
0x1a1: {  	s7 =	rddreg [dreg:$0x8];
	s28 =	sadd.s32 s29, s4  }
0x1a2: {  	[hbm4b:s28+s9] =	stream.strided.scatter [tilespmem:s16], [sflag:$0x3], $0x400, s10, s9, $0x38;
	[tilespmem:$0x1E428] =	vst v63  }
0x1a3: {  	s4 =	rddreg [dreg:$0x9];
	s28 =	sadd.s32 s29, s7  }
0x1a4: {  	[hbm4b:s28+s9] =	stream.strided.scatter [tilespmem:s17], [sflag:$0x3], $0x400, s10, s9, $0x38;
	[tilespmem:$0x1E428] =	vst v63  }
0x1a5: {  	s31 =	sadd.s32 s29, s4  }
0x1a6: {  	[hbm4b:s31+s9] =	stream.strided.scatter [tilespmem:s18], [sflag:$0x3], $0x400, s10, s9, $0x38;
	[tilespmem:$0x1E428] =	vst v63  }
0x1a7: {  	_ =	swait.ge [sflag:s19], $0x400  }
0x1a8: {  	[sflag:s19] =	ssyncset.done $0x0  }
0x1a9: {  	[sflag:s19] =	ssyncadd.s32 $0xFFFFFC00  }
0x1aa: {  	_ =	swait.ge [sflag:s19], $0x400  }
0x1ab: {  	[sflag:s19] =	ssyncset.done $0x0  }
0x1ac: {  	[sflag:s19] =	ssyncadd.s32 $0xFFFFFC00  }
0x1ad: {  	_ =	swait.ge [sflag:s19], $0x400  }
0x1ae: {  	[sflag:s19] =	ssyncset.done $0x0  }
0x1af: {  	[sflag:s19] =	ssyncadd.s32 $0xFFFFFC00  }
0x1b0: {  	_ =	swait.ge [sflag:s19], $0x400  }
0x1b1: {  	[sflag:s19] =	ssyncset.done $0x0  }
0x1b2: {  	[sflag:s19] =	ssyncadd.s32 $0xFFFFFC00  }
0x1b3: {  	_ =	swait.ge [sflag:s19], $0x400  }
0x1b4: {  	s4 =	sld [smem:$0x7F5]  }
0x1b5: {  	[sflag:s19] =	ssyncset.done $0x0  }
0x1b6: {  	[sflag:s19] =	ssyncadd.s32 $0xFFFFFC00  }
0x1b7: {  	[tilespmem:s13], [sflag:$0x1] =	stream.indirect.gather [spmem:s2], $0x1, s4, s12, $0xb8;
	[tilespmem:$0x1E428] =	vst v63  }
0x1b8: {  	_ =	swait.ge [sflag:s20], $0x1400  }
0x1b9: {  	s7 =	rddreg [dreg:$0xa];
	[sflag:s20] =	ssyncset.done $0x0  }
0x1ba: {  	s28 =	rddreg [dreg:$0xb];
	[sflag:s20] =	ssyncadd.s32 $0xFFFFEC00;
	s0 =	sadd.s32 s29, s7  }
0x1bb: {  	[hbm4b:s0+s9] =	stream.strided.scatter [tilespmem:s14], [sflag:$0x4], $0x400, s10, s9, $0x38;
	[tilespmem:$0x1E428] =	vst v63  }
0x1bc: {  	s4 =	rddreg [dreg:$0xc];
	s28 =	sadd.s32 s29, s28  }
0x1bd: {  	[hbm4b:s28+s9] =	stream.strided.scatter [tilespmem:s21], [sflag:$0x4], $0x400, s10, s9, $0x38;
	[tilespmem:$0x1E428] =	vst v63  }
0x1be: {  	s7 =	rddreg [dreg:$0xd];
	s4 =	sadd.s32 s29, s4  }
0x1bf: {  	[hbm4b:s4+s9] =	stream.strided.scatter [tilespmem:s22], [sflag:$0x4], $0x400, s10, s9, $0x38;
	[tilespmem:$0x1E428] =	vst v63  }
0x1c0: {  	s28 =	rddreg [dreg:$0xe];
	s4 =	sadd.s32 s29, s7  }
0x1c1: {  	[hbm4b:s4+s9] =	stream.strided.scatter [tilespmem:s23], [sflag:$0x4], $0x400, s10, s9, $0x38;
	[tilespmem:$0x1E428] =	vst v63  }
0x1c2: {  	s7 =	sadd.s32 s29, s28  }
0x1c3: {  	[hbm4b:s7+s9] =	stream.strided.scatter [tilespmem:s24], [sflag:$0x4], $0x400, s10, s9, $0x38;
	[tilespmem:$0x1E428] =	vst v63  }
0x1c4: {  	_ =	swait.ge [sflag:s25], $0x400  }
0x1c5: {  	[sflag:s25] =	ssyncset.done $0x0  }
0x1c6: {  	[sflag:s25] =	ssyncadd.s32 $0xFFFFFC00  }
0x1c7: {  	_ =	swait.ge [sflag:s25], $0x400  }
0x1c8: {  	[sflag:s25] =	ssyncset.done $0x0  }
0x1c9: {  	[sflag:s25] =	ssyncadd.s32 $0xFFFFFC00  }
0x1ca: {  	_ =	swait.ge [sflag:s25], $0x400  }
0x1cb: {  	[sflag:s25] =	ssyncset.done $0x0  }
0x1cc: {  	[sflag:s25] =	ssyncadd.s32 $0xFFFFFC00  }
0x1cd: {  	_ =	swait.ge [sflag:s25], $0x400  }
0x1ce: {  	[sflag:s25] =	ssyncset.done $0x0  }
0x1cf: {  	[sflag:s25] =	ssyncadd.s32 $0xFFFFFC00  }
0x1d0: {  	_ =	swait.ge [sflag:s25], $0x400  }
0x1d1: {  	s28 =	sld [smem:$0x7F6]  }
0x1d2: {  	[sflag:s25] =	ssyncset.done $0x0  }
0x1d3: {  	[sflag:s25] =	ssyncadd.s32 $0xFFFFFC00  }
0x1d4: {  	[tilespmem:s14], [sflag:$0x2] =	stream.indirect.gather [spmem:s2], $0x1, s28, s12, $0xb8;
	[tilespmem:$0x1E428] =	vst v63  }
0x1d5: {  	_ =	swait.ge [sflag:s11], $0x1400  }
0x1d6: {  	s31 =	rddreg [dreg:$0xf];
	[sflag:s11] =	ssyncset.done $0x0  }
0x1d7: {  	s4 =	rddreg [dreg:$0x10];
	[sflag:s11] =	ssyncadd.s32 $0xFFFFEC00;
	s0 =	sadd.s32 s29, s31  }
0x1d8: {  	[hbm4b:s0+s9] =	stream.strided.scatter [tilespmem:s13], [sflag:$0x3], $0x400, s10, s9, $0x38;
	[tilespmem:$0x1E428] =	vst v63  }
0x1d9: {  	s28 =	rddreg [dreg:$0x11];
	s4 =	sadd.s32 s29, s4  }
0x1da: {  	[hbm4b:s4+s9] =	stream.strided.scatter [tilespmem:s15], [sflag:$0x3], $0x400, s10, s9, $0x38;
	[tilespmem:$0x1E428] =	vst v63  }
0x1db: {  	s7 =	rddreg [dreg:$0x12];
	s28 =	sadd.s32 s29, s28  }
0x1dc: {  	[hbm4b:s28+s9] =	stream.strided.scatter [tilespmem:s16], [sflag:$0x3], $0x400, s10, s9, $0x38;
	[tilespmem:$0x1E428] =	vst v63  }
0x1dd: {  	s4 =	rddreg [dreg:$0x13];
	s28 =	sadd.s32 s29, s7  }
0x1de: {  	[hbm4b:s28+s9] =	stream.strided.scatter [tilespmem:s17], [sflag:$0x3], $0x400, s10, s9, $0x38;
	[tilespmem:$0x1E428] =	vst v63  }
0x1df: {  	s31 =	sadd.s32 s29, s4  }
0x1e0: {  	[hbm4b:s31+s9] =	stream.strided.scatter [tilespmem:s18], [sflag:$0x3], $0x400, s10, s9, $0x38;
	[tilespmem:$0x1E428] =	vst v63  }
0x1e1: {  	_ =	swait.ge [sflag:s19], $0x400  }
0x1e2: {  	[sflag:s19] =	ssyncset.done $0x0  }
0x1e3: {  	[sflag:s19] =	ssyncadd.s32 $0xFFFFFC00  }
0x1e4: {  	_ =	swait.ge [sflag:s19], $0x400  }
0x1e5: {  	[sflag:s19] =	ssyncset.done $0x0  }
0x1e6: {  	[sflag:s19] =	ssyncadd.s32 $0xFFFFFC00  }
0x1e7: {  	_ =	swait.ge [sflag:s19], $0x400  }
0x1e8: {  	[sflag:s19] =	ssyncset.done $0x0  }
0x1e9: {  	[sflag:s19] =	ssyncadd.s32 $0xFFFFFC00  }
0x1ea: {  	_ =	swait.ge [sflag:s19], $0x400  }
0x1eb: {  	[sflag:s19] =	ssyncset.done $0x0  }
0x1ec: {  	[sflag:s19] =	ssyncadd.s32 $0xFFFFFC00  }
0x1ed: {  	_ =	swait.ge [sflag:s19], $0x400  }
0x1ee: {  	s4 =	sld [smem:$0x7F7]  }
0x1ef: {  	[sflag:s19] =	ssyncset.done $0x0  }
0x1f0: {  	[sflag:s19] =	ssyncadd.s32 $0xFFFFFC00  }
0x1f1: {  	[tilespmem:s13], [sflag:$0x1] =	stream.indirect.gather [spmem:s2], $0x1, s4, s12, $0xb8;
	[tilespmem:$0x1E428] =	vst v63  }
0x1f2: {  	_ =	swait.ge [sflag:s20], $0x1400  }
0x1f3: {  	s7 =	rddreg [dreg:$0x14];
	[sflag:s20] =	ssyncset.done $0x0  }
0x1f4: {  	s28 =	rddreg [dreg:$0x15];
	[sflag:s20] =	ssyncadd.s32 $0xFFFFEC00;
	s0 =	sadd.s32 s29, s7  }
0x1f5: {  	[hbm4b:s0+s9] =	stream.strided.scatter [tilespmem:s14], [sflag:$0x4], $0x400, s10, s9, $0x38;
	[tilespmem:$0x1E428] =	vst v63  }
0x1f6: {  	s4 =	rddreg [dreg:$0x16];
	s28 =	sadd.s32 s29, s28  }
0x1f7: {  	[hbm4b:s28+s9] =	stream.strided.scatter [tilespmem:s21], [sflag:$0x4], $0x400, s10, s9, $0x38;
	[tilespmem:$0x1E428] =	vst v63  }
0x1f8: {  	s7 =	rddreg [dreg:$0x17];
	s4 =	sadd.s32 s29, s4  }
0x1f9: {  	[hbm4b:s4+s9] =	stream.strided.scatter [tilespmem:s22], [sflag:$0x4], $0x400, s10, s9, $0x38;
	[tilespmem:$0x1E428] =	vst v63  }
0x1fa: {  	s28 =	rddreg [dreg:$0x18];
	s4 =	sadd.s32 s29, s7  }
0x1fb: {  	[hbm4b:s4+s9] =	stream.strided.scatter [tilespmem:s23], [sflag:$0x4], $0x400, s10, s9, $0x38;
	[tilespmem:$0x1E428] =	vst v63  }
0x1fc: {  	s7 =	sadd.s32 s29, s28  }
0x1fd: {  	[hbm4b:s7+s9] =	stream.strided.scatter [tilespmem:s24], [sflag:$0x4], $0x400, s10, s9, $0x38;
	[tilespmem:$0x1E428] =	vst v63  }
0x1fe: {  	_ =	swait.ge [sflag:s25], $0x400  }
0x1ff: {  	[sflag:s25] =	ssyncset.done $0x0  }
0x200: {  	[sflag:s25] =	ssyncadd.s32 $0xFFFFFC00  }
0x201: {  	_ =	swait.ge [sflag:s25], $0x400  }
0x202: {  	[sflag:s25] =	ssyncset.done $0x0  }
0x203: {  	[sflag:s25] =	ssyncadd.s32 $0xFFFFFC00  }
0x204: {  	_ =	swait.ge [sflag:s25], $0x400  }
0x205: {  	[sflag:s25] =	ssyncset.done $0x0  }
0x206: {  	[sflag:s25] =	ssyncadd.s32 $0xFFFFFC00  }
0x207: {  	_ =	swait.ge [sflag:s25], $0x400  }
0x208: {  	[sflag:s25] =	ssyncset.done $0x0  }
0x209: {  	[sflag:s25] =	ssyncadd.s32 $0xFFFFFC00  }
0x20a: {  	_ =	swait.ge [sflag:s25], $0x400  }
0x20b: {  	s28 =	sld [smem:$0x7F8]  }
0x20c: {  	[sflag:s25] =	ssyncset.done $0x0  }
0x20d: {  	[sflag:s25] =	ssyncadd.s32 $0xFFFFFC00  }
0x20e: {  	[tilespmem:s14], [sflag:$0x2] =	stream.indirect.gather [spmem:s2], $0x1, s28, s12, $0xb8;
	[tilespmem:$0x1E428] =	vst v63  }
0x20f: {  	_ =	swait.ge [sflag:s11], $0x1400  }
0x210: {  	s31 =	rddreg [dreg:$0x19];
	[sflag:s11] =	ssyncset.done $0x0  }
0x211: {  	s4 =	rddreg [dreg:$0x1a];
	[sflag:s11] =	ssyncadd.s32 $0xFFFFEC00;
	s0 =	sadd.s32 s29, s31  }
0x212: {  	[hbm4b:s0+s9] =	stream.strided.scatter [tilespmem:s13], [sflag:$0x3], $0x400, s10, s9, $0x38;
	[tilespmem:$0x1E428] =	vst v63  }
0x213: {  	s28 =	rddreg [dreg:$0x1b];
	s4 =	sadd.s32 s29, s4  }
0x214: {  	[hbm4b:s4+s9] =	stream.strided.scatter [tilespmem:s15], [sflag:$0x3], $0x400, s10, s9, $0x38;
	[tilespmem:$0x1E428] =	vst v63  }
0x215: {  	s7 =	rddreg [dreg:$0x1c];
	s28 =	sadd.s32 s29, s28  }
0x216: {  	[hbm4b:s28+s9] =	stream.strided.scatter [tilespmem:s16], [sflag:$0x3], $0x400, s10, s9, $0x38;
	[tilespmem:$0x1E428] =	vst v63  }
0x217: {  	s4 =	rddreg [dreg:$0x1d];
	s28 =	sadd.s32 s29, s7  }
0x218: {  	[hbm4b:s28+s9] =	stream.strided.scatter [tilespmem:s17], [sflag:$0x3], $0x400, s10, s9, $0x38;
	[tilespmem:$0x1E428] =	vst v63  }
0x219: {  	s31 =	sadd.s32 s29, s4  }
0x21a: {  	[hbm4b:s31+s9] =	stream.strided.scatter [tilespmem:s18], [sflag:$0x3], $0x400, s10, s9, $0x38;
	[tilespmem:$0x1E428] =	vst v63  }
0x21b: {  	_ =	swait.ge [sflag:s19], $0x400  }
0x21c: {  	[sflag:s19] =	ssyncset.done $0x0  }
0x21d: {  	[sflag:s19] =	ssyncadd.s32 $0xFFFFFC00  }
0x21e: {  	_ =	swait.ge [sflag:s19], $0x400  }
0x21f: {  	[sflag:s19] =	ssyncset.done $0x0  }
0x220: {  	[sflag:s19] =	ssyncadd.s32 $0xFFFFFC00  }
0x221: {  	_ =	swait.ge [sflag:s19], $0x400  }
0x222: {  	[sflag:s19] =	ssyncset.done $0x0  }
0x223: {  	[sflag:s19] =	ssyncadd.s32 $0xFFFFFC00  }
0x224: {  	_ =	swait.ge [sflag:s19], $0x400  }
0x225: {  	[sflag:s19] =	ssyncset.done $0x0  }
0x226: {  	[sflag:s19] =	ssyncadd.s32 $0xFFFFFC00  }
0x227: {  	_ =	swait.ge [sflag:s19], $0x400  }
0x228: {  	s4 =	sld [smem:$0x7F9]  }
0x229: {  	[sflag:s19] =	ssyncset.done $0x0  }
0x22a: {  	[sflag:s19] =	ssyncadd.s32 $0xFFFFFC00  }
0x22b: {  	[tilespmem:s13], [sflag:$0x1] =	stream.indirect.gather [spmem:s2], $0x1, s4, s12, $0xb8;
	[tilespmem:$0x1E428] =	vst v63  }
0x22c: {  	_ =	swait.ge [sflag:s20], $0x1400  }
0x22d: {  	s7 =	rddreg [dreg:$0x1e]  }
0x22e: {  	[sflag:s20] =	ssyncset.done $0x0;
	s28 =	rddreg [dreg:$0x1f]  }
0x22f: {  	s4 =	sld [smem:$0x7DB];
	[sflag:s20] =	ssyncadd.s32 $0xFFFFEC00;
	s0 =	sadd.s32 s29, s7  }
0x230: {  	[hbm4b:s0+s9] =	stream.strided.scatter [tilespmem:s14], [sflag:$0x4], $0x400, s10, s9, $0x38;
	[tilespmem:$0x1E428] =	vst v63  }
0x231: {  	s28 =	sadd.s32 s29, s28;
	s7 =	sld [smem:$0x7DC]  }
0x232: {  	[hbm4b:s28+s9] =	stream.strided.scatter [tilespmem:s21], [sflag:$0x4], $0x400, s10, s9, $0x38;
	[tilespmem:$0x1E428] =	vst v63  }
0x233: {  	s4 =	sadd.s32 s29, s4;
	s28 =	sld [smem:$0x7DD]  }
0x234: {  	[hbm4b:s4+s9] =	stream.strided.scatter [tilespmem:s22], [sflag:$0x4], $0x400, s10, s9, $0x38;
	[tilespmem:$0x1E428] =	vst v63  }
0x235: {  	s4 =	sadd.s32 s29, s7  }
0x236: {  	[hbm4b:s4+s9] =	stream.strided.scatter [tilespmem:s23], [sflag:$0x4], $0x400, s10, s9, $0x38;
	[tilespmem:$0x1E428] =	vst v63  }
0x237: {  	s7 =	sadd.s32 s29, s28  }
0x238: {  	[hbm4b:s7+s9] =	stream.strided.scatter [tilespmem:s24], [sflag:$0x4], $0x400, s10, s9, $0x38;
	[tilespmem:$0x1E428] =	vst v63  }
0x239: {  	_ =	swait.ge [sflag:s25], $0x400  }
0x23a: {  	[sflag:s25] =	ssyncset.done $0x0  }
0x23b: {  	[sflag:s25] =	ssyncadd.s32 $0xFFFFFC00  }
0x23c: {  	_ =	swait.ge [sflag:s25], $0x400  }
0x23d: {  	[sflag:s25] =	ssyncset.done $0x0  }
0x23e: {  	[sflag:s25] =	ssyncadd.s32 $0xFFFFFC00  }
0x23f: {  	_ =	swait.ge [sflag:s25], $0x400  }
0x240: {  	[sflag:s25] =	ssyncset.done $0x0  }
0x241: {  	[sflag:s25] =	ssyncadd.s32 $0xFFFFFC00  }
0x242: {  	_ =	swait.ge [sflag:s25], $0x400  }
0x243: {  	[sflag:s25] =	ssyncset.done $0x0  }
0x244: {  	[sflag:s25] =	ssyncadd.s32 $0xFFFFFC00  }
0x245: {  	_ =	swait.ge [sflag:s25], $0x400  }
0x246: {  	s28 =	sld [smem:$0x7FA]  }
0x247: {  	[sflag:s25] =	ssyncset.done $0x0  }
0x248: {  	[sflag:s25] =	ssyncadd.s32 $0xFFFFFC00  }
0x249: {  	[tilespmem:s14], [sflag:$0x2] =	stream.indirect.gather [spmem:s2], $0x1, s28, s12, $0xb8;
	[tilespmem:$0x1E428] =	vst v63  }
0x24a: {  	_ =	swait.ge [sflag:s11], $0x1400  }
0x24b: {  	s31 =	sld [smem:$0x7DE];
	_ =	sdelay $0x1  }
0x24c: {  	[sflag:s11] =	ssyncset.done $0x0;
	s4 =	sld [smem:$0x7DF]  }
0x24d: {  	s28 =	sld [smem:$0x7E0];
	[sflag:s11] =	ssyncadd.s32 $0xFFFFEC00;
	s0 =	sadd.s32 s29, s31  }
0x24e: {  	[hbm4b:s0+s9] =	stream.strided.scatter [tilespmem:s13], [sflag:$0x3], $0x400, s10, s9, $0x38;
	[tilespmem:$0x1E428] =	vst v63  }
0x24f: {  	s7 =	sld [smem:$0x7E1];
	s4 =	sadd.s32 s29, s4  }
0x250: {  	[hbm4b:s4+s9] =	stream.strided.scatter [tilespmem:s15], [sflag:$0x3], $0x400, s10, s9, $0x38;
	[tilespmem:$0x1E428] =	vst v63  }
0x251: {  	s28 =	sadd.s32 s29, s28;
	s4 =	sld [smem:$0x7E2]  }
0x252: {  	[hbm4b:s28+s9] =	stream.strided.scatter [tilespmem:s16], [sflag:$0x3], $0x400, s10, s9, $0x38;
	[tilespmem:$0x1E428] =	vst v63  }
0x253: {  	s28 =	sadd.s32 s29, s7  }
0x254: {  	[hbm4b:s28+s9] =	stream.strided.scatter [tilespmem:s17], [sflag:$0x3], $0x400, s10, s9, $0x38;
	[tilespmem:$0x1E428] =	vst v63  }
0x255: {  	s31 =	sadd.s32 s29, s4  }
0x256: {  	[hbm4b:s31+s9] =	stream.strided.scatter [tilespmem:s18], [sflag:$0x3], $0x400, s10, s9, $0x38;
	[tilespmem:$0x1E428] =	vst v63  }
0x257: {  	_ =	swait.ge [sflag:s19], $0x400  }
0x258: {  	[sflag:s19] =	ssyncset.done $0x0  }
0x259: {  	[sflag:s19] =	ssyncadd.s32 $0xFFFFFC00  }
0x25a: {  	_ =	swait.ge [sflag:s19], $0x400  }
0x25b: {  	[sflag:s19] =	ssyncset.done $0x0  }
0x25c: {  	[sflag:s19] =	ssyncadd.s32 $0xFFFFFC00  }
0x25d: {  	_ =	swait.ge [sflag:s19], $0x400  }
0x25e: {  	[sflag:s19] =	ssyncset.done $0x0  }
0x25f: {  	[sflag:s19] =	ssyncadd.s32 $0xFFFFFC00  }
0x260: {  	_ =	swait.ge [sflag:s19], $0x400  }
0x261: {  	[sflag:s19] =	ssyncset.done $0x0  }
0x262: {  	[sflag:s19] =	ssyncadd.s32 $0xFFFFFC00  }
0x263: {  	_ =	swait.ge [sflag:s19], $0x400  }
0x264: {  	s4 =	sld [smem:$0x7FB]  }
0x265: {  	[sflag:s19] =	ssyncset.done $0x0  }
0x266: {  	[sflag:s19] =	ssyncadd.s32 $0xFFFFFC00  }
0x267: {  	[tilespmem:s13], [sflag:$0x1] =	stream.indirect.gather [spmem:s2], $0x1, s4, s12, $0xb8;
	[tilespmem:$0x1E428] =	vst v63  }
0x268: {  	_ =	swait.ge [sflag:s20], $0x1400  }
0x269: {  	s7 =	sld [smem:$0x7E3];
	_ =	sdelay $0x1  }
0x26a: {  	[sflag:s20] =	ssyncset.done $0x0;
	s28 =	sld [smem:$0x7E4]  }
0x26b: {  	s4 =	sld [smem:$0x7E5];
	[sflag:s20] =	ssyncadd.s32 $0xFFFFEC00;
	s0 =	sadd.s32 s29, s7  }
0x26c: {  	[hbm4b:s0+s9] =	stream.strided.scatter [tilespmem:s14], [sflag:$0x4], $0x400, s10, s9, $0x38;
	[tilespmem:$0x1E428] =	vst v63  }
0x26d: {  	s28 =	sadd.s32 s29, s28;
	s7 =	sld [smem:$0x7E6]  }
0x26e: {  	[hbm4b:s28+s9] =	stream.strided.scatter [tilespmem:s21], [sflag:$0x4], $0x400, s10, s9, $0x38;
	[tilespmem:$0x1E428] =	vst v63  }
0x26f: {  	s4 =	sadd.s32 s29, s4;
	s28 =	sld [smem:$0x7E7]  }
0x270: {  	[hbm4b:s4+s9] =	stream.strided.scatter [tilespmem:s22], [sflag:$0x4], $0x400, s10, s9, $0x38;
	[tilespmem:$0x1E428] =	vst v63  }
0x271: {  	s4 =	sadd.s32 s29, s7  }
0x272: {  	[hbm4b:s4+s9] =	stream.strided.scatter [tilespmem:s23], [sflag:$0x4], $0x400, s10, s9, $0x38;
	[tilespmem:$0x1E428] =	vst v63  }
0x273: {  	s7 =	sadd.s32 s29, s28  }
0x274: {  	[hbm4b:s7+s9] =	stream.strided.scatter [tilespmem:s24], [sflag:$0x4], $0x400, s10, s9, $0x38;
	[tilespmem:$0x1E428] =	vst v63  }
0x275: {  	_ =	swait.ge [sflag:s25], $0x400  }
0x276: {  	[sflag:s25] =	ssyncset.done $0x0  }
0x277: {  	[sflag:s25] =	ssyncadd.s32 $0xFFFFFC00  }
0x278: {  	_ =	swait.ge [sflag:s25], $0x400  }
0x279: {  	[sflag:s25] =	ssyncset.done $0x0  }
0x27a: {  	[sflag:s25] =	ssyncadd.s32 $0xFFFFFC00  }
0x27b: {  	_ =	swait.ge [sflag:s25], $0x400  }
0x27c: {  	[sflag:s25] =	ssyncset.done $0x0  }
0x27d: {  	[sflag:s25] =	ssyncadd.s32 $0xFFFFFC00  }
0x27e: {  	_ =	swait.ge [sflag:s25], $0x400  }
0x27f: {  	[sflag:s25] =	ssyncset.done $0x0  }
0x280: {  	[sflag:s25] =	ssyncadd.s32 $0xFFFFFC00  }
0x281: {  	_ =	swait.ge [sflag:s25], $0x400  }
0x282: {  	s28 =	sld [smem:$0x7FC]  }
0x283: {  	[sflag:s25] =	ssyncset.done $0x0  }
0x284: {  	[sflag:s25] =	ssyncadd.s32 $0xFFFFFC00  }
0x285: {  	[tilespmem:s14], [sflag:$0x2] =	stream.indirect.gather [spmem:s2], $0x1, s28, s12, $0xb8;
	[tilespmem:$0x1E428] =	vst v63  }
0x286: {  	_ =	swait.ge [sflag:s11], $0x1400  }
0x287: {  	s31 =	sld [smem:$0x7E8];
	_ =	sdelay $0x1  }
0x288: {  	[sflag:s11] =	ssyncset.done $0x0;
	s4 =	sld [smem:$0x7E9]  }
0x289: {  	s28 =	sld [smem:$0x7EA];
	[sflag:s11] =	ssyncadd.s32 $0xFFFFEC00;
	s0 =	sadd.s32 s29, s31  }
0x28a: {  	[hbm4b:s0+s9] =	stream.strided.scatter [tilespmem:s13], [sflag:$0x3], $0x400, s10, s9, $0x38;
	[tilespmem:$0x1E428] =	vst v63  }
0x28b: {  	s7 =	sld [smem:$0x7EB];
	s4 =	sadd.s32 s29, s4  }
0x28c: {  	[hbm4b:s4+s9] =	stream.strided.scatter [tilespmem:s15], [sflag:$0x3], $0x400, s10, s9, $0x38;
	[tilespmem:$0x1E428] =	vst v63  }
0x28d: {  	s28 =	sadd.s32 s29, s28;
	s4 =	sld [smem:$0x7EC]  }
0x28e: {  	[hbm4b:s28+s9] =	stream.strided.scatter [tilespmem:s16], [sflag:$0x3], $0x400, s10, s9, $0x38;
	[tilespmem:$0x1E428] =	vst v63  }
0x28f: {  	s7 =	sadd.s32 s29, s7  }
0x290: {  	[hbm4b:s7+s9] =	stream.strided.scatter [tilespmem:s17], [sflag:$0x3], $0x400, s10, s9, $0x38;
	[tilespmem:$0x1E428] =	vst v63  }
0x291: {  	s28 =	sadd.s32 s29, s4  }
0x292: {  	[hbm4b:s28+s9] =	stream.strided.scatter [tilespmem:s18], [sflag:$0x3], $0x400, s10, s9, $0x38;
	[tilespmem:$0x1E428] =	vst v63  }
0x293: {  	_ =	swait.ge [sflag:s20], $0x1400  }
0x294: {  	s31 =	sld [smem:$0x7ED];
	_ =	sdelay $0x1  }
0x295: {  	[sflag:s20] =	ssyncset.done $0x0;
	s4 =	sld [smem:$0x7EE]  }
0x296: {  	s28 =	sld [smem:$0x7EF];
	[sflag:s20] =	ssyncadd.s32 $0xFFFFEC00;
	s0 =	sadd.s32 s29, s31  }
0x297: {  	[hbm4b:s0+s9] =	stream.strided.scatter [tilespmem:s14], [sflag:$0x4], $0x400, s10, s9, $0x38;
	[tilespmem:$0x1E428] =	vst v63  }
0x298: {  	s7 =	sld [smem:$0x7F0];
	s4 =	sadd.s32 s29, s4  }
0x299: {  	[hbm4b:s4+s9] =	stream.strided.scatter [tilespmem:s21], [sflag:$0x4], $0x400, s10, s9, $0x38;
	[tilespmem:$0x1E428] =	vst v63  }
0x29a: {  	s28 =	sadd.s32 s29, s28;
	s4 =	sld [smem:$0x7F2]  }
0x29b: {  	[hbm4b:s28+s9] =	stream.strided.scatter [tilespmem:s22], [sflag:$0x4], $0x400, s10, s9, $0x38;
	[tilespmem:$0x1E428] =	vst v63  }
0x29c: {  	s28 =	sadd.s32 s29, s7  }
0x29d: {  	[hbm4b:s28+s9] =	stream.strided.scatter [tilespmem:s23], [sflag:$0x4], $0x400, s10, s9, $0x38;
	[tilespmem:$0x1E428] =	vst v63  }
0x29e: {  	s31 =	sadd.s32 s29, s4  }
0x29f: {  	[hbm4b:s31+s9] =	stream.strided.scatter [tilespmem:s24], [sflag:$0x4], $0x400, s10, s9, $0x38;
	[tilespmem:$0x1E428] =	vst v63  }
0x2a0: {  	_ =	swait.ge [sflag:s19], $0x400  }
0x2a1: {  	[sflag:s19] =	ssyncset.done $0x0  }
0x2a2: {  	[sflag:s19] =	ssyncadd.s32 $0xFFFFFC00  }
0x2a3: {  	_ =	swait.ge [sflag:s19], $0x400  }
0x2a4: {  	[sflag:s19] =	ssyncset.done $0x0  }
0x2a5: {  	[sflag:s19] =	ssyncadd.s32 $0xFFFFFC00  }
0x2a6: {  	_ =	swait.ge [sflag:s19], $0x400  }
0x2a7: {  	[sflag:s19] =	ssyncset.done $0x0  }
0x2a8: {  	[sflag:s19] =	ssyncadd.s32 $0xFFFFFC00  }
0x2a9: {  	_ =	swait.ge [sflag:s19], $0x400  }
0x2aa: {  	[sflag:s19] =	ssyncset.done $0x0  }
0x2ab: {  	[sflag:s19] =	ssyncadd.s32 $0xFFFFFC00  }
0x2ac: {  	_ =	swait.ge [sflag:s19], $0x400  }
0x2ad: {  	[sflag:s19] =	ssyncset.done $0x0  }
0x2ae: {  	[sflag:s19] =	ssyncadd.s32 $0xFFFFFC00  }
0x2af: {  	_ =	swait.ge [sflag:s25], $0x400  }
0x2b0: {  	[sflag:s25] =	ssyncset.done $0x0  }
0x2b1: {  	[sflag:s25] =	ssyncadd.s32 $0xFFFFFC00  }
0x2b2: {  	_ =	swait.ge [sflag:s25], $0x400  }
0x2b3: {  	[sflag:s25] =	ssyncset.done $0x0  }
0x2b4: {  	[sflag:s25] =	ssyncadd.s32 $0xFFFFFC00  }
0x2b5: {  	_ =	swait.ge [sflag:s25], $0x400  }
0x2b6: {  	s1 =	sadd.s32 $0x80, s1;
	[sflag:s25] =	ssyncset.done $0x0  }
0x2b7: {  	p1 =	sne.s32 s1, $0x800;
	[sflag:s25] =	ssyncadd.s32 $0xFFFFFC00  }
.Ltmp2:
0x2b8: {  	_ =	swait.ge [sflag:s25], $0x400;
	(pc) =	sbr.rel @p1 .LBB2_6-.Ltmp2, $4  }
0x2b9: {  	[sflag:s25] =	ssyncset.done $0x0  }
0x2ba: {  	[sflag:s25] =	ssyncadd.s32 $0xFFFFFC00  }
0x2bb: {  	s3 =	sadd.s32 $0x1, s3;
	_ =	swait.ge [sflag:s25], $0x400  }
0x2bc: {  	s6 =	sadd.s32 $0x800, s6;
	s8 =	sadd.s32 $0x10, s8;
	[sflag:s25] =	ssyncset.done $0x0  }
0x2bd: {  	s0 =	sshrl.u32 @!p0 s3, $0x3  }
0x2be: {  	[sflag:s25] =	ssyncadd.s32 $0xFFFFFC00;
	s0 =	smul.u32 @!p0 $0x7A1400, s0  }
0x2bf: {  	s1 =	sand.u32 @!p0 $0x380, s26;
	[bflag:$0x0] =	sbarrier.arrive $0xFFFF  }
0x2c0: {  	s7 =	simm.s32 @!p0 $0x10;
	s4 =	sld [smem:$0x7D9];
	s0 =	sor.u32 @!p0 s1, s0  }
0x2c1: {  	s26 =	simm.s32 @!p0 $0x80;
	s3 =	rddreg [dreg:$0x5];
	s0 =	sshrl.u32 @!p0 s0, $0x3  }
0x2c2: {  	s1 =	simm.s32 @!p0 $0x1C05;
	s0 =	sadd.s32 @!p0 s3, s0;
	s3 =	simm.s32 @!p0 $0x1  }
0x2c3: {  	[spmem:s4@s7], [sflag:s1] =	dma.strided @!p0 [hbm:s0@s26], $0x1E850, s3, $0x10   }
0x2c4: {  	s0 =	simm.s32 @!p0 $0x5  }
0x2c5: {  	_ =	swait.ge @!p0 [sflag:s0], $0x1E850  }
0x2c6: {  	[sflag:s0] =	ssyncset.done @!p0 $0x0  }
0x2c7: {  	[sflag:s0] =	ssyncadd.s32 @!p0 $0xFFFE17B0  }
0x2c8: {  	s7 =	simm.s32 $0x0;
	[bflag:$0x0] =	sbarrier.arrive $0xFFFF  }
0x2c9: {  	[tilespmem:s13], [sflag:$0x1] =	stream.indirect.gather [spmem:s2], $0x1, s7, s12, $0xb8;
	[tilespmem:$0x1E428] =	vst v63  }
0x2ca: {  	_ = 	snop  }
0x2cb: {  	[tilespmem:s14], [sflag:$0x2] =	stream.indirect.gather [spmem:s2], $0x1, s12, s12, $0xb8;
	[tilespmem:$0x1E428] =	vst v63  }
0x2cc: {  	_ =	swait.ge [sflag:s11], $0x1400  }
0x2cd: {  	s28 =	sand.u32 $0x70, s8;
	s26 =	sand.u32 $0xC000, s6;
	[sflag:s11] =	ssyncset.done $0x0  }
0x2ce: {  	s0 =	sor.u32 s28, s26;
	[sflag:s11] =	ssyncadd.s32 $0xFFFFEC00  }
0x2cf: {  	s0 =	sor.u32 s5, s0;
	s8 =	rddreg [dreg:$0x2]  }
0x2d0: {  	s29 =	rddreg [dreg:$0x6];
	s30 =	sadd.s32 s8, s0  }
0x2d1: {  	[hbm4b:s30+s9] =	stream.strided.scatter [tilespmem:s13], [sflag:$0x3], $0x400, s10, s9, $0x38;
	[tilespmem:$0x1E428] =	vst v63  }
0x2d2: {  	s31 =	rddreg [dreg:$0x7];
	s1 =	sadd.s32 s0, s29  }
0x2d3: {  	[hbm4b:s1+s9] =	stream.strided.scatter [tilespmem:s15], [sflag:$0x3], $0x400, s10, s9, $0x38;
	[tilespmem:$0x1E428] =	vst v63  }
0x2d4: {  	s4 =	rddreg [dreg:$0x8];
	s3 =	sadd.s32 s0, s31  }
0x2d5: {  	[hbm4b:s3+s9] =	stream.strided.scatter [tilespmem:s16], [sflag:$0x3], $0x400, s10, s9, $0x38;
	[tilespmem:$0x1E428] =	vst v63  }
0x2d6: {  	s6 =	rddreg [dreg:$0x9];
	s1 =	sadd.s32 s0, s4  }
0x2d7: {  	[hbm4b:s1+s9] =	stream.strided.scatter [tilespmem:s17], [sflag:$0x3], $0x400, s10, s9, $0x38;
	[tilespmem:$0x1E428] =	vst v63  }
0x2d8: {  	s7 =	sadd.s32 s0, s6  }
0x2d9: {  	[hbm4b:s7+s9] =	stream.strided.scatter [tilespmem:s18], [sflag:$0x3], $0x400, s10, s9, $0x38;
	[tilespmem:$0x1E428] =	vst v63  }
0x2da: {  	_ =	swait.ge [sflag:s19], $0x400  }
0x2db: {  	[sflag:s19] =	ssyncset.done $0x0  }
0x2dc: {  	[sflag:s19] =	ssyncadd.s32 $0xFFFFFC00  }
0x2dd: {  	_ =	swait.ge [sflag:s19], $0x400  }
0x2de: {  	[sflag:s19] =	ssyncset.done $0x0  }
0x2df: {  	[sflag:s19] =	ssyncadd.s32 $0xFFFFFC00  }
0x2e0: {  	_ =	swait.ge [sflag:s19], $0x400  }
0x2e1: {  	[sflag:s19] =	ssyncset.done $0x0  }
0x2e2: {  	[sflag:s19] =	ssyncadd.s32 $0xFFFFFC00  }
0x2e3: {  	_ =	swait.ge [sflag:s19], $0x400  }
0x2e4: {  	[sflag:s19] =	ssyncset.done $0x0  }
0x2e5: {  	[sflag:s19] =	ssyncadd.s32 $0xFFFFFC00  }
0x2e6: {  	_ =	swait.ge [sflag:s19], $0x400  }
0x2e7: {  	s26 =	sld [smem:$0x7F5]  }
0x2e8: {  	[sflag:s19] =	ssyncset.done $0x0  }
0x2e9: {  	[sflag:s19] =	ssyncadd.s32 $0xFFFFFC00  }
0x2ea: {  	[tilespmem:s13], [sflag:$0x1] =	stream.indirect.gather [spmem:s2], $0x1, s26, s12, $0xb8;
	[tilespmem:$0x1E428] =	vst v63  }
0x2eb: {  	_ =	swait.ge [sflag:s20], $0x1400  }
0x2ec: {  	s28 =	rddreg [dreg:$0xa];
	[sflag:s20] =	ssyncset.done $0x0  }
0x2ed: {  	s29 =	rddreg [dreg:$0xb];
	[sflag:s20] =	ssyncadd.s32 $0xFFFFEC00;
	s1 =	sadd.s32 s0, s28  }
0x2ee: {  	[hbm4b:s1+s9] =	stream.strided.scatter [tilespmem:s14], [sflag:$0x4], $0x400, s10, s9, $0x38;
	[tilespmem:$0x1E428] =	vst v63  }
0x2ef: {  	s30 =	rddreg [dreg:$0xc];
	s3 =	sadd.s32 s0, s29  }
0x2f0: {  	[hbm4b:s3+s9] =	stream.strided.scatter [tilespmem:s21], [sflag:$0x4], $0x400, s10, s9, $0x38;
	[tilespmem:$0x1E428] =	vst v63  }
0x2f1: {  	s31 =	rddreg [dreg:$0xd];
	s1 =	sadd.s32 s0, s30  }
0x2f2: {  	[hbm4b:s1+s9] =	stream.strided.scatter [tilespmem:s22], [sflag:$0x4], $0x400, s10, s9, $0x38;
	[tilespmem:$0x1E428] =	vst v63  }
0x2f3: {  	s4 =	rddreg [dreg:$0xe];
	s3 =	sadd.s32 s0, s31  }
0x2f4: {  	[hbm4b:s3+s9] =	stream.strided.scatter [tilespmem:s23], [sflag:$0x4], $0x400, s10, s9, $0x38;
	[tilespmem:$0x1E428] =	vst v63  }
0x2f5: {  	s1 =	sadd.s32 s0, s4  }
0x2f6: {  	[hbm4b:s1+s9] =	stream.strided.scatter [tilespmem:s24], [sflag:$0x4], $0x400, s10, s9, $0x38;
	[tilespmem:$0x1E428] =	vst v63  }
0x2f7: {  	_ =	swait.ge [sflag:s25], $0x400  }
0x2f8: {  	[sflag:s25] =	ssyncset.done $0x0  }
0x2f9: {  	[sflag:s25] =	ssyncadd.s32 $0xFFFFFC00  }
0x2fa: {  	_ =	swait.ge [sflag:s25], $0x400  }
0x2fb: {  	[sflag:s25] =	ssyncset.done $0x0  }
0x2fc: {  	[sflag:s25] =	ssyncadd.s32 $0xFFFFFC00  }
0x2fd: {  	_ =	swait.ge [sflag:s25], $0x400  }
0x2fe: {  	[sflag:s25] =	ssyncset.done $0x0  }
0x2ff: {  	[sflag:s25] =	ssyncadd.s32 $0xFFFFFC00  }
0x300: {  	_ =	swait.ge [sflag:s25], $0x400  }
0x301: {  	[sflag:s25] =	ssyncset.done $0x0  }
0x302: {  	[sflag:s25] =	ssyncadd.s32 $0xFFFFFC00  }
0x303: {  	_ =	swait.ge [sflag:s25], $0x400  }
0x304: {  	s6 =	sld [smem:$0x7F6]  }
0x305: {  	[sflag:s25] =	ssyncset.done $0x0  }
0x306: {  	[sflag:s25] =	ssyncadd.s32 $0xFFFFFC00  }
0x307: {  	[tilespmem:s14], [sflag:$0x2] =	stream.indirect.gather [spmem:s2], $0x1, s6, s12, $0xb8;
	[tilespmem:$0x1E428] =	vst v63  }
0x308: {  	_ =	swait.ge [sflag:s11], $0x1400  }
0x309: {  	s7 =	rddreg [dreg:$0xf];
	[sflag:s11] =	ssyncset.done $0x0  }
0x30a: {  	s26 =	rddreg [dreg:$0x10];
	[sflag:s11] =	ssyncadd.s32 $0xFFFFEC00;
	s1 =	sadd.s32 s0, s7  }
0x30b: {  	[hbm4b:s1+s9] =	stream.strided.scatter [tilespmem:s13], [sflag:$0x3], $0x400, s10, s9, $0x38;
	[tilespmem:$0x1E428] =	vst v63  }
0x30c: {  	s28 =	rddreg [dreg:$0x11];
	s3 =	sadd.s32 s0, s26  }
0x30d: {  	[hbm4b:s3+s9] =	stream.strided.scatter [tilespmem:s15], [sflag:$0x3], $0x400, s10, s9, $0x38;
	[tilespmem:$0x1E428] =	vst v63  }
0x30e: {  	s29 =	rddreg [dreg:$0x12];
	s1 =	sadd.s32 s0, s28  }
0x30f: {  	[hbm4b:s1+s9] =	stream.strided.scatter [tilespmem:s16], [sflag:$0x3], $0x400, s10, s9, $0x38;
	[tilespmem:$0x1E428] =	vst v63  }
0x310: {  	s30 =	rddreg [dreg:$0x13];
	s3 =	sadd.s32 s0, s29  }
0x311: {  	[hbm4b:s3+s9] =	stream.strided.scatter [tilespmem:s17], [sflag:$0x3], $0x400, s10, s9, $0x38;
	[tilespmem:$0x1E428] =	vst v63  }
0x312: {  	s1 =	sadd.s32 s0, s30  }
0x313: {  	[hbm4b:s1+s9] =	stream.strided.scatter [tilespmem:s18], [sflag:$0x3], $0x400, s10, s9, $0x38;
	[tilespmem:$0x1E428] =	vst v63  }
0x314: {  	_ =	swait.ge [sflag:s19], $0x400  }
0x315: {  	[sflag:s19] =	ssyncset.done $0x0  }
0x316: {  	[sflag:s19] =	ssyncadd.s32 $0xFFFFFC00  }
0x317: {  	_ =	swait.ge [sflag:s19], $0x400  }
0x318: {  	[sflag:s19] =	ssyncset.done $0x0  }
0x319: {  	[sflag:s19] =	ssyncadd.s32 $0xFFFFFC00  }
0x31a: {  	_ =	swait.ge [sflag:s19], $0x400  }
0x31b: {  	[sflag:s19] =	ssyncset.done $0x0  }
0x31c: {  	[sflag:s19] =	ssyncadd.s32 $0xFFFFFC00  }
0x31d: {  	_ =	swait.ge [sflag:s19], $0x400  }
0x31e: {  	[sflag:s19] =	ssyncset.done $0x0  }
0x31f: {  	[sflag:s19] =	ssyncadd.s32 $0xFFFFFC00  }
0x320: {  	_ =	swait.ge [sflag:s19], $0x400  }
0x321: {  	s31 =	sld [smem:$0x7F7]  }
0x322: {  	[sflag:s19] =	ssyncset.done $0x0  }
0x323: {  	[sflag:s19] =	ssyncadd.s32 $0xFFFFFC00  }
0x324: {  	[tilespmem:s13], [sflag:$0x1] =	stream.indirect.gather [spmem:s2], $0x1, s31, s12, $0xb8;
	[tilespmem:$0x1E428] =	vst v63  }
0x325: {  	_ =	swait.ge [sflag:s20], $0x1400  }
0x326: {  	s3 =	rddreg [dreg:$0x14];
	[sflag:s20] =	ssyncset.done $0x0  }
0x327: {  	s4 =	rddreg [dreg:$0x15];
	[sflag:s20] =	ssyncadd.s32 $0xFFFFEC00;
	s1 =	sadd.s32 s0, s3  }
0x328: {  	[hbm4b:s1+s9] =	stream.strided.scatter [tilespmem:s14], [sflag:$0x4], $0x400, s10, s9, $0x38;
	[tilespmem:$0x1E428] =	vst v63  }
0x329: {  	s6 =	rddreg [dreg:$0x16];
	s3 =	sadd.s32 s0, s4  }
0x32a: {  	[hbm4b:s3+s9] =	stream.strided.scatter [tilespmem:s21], [sflag:$0x4], $0x400, s10, s9, $0x38;
	[tilespmem:$0x1E428] =	vst v63  }
0x32b: {  	s7 =	rddreg [dreg:$0x17];
	s1 =	sadd.s32 s0, s6  }
0x32c: {  	[hbm4b:s1+s9] =	stream.strided.scatter [tilespmem:s22], [sflag:$0x4], $0x400, s10, s9, $0x38;
	[tilespmem:$0x1E428] =	vst v63  }
0x32d: {  	s26 =	rddreg [dreg:$0x18];
	s3 =	sadd.s32 s0, s7  }
0x32e: {  	[hbm4b:s3+s9] =	stream.strided.scatter [tilespmem:s23], [sflag:$0x4], $0x400, s10, s9, $0x38;
	[tilespmem:$0x1E428] =	vst v63  }
0x32f: {  	s1 =	sadd.s32 s0, s26  }
0x330: {  	[hbm4b:s1+s9] =	stream.strided.scatter [tilespmem:s24], [sflag:$0x4], $0x400, s10, s9, $0x38;
	[tilespmem:$0x1E428] =	vst v63  }
0x331: {  	_ =	swait.ge [sflag:s25], $0x400  }
0x332: {  	[sflag:s25] =	ssyncset.done $0x0  }
0x333: {  	[sflag:s25] =	ssyncadd.s32 $0xFFFFFC00  }
0x334: {  	_ =	swait.ge [sflag:s25], $0x400  }
0x335: {  	[sflag:s25] =	ssyncset.done $0x0  }
0x336: {  	[sflag:s25] =	ssyncadd.s32 $0xFFFFFC00  }
0x337: {  	_ =	swait.ge [sflag:s25], $0x400  }
0x338: {  	[sflag:s25] =	ssyncset.done $0x0  }
0x339: {  	[sflag:s25] =	ssyncadd.s32 $0xFFFFFC00  }
0x33a: {  	_ =	swait.ge [sflag:s25], $0x400  }
0x33b: {  	[sflag:s25] =	ssyncset.done $0x0  }
0x33c: {  	[sflag:s25] =	ssyncadd.s32 $0xFFFFFC00  }
0x33d: {  	_ =	swait.ge [sflag:s25], $0x400  }
0x33e: {  	s28 =	sld [smem:$0x7F8]  }
0x33f: {  	[sflag:s25] =	ssyncset.done $0x0  }
0x340: {  	[sflag:s25] =	ssyncadd.s32 $0xFFFFFC00  }
0x341: {  	[tilespmem:s14], [sflag:$0x2] =	stream.indirect.gather [spmem:s2], $0x1, s28, s12, $0xb8;
	[tilespmem:$0x1E428] =	vst v63  }
0x342: {  	_ =	swait.ge [sflag:s11], $0x1400  }
0x343: {  	s29 =	rddreg [dreg:$0x19];
	[sflag:s11] =	ssyncset.done $0x0  }
0x344: {  	s30 =	rddreg [dreg:$0x1a];
	[sflag:s11] =	ssyncadd.s32 $0xFFFFEC00;
	s1 =	sadd.s32 s0, s29  }
0x345: {  	[hbm4b:s1+s9] =	stream.strided.scatter [tilespmem:s13], [sflag:$0x3], $0x400, s10, s9, $0x38;
	[tilespmem:$0x1E428] =	vst v63  }
0x346: {  	s31 =	rddreg [dreg:$0x1b];
	s3 =	sadd.s32 s0, s30  }
0x347: {  	[hbm4b:s3+s9] =	stream.strided.scatter [tilespmem:s15], [sflag:$0x3], $0x400, s10, s9, $0x38;
	[tilespmem:$0x1E428] =	vst v63  }
0x348: {  	s4 =	rddreg [dreg:$0x1c];
	s1 =	sadd.s32 s0, s31  }
0x349: {  	[hbm4b:s1+s9] =	stream.strided.scatter [tilespmem:s16], [sflag:$0x3], $0x400, s10, s9, $0x38;
	[tilespmem:$0x1E428] =	vst v63  }
0x34a: {  	s6 =	rddreg [dreg:$0x1d];
	s3 =	sadd.s32 s0, s4  }
0x34b: {  	[hbm4b:s3+s9] =	stream.strided.scatter [tilespmem:s17], [sflag:$0x3], $0x400, s10, s9, $0x38;
	[tilespmem:$0x1E428] =	vst v63  }
0x34c: {  	s1 =	sadd.s32 s0, s6  }
0x34d: {  	[hbm4b:s1+s9] =	stream.strided.scatter [tilespmem:s18], [sflag:$0x3], $0x400, s10, s9, $0x38;
	[tilespmem:$0x1E428] =	vst v63  }
0x34e: {  	_ =	swait.ge [sflag:s19], $0x400  }
0x34f: {  	[sflag:s19] =	ssyncset.done $0x0  }
0x350: {  	[sflag:s19] =	ssyncadd.s32 $0xFFFFFC00  }
0x351: {  	_ =	swait.ge [sflag:s19], $0x400  }
0x352: {  	[sflag:s19] =	ssyncset.done $0x0  }
0x353: {  	[sflag:s19] =	ssyncadd.s32 $0xFFFFFC00  }
0x354: {  	_ =	swait.ge [sflag:s19], $0x400  }
0x355: {  	[sflag:s19] =	ssyncset.done $0x0  }
0x356: {  	[sflag:s19] =	ssyncadd.s32 $0xFFFFFC00  }
0x357: {  	_ =	swait.ge [sflag:s19], $0x400  }
0x358: {  	[sflag:s19] =	ssyncset.done $0x0  }
0x359: {  	[sflag:s19] =	ssyncadd.s32 $0xFFFFFC00  }
0x35a: {  	_ =	swait.ge [sflag:s19], $0x400  }
0x35b: {  	s7 =	sld [smem:$0x7F9]  }
0x35c: {  	[sflag:s19] =	ssyncset.done $0x0  }
0x35d: {  	[sflag:s19] =	ssyncadd.s32 $0xFFFFFC00  }
0x35e: {  	[tilespmem:s13], [sflag:$0x1] =	stream.indirect.gather [spmem:s2], $0x1, s7, s12, $0xb8;
	[tilespmem:$0x1E428] =	vst v63  }
0x35f: {  	_ =	swait.ge [sflag:s20], $0x1400  }
0x360: {  	s26 =	rddreg [dreg:$0x1e]  }
0x361: {  	[sflag:s20] =	ssyncset.done $0x0;
	s28 =	rddreg [dreg:$0x1f]  }
0x362: {  	s29 =	sld [smem:$0x7DB];
	[sflag:s20] =	ssyncadd.s32 $0xFFFFEC00;
	s1 =	sadd.s32 s0, s26  }
0x363: {  	[hbm4b:s1+s9] =	stream.strided.scatter [tilespmem:s14], [sflag:$0x4], $0x400, s10, s9, $0x38;
	[tilespmem:$0x1E428] =	vst v63  }
0x364: {  	s30 =	sld [smem:$0x7DC];
	s3 =	sadd.s32 s0, s28  }
0x365: {  	[hbm4b:s3+s9] =	stream.strided.scatter [tilespmem:s21], [sflag:$0x4], $0x400, s10, s9, $0x38;
	[tilespmem:$0x1E428] =	vst v63  }
0x366: {  	s31 =	sld [smem:$0x7DD];
	s1 =	sadd.s32 s0, s29  }
0x367: {  	[hbm4b:s1+s9] =	stream.strided.scatter [tilespmem:s22], [sflag:$0x4], $0x400, s10, s9, $0x38;
	[tilespmem:$0x1E428] =	vst v63  }
0x368: {  	s3 =	sadd.s32 s0, s30  }
0x369: {  	[hbm4b:s3+s9] =	stream.strided.scatter [tilespmem:s23], [sflag:$0x4], $0x400, s10, s9, $0x38;
	[tilespmem:$0x1E428] =	vst v63  }
0x36a: {  	s1 =	sadd.s32 s0, s31  }
0x36b: {  	[hbm4b:s1+s9] =	stream.strided.scatter [tilespmem:s24], [sflag:$0x4], $0x400, s10, s9, $0x38;
	[tilespmem:$0x1E428] =	vst v63  }
0x36c: {  	_ =	swait.ge [sflag:s25], $0x400  }
0x36d: {  	[sflag:s25] =	ssyncset.done $0x0  }
0x36e: {  	[sflag:s25] =	ssyncadd.s32 $0xFFFFFC00  }
0x36f: {  	_ =	swait.ge [sflag:s25], $0x400  }
0x370: {  	[sflag:s25] =	ssyncset.done $0x0  }
0x371: {  	[sflag:s25] =	ssyncadd.s32 $0xFFFFFC00  }
0x372: {  	_ =	swait.ge [sflag:s25], $0x400  }
0x373: {  	[sflag:s25] =	ssyncset.done $0x0  }
0x374: {  	[sflag:s25] =	ssyncadd.s32 $0xFFFFFC00  }
0x375: {  	_ =	swait.ge [sflag:s25], $0x400  }
0x376: {  	[sflag:s25] =	ssyncset.done $0x0  }
0x377: {  	[sflag:s25] =	ssyncadd.s32 $0xFFFFFC00  }
0x378: {  	_ =	swait.ge [sflag:s25], $0x400  }
0x379: {  	s3 =	sld [smem:$0x7FA]  }
0x37a: {  	[sflag:s25] =	ssyncset.done $0x0  }
0x37b: {  	[sflag:s25] =	ssyncadd.s32 $0xFFFFFC00  }
0x37c: {  	[tilespmem:s14], [sflag:$0x2] =	stream.indirect.gather [spmem:s2], $0x1, s3, s12, $0xb8;
	[tilespmem:$0x1E428] =	vst v63  }
0x37d: {  	_ =	swait.ge [sflag:s11], $0x1400  }
0x37e: {  	s4 =	sld [smem:$0x7DE];
	_ =	sdelay $0x1  }
0x37f: {  	[sflag:s11] =	ssyncset.done $0x0;
	s6 =	sld [smem:$0x7DF]  }
0x380: {  	s7 =	sld [smem:$0x7E0];
	[sflag:s11] =	ssyncadd.s32 $0xFFFFEC00;
	s1 =	sadd.s32 s0, s4  }
0x381: {  	[hbm4b:s1+s9] =	stream.strided.scatter [tilespmem:s13], [sflag:$0x3], $0x400, s10, s9, $0x38;
	[tilespmem:$0x1E428] =	vst v63  }
0x382: {  	s26 =	sld [smem:$0x7E1];
	s3 =	sadd.s32 s0, s6  }
0x383: {  	[hbm4b:s3+s9] =	stream.strided.scatter [tilespmem:s15], [sflag:$0x3], $0x400, s10, s9, $0x38;
	[tilespmem:$0x1E428] =	vst v63  }
0x384: {  	s28 =	sld [smem:$0x7E2];
	s1 =	sadd.s32 s0, s7  }
0x385: {  	[hbm4b:s1+s9] =	stream.strided.scatter [tilespmem:s16], [sflag:$0x3], $0x400, s10, s9, $0x38;
	[tilespmem:$0x1E428] =	vst v63  }
0x386: {  	s3 =	sadd.s32 s0, s26  }
0x387: {  	[hbm4b:s3+s9] =	stream.strided.scatter [tilespmem:s17], [sflag:$0x3], $0x400, s10, s9, $0x38;
	[tilespmem:$0x1E428] =	vst v63  }
0x388: {  	s1 =	sadd.s32 s0, s28  }
0x389: {  	[hbm4b:s1+s9] =	stream.strided.scatter [tilespmem:s18], [sflag:$0x3], $0x400, s10, s9, $0x38;
	[tilespmem:$0x1E428] =	vst v63  }
0x38a: {  	_ =	swait.ge [sflag:s19], $0x400  }
0x38b: {  	[sflag:s19] =	ssyncset.done $0x0  }
0x38c: {  	[sflag:s19] =	ssyncadd.s32 $0xFFFFFC00  }
0x38d: {  	_ =	swait.ge [sflag:s19], $0x400  }
0x38e: {  	[sflag:s19] =	ssyncset.done $0x0  }
0x38f: {  	[sflag:s19] =	ssyncadd.s32 $0xFFFFFC00  }
0x390: {  	_ =	swait.ge [sflag:s19], $0x400  }
0x391: {  	[sflag:s19] =	ssyncset.done $0x0  }
0x392: {  	[sflag:s19] =	ssyncadd.s32 $0xFFFFFC00  }
0x393: {  	_ =	swait.ge [sflag:s19], $0x400  }
0x394: {  	[sflag:s19] =	ssyncset.done $0x0  }
0x395: {  	[sflag:s19] =	ssyncadd.s32 $0xFFFFFC00  }
0x396: {  	_ =	swait.ge [sflag:s19], $0x400  }
0x397: {  	s29 =	sld [smem:$0x7FB]  }
0x398: {  	[sflag:s19] =	ssyncset.done $0x0  }
0x399: {  	[sflag:s19] =	ssyncadd.s32 $0xFFFFFC00  }
0x39a: {  	[tilespmem:s13], [sflag:$0x1] =	stream.indirect.gather [spmem:s2], $0x1, s29, s12, $0xb8;
	[tilespmem:$0x1E428] =	vst v63  }
0x39b: {  	_ =	swait.ge [sflag:s20], $0x1400  }
0x39c: {  	s30 =	sld [smem:$0x7E3];
	_ =	sdelay $0x1  }
0x39d: {  	[sflag:s20] =	ssyncset.done $0x0;
	s31 =	sld [smem:$0x7E4]  }
0x39e: {  	s4 =	sld [smem:$0x7E5];
	[sflag:s20] =	ssyncadd.s32 $0xFFFFEC00;
	s1 =	sadd.s32 s0, s30  }
0x39f: {  	[hbm4b:s1+s9] =	stream.strided.scatter [tilespmem:s14], [sflag:$0x4], $0x400, s10, s9, $0x38;
	[tilespmem:$0x1E428] =	vst v63  }
0x3a0: {  	s6 =	sld [smem:$0x7E6];
	s3 =	sadd.s32 s0, s31  }
0x3a1: {  	[hbm4b:s3+s9] =	stream.strided.scatter [tilespmem:s21], [sflag:$0x4], $0x400, s10, s9, $0x38;
	[tilespmem:$0x1E428] =	vst v63  }
0x3a2: {  	s7 =	sld [smem:$0x7E7];
	s1 =	sadd.s32 s0, s4  }
0x3a3: {  	[hbm4b:s1+s9] =	stream.strided.scatter [tilespmem:s22], [sflag:$0x4], $0x400, s10, s9, $0x38;
	[tilespmem:$0x1E428] =	vst v63  }
0x3a4: {  	s3 =	sadd.s32 s0, s6  }
0x3a5: {  	[hbm4b:s3+s9] =	stream.strided.scatter [tilespmem:s23], [sflag:$0x4], $0x400, s10, s9, $0x38;
	[tilespmem:$0x1E428] =	vst v63  }
0x3a6: {  	s1 =	sadd.s32 s0, s7  }
0x3a7: {  	[hbm4b:s1+s9] =	stream.strided.scatter [tilespmem:s24], [sflag:$0x4], $0x400, s10, s9, $0x38;
	[tilespmem:$0x1E428] =	vst v63  }
0x3a8: {  	_ =	swait.ge [sflag:s25], $0x400  }
0x3a9: {  	[sflag:s25] =	ssyncset.done $0x0  }
0x3aa: {  	[sflag:s25] =	ssyncadd.s32 $0xFFFFFC00  }
0x3ab: {  	_ =	swait.ge [sflag:s25], $0x400  }
0x3ac: {  	[sflag:s25] =	ssyncset.done $0x0  }
0x3ad: {  	[sflag:s25] =	ssyncadd.s32 $0xFFFFFC00  }
0x3ae: {  	_ =	swait.ge [sflag:s25], $0x400  }
0x3af: {  	[sflag:s25] =	ssyncset.done $0x0  }
0x3b0: {  	[sflag:s25] =	ssyncadd.s32 $0xFFFFFC00  }
0x3b1: {  	_ =	swait.ge [sflag:s25], $0x400  }
0x3b2: {  	[sflag:s25] =	ssyncset.done $0x0  }
0x3b3: {  	[sflag:s25] =	ssyncadd.s32 $0xFFFFFC00  }
0x3b4: {  	_ =	swait.ge [sflag:s25], $0x400  }
0x3b5: {  	s26 =	sld [smem:$0x7FC]  }
0x3b6: {  	[sflag:s25] =	ssyncset.done $0x0  }
0x3b7: {  	[sflag:s25] =	ssyncadd.s32 $0xFFFFFC00  }
0x3b8: {  	[tilespmem:s14], [sflag:$0x2] =	stream.indirect.gather [spmem:s2], $0x1, s26, s12, $0xb8;
	[tilespmem:$0x1E428] =	vst v63  }
0x3b9: {  	_ =	swait.ge [sflag:s11], $0x1400  }
0x3ba: {  	s28 =	sld [smem:$0x7E8];
	_ =	sdelay $0x1  }
0x3bb: {  	[sflag:s11] =	ssyncset.done $0x0;
	s29 =	sld [smem:$0x7E9]  }
0x3bc: {  	s30 =	sld [smem:$0x7EA];
	[sflag:s11] =	ssyncadd.s32 $0xFFFFEC00;
	s1 =	sadd.s32 s0, s28  }
0x3bd: {  	[hbm4b:s1+s9] =	stream.strided.scatter [tilespmem:s13], [sflag:$0x3], $0x400, s10, s9, $0x38;
	[tilespmem:$0x1E428] =	vst v63  }
0x3be: {  	s31 =	sld [smem:$0x7EB];
	s3 =	sadd.s32 s0, s29  }
0x3bf: {  	[hbm4b:s3+s9] =	stream.strided.scatter [tilespmem:s15], [sflag:$0x3], $0x400, s10, s9, $0x38;
	[tilespmem:$0x1E428] =	vst v63  }
0x3c0: {  	s4 =	sld [smem:$0x7EC];
	s1 =	sadd.s32 s0, s30  }
0x3c1: {  	[hbm4b:s1+s9] =	stream.strided.scatter [tilespmem:s16], [sflag:$0x3], $0x400, s10, s9, $0x38;
	[tilespmem:$0x1E428] =	vst v63  }
0x3c2: {  	s3 =	sadd.s32 s0, s31  }
0x3c3: {  	[hbm4b:s3+s9] =	stream.strided.scatter [tilespmem:s17], [sflag:$0x3], $0x400, s10, s9, $0x38;
	[tilespmem:$0x1E428] =	vst v63  }
0x3c4: {  	s1 =	sadd.s32 s0, s4  }
0x3c5: {  	[hbm4b:s1+s9] =	stream.strided.scatter [tilespmem:s18], [sflag:$0x3], $0x400, s10, s9, $0x38;
	[tilespmem:$0x1E428] =	vst v63  }
0x3c6: {  	_ =	swait.ge [sflag:s20], $0x1400  }
0x3c7: {  	s6 =	sld [smem:$0x7ED];
	_ =	sdelay $0x1  }
0x3c8: {  	[sflag:s20] =	ssyncset.done $0x0;
	s7 =	sld [smem:$0x7EE]  }
0x3c9: {  	s26 =	sld [smem:$0x7EF];
	[sflag:s20] =	ssyncadd.s32 $0xFFFFEC00;
	s1 =	sadd.s32 s0, s6  }
0x3ca: {  	[hbm4b:s1+s9] =	stream.strided.scatter [tilespmem:s14], [sflag:$0x4], $0x400, s10, s9, $0x38;
	[tilespmem:$0x1E428] =	vst v63  }
0x3cb: {  	s28 =	sld [smem:$0x7F0];
	s3 =	sadd.s32 s0, s7  }
0x3cc: {  	[hbm4b:s3+s9] =	stream.strided.scatter [tilespmem:s21], [sflag:$0x4], $0x400, s10, s9, $0x38;
	[tilespmem:$0x1E428] =	vst v63  }
0x3cd: {  	s29 =	sld [smem:$0x7F2];
	s1 =	sadd.s32 s0, s26  }
0x3ce: {  	[hbm4b:s1+s9] =	stream.strided.scatter [tilespmem:s22], [sflag:$0x4], $0x400, s10, s9, $0x38;
	[tilespmem:$0x1E428] =	vst v63  }
0x3cf: {  	s3 =	sadd.s32 s0, s28  }
0x3d0: {  	[hbm4b:s3+s9] =	stream.strided.scatter [tilespmem:s23], [sflag:$0x4], $0x400, s10, s9, $0x38;
	[tilespmem:$0x1E428] =	vst v63  }
0x3d1: {  	s0 =	sadd.s32 s0, s29  }
0x3d2: {  	[hbm4b:s0+s9] =	stream.strided.scatter [tilespmem:s24], [sflag:$0x4], $0x400, s10, s9, $0x38;
	[tilespmem:$0x1E428] =	vst v63  }
0x3d3: {  	_ =	swait.ge [sflag:s19], $0x400  }
0x3d4: {  	[sflag:s19] =	ssyncset.done $0x0  }
0x3d5: {  	[sflag:s19] =	ssyncadd.s32 $0xFFFFFC00  }
0x3d6: {  	_ =	swait.ge [sflag:s19], $0x400  }
0x3d7: {  	[sflag:s19] =	ssyncset.done $0x0  }
0x3d8: {  	[sflag:s19] =	ssyncadd.s32 $0xFFFFFC00  }
0x3d9: {  	_ =	swait.ge [sflag:s19], $0x400  }
0x3da: {  	[sflag:s19] =	ssyncset.done $0x0  }
0x3db: {  	[sflag:s19] =	ssyncadd.s32 $0xFFFFFC00  }
0x3dc: {  	_ =	swait.ge [sflag:s19], $0x400  }
0x3dd: {  	[sflag:s19] =	ssyncset.done $0x0  }
0x3de: {  	[sflag:s19] =	ssyncadd.s32 $0xFFFFFC00  }
0x3df: {  	_ =	swait.ge [sflag:s19], $0x400  }
0x3e0: {  	[sflag:s19] =	ssyncset.done $0x0  }
0x3e1: {  	[sflag:s19] =	ssyncadd.s32 $0xFFFFFC00  }
0x3e2: {  	_ =	swait.ge [sflag:s25], $0x400  }
0x3e3: {  	[sflag:s25] =	ssyncset.done $0x0  }
0x3e4: {  	[sflag:s25] =	ssyncadd.s32 $0xFFFFFC00  }
0x3e5: {  	_ =	swait.ge [sflag:s25], $0x400  }
0x3e6: {  	[sflag:s25] =	ssyncset.done $0x0  }
0x3e7: {  	[sflag:s25] =	ssyncadd.s32 $0xFFFFFC00  }
0x3e8: {  	_ =	swait.ge [sflag:s25], $0x400  }
0x3e9: {  	[sflag:s25] =	ssyncset.done $0x0  }
0x3ea: {  	[sflag:s25] =	ssyncadd.s32 $0xFFFFFC00  }
0x3eb: {  	_ =	swait.ge [sflag:s25], $0x400  }
0x3ec: {  	[sflag:s25] =	ssyncset.done $0x0  }
0x3ed: {  	[sflag:s25] =	ssyncadd.s32 $0xFFFFFC00  }
0x3ee: {  	_ =	swait.ge [sflag:s25], $0x400  }
0x3ef: {  	s30 =	sld [smem:$0x7DA]  }
0x3f0: {  	s31 =	sld [smem:$0x7F3];
	_ =	sdelay $0x1  }
0x3f1: {  	s1 =	sadd.s32 $0x1, s30  }
0x3f2: {  	p1 =	sne.s32 s1, s31  }
.Ltmp3:
0x3f3: {  	_ = 	snop;
	(pc) =	sbr.rel @p1 .LBB2_1-.Ltmp3, $3  }
0x3f4: {  	_ =	sdelay $0x1  }
0x3f5: {  	[sflag:s25] =	ssyncset.done $0x0;
	s4 =	sld [smem:$0x7FD]  }
0x3f6: {  	s26 =	simm.s32 $0x0;
	[sflag:s25] =	ssyncadd.s32 $0xFFFFFC00  }
0x3f7: {  	_ =	sfence.sel $0x180000  }
0x3f8: {  	[bflag:$0x0] =	sbarrier.arrive $0xFFFF  }
0x3f9: {  	_ =	strace $0x90000047  }
0x3fa: {  	[bflag:$0x2] =	sbarrier.arrive $0xFFFF  }
0x3fb: {  	s0 =	rddreg [dreg:$0x4]  }
0x3fc: {  	s0 =	sadd.s32 @!p0 $0x100000, s0  }
0x3fd: {  	[sflag:s0] =	ssyncadd.tile.s32 @!p0 $0x1;
	_ =	shalt  }
.Lfunc_end2:
_tile_overlayer_lowered:
.L_overlay_start_2:
0x3fe: {  	(tag) =	ssettag $0x2  }
0x3ff: {  	s0 =	rddreg [dreg:$0x0];
	s2 =	stileid.u32  }
0x400: {  	s1 =	rddreg [dreg:$0x1];
	p0 =	sne.s32 s2, $0x0  }
0x401: {  	s3 =	rddreg [dreg:$0x2];
	[bflag:$0x3] =	sbarrier.arrive $0xFFFF;
	s2 =	simm.s32 @!p0 $0x1C05  }
0x402: {  	[timem:s3], [sflag:s2] =	dma.local @!p0 [hbm:s0], s1  }
0x403: {  	s0 =	simm.s32 @!p0 $0x5  }
0x404: {  	_ =	swait.ge @!p0 [sflag:s0], s1  }
0x405: {  	s1 =	ssub.s32 @!p0 $0x0, s1;
	[sflag:s0] =	ssyncset.done @!p0 $0x0  }
0x406: {  	[sflag:s0] =	ssyncadd.s32 @!p0 s1  }
0x407: {  	[bflag:$0x3] =	sbarrier.arrive $0xFFFF  }
0x408: {  	_ =	shalt  }

</sc_bundles>
